<compile_context>
chip_gen: v7x
topology: tpu7x:2x2x1
jax: 0.10.2.dev20260603
libtpu: 0.0.44.dev20260713+nightly
codegen_flags: <defaults>
</compile_context>

<pallas_src>
import functools

import jax
import jax.numpy as jnp
from jax import lax
from jax.experimental import pallas as pl
from jax.experimental.pallas import tpu as pltpu
from jax.experimental.pallas import tpu_sc as plsc

N = 10000
NPAD = 10240
E = 320000
D = 128
CH = 100
CHD = 125
G = 10
NBUF = 3
NC = 2
NS = 16
RPT = NPAD // NS

_mesh = plsc.VectorSubcoreMesh(core_axis_name="c", subcore_axis_name="s")
_f32 = jnp.float32



@functools.partial(
    pl.kernel,
    mesh=_mesh,
    out_type=[jax.ShapeDtypeStruct((NPAD,), _f32),
              jax.ShapeDtypeStruct((NPAD,), _f32)],
    scratch_types=[
        pltpu.VMEM((E // (NC * NS * CHD), CHD), jnp.int32),
        pltpu.VMEM((128,), _f32),
        pltpu.VMEM((RPT,), _f32),
        pltpu.VMEM_SHARED((NPAD,), _f32),
        pltpu.SemaphoreType.DMA,
    ],
)
def _deg_kernel(dst_hbm, deg_a, deg_b, dst_v, ones_v, zero_v, acc, sem):
    c = lax.axis_index("c")
    s = lax.axis_index("s")
    rows = E // (NC * NS * CHD)
    wid = s * NC + c

    def fill_ones(i, _):
        ones_v[pl.ds(i * 16, 16)] = jnp.ones((16,), _f32)
        return 0

    lax.fori_loop(0, 8, fill_ones, 0)

    def fill_zero(i, _):
        zero_v[pl.ds(i * 16, 16)] = jnp.zeros((16,), _f32)
        return 0

    lax.fori_loop(0, RPT // 16, fill_zero, 0)

    nsl = pl.ds(s * RPT, RPT)
    pltpu.sync_copy(zero_v, acc.at[nsl])
    pltpu.sync_copy(dst_hbm.at[wid], dst_v)
    plsc.subcore_barrier()

    def body(j, _):
        pltpu.async_copy(ones_v.at[pl.ds(0, CHD)], acc.at[dst_v.at[j]], sem,
                         add=True)
        return 0

    lax.fori_loop(0, rows, body, 0)

    def drain(j, _):
        pltpu.make_async_copy(ones_v.at[pl.ds(0, CHD)], acc.at[dst_v.at[j]],
                              sem).wait()
        return 0

    lax.fori_loop(0, rows, drain, 0)
    plsc.subcore_barrier()

    @pl.when(c == 0)
    def _():
        pltpu.sync_copy(acc.at[nsl], deg_a.at[nsl])

    @pl.when(c == 1)
    def _():
        pltpu.sync_copy(acc.at[nsl], deg_b.at[nsl])


def _make_agg(split_edges_by_core: bool):
    rows = E // (NC * NS * CH) if split_edges_by_core else E // (NS * CH)

    @functools.partial(
        pl.kernel,
        mesh=_mesh,
        out_type=[jax.ShapeDtypeStruct((NPAD, D), _f32),
                  jax.ShapeDtypeStruct((NPAD, D), _f32)],
        scratch_types=[
            pltpu.VMEM((2 * G, 1, CH), jnp.int32),
            pltpu.VMEM((2 * G, 1, CH), jnp.int32),
            pltpu.VMEM((NBUF, CH, D), _f32),
            pltpu.VMEM_SHARED((NPAD, D), _f32),
            pltpu.SemaphoreType.DMA,
            pltpu.SemaphoreType.DMA,
            pltpu.SemaphoreType.DMA,
        ],
    )
    def agg(src_hbm, dst_hbm, table_a, table_b, out_a, out_b,
            src_v, dst_v, rows_v, acc, gsem, ssem, isem):
        c = lax.axis_index("c")
        s = lax.axis_index("s")
        if split_edges_by_core:
            tid = s * NC + c
        else:
            tid = s
        nsl = pl.ds(s * RPT, RPT)

        def run(table, out):
            src_t = src_hbm.at[tid]
            dst_t = dst_hbm.at[tid]

            def stage(g):
                half = lax.rem(g, 2) * G
                gsl = pl.ds(g * G, G)
                vsl = pl.ds(half, G)
                return (pltpu.make_async_copy(src_t.at[gsl], src_v.at[vsl], isem),
                        pltpu.make_async_copy(dst_t.at[gsl], dst_v.at[vsl], isem))

            def gather(j):
                slot = lax.rem(j, 2 * G)
                return pltpu.make_async_copy(
                    table.at[src_v.at[slot].at[0]],
                    rows_v.at[lax.rem(j, NBUF)], gsem)

            def scatter_start(j):
                slot = lax.rem(j, 2 * G)
                pltpu.async_copy(rows_v.at[lax.rem(j, NBUF)],
                                 acc.at[dst_v.at[slot].at[0]], ssem, add=True)

            def scatter_wait(j):
                slot = lax.rem(j, 2 * G)
                pltpu.make_async_copy(rows_v.at[lax.rem(j, NBUF)],
                                      acc.at[dst_v.at[slot].at[0]], ssem).wait()

            for d in stage(0):
                d.start()
            pltpu.sync_copy(table.at[nsl], acc.at[nsl])
            for d in stage(0):
                d.wait()
            plsc.subcore_barrier()
            gather(0).start()
            gather(1).start()

            def body(j, _):
                @pl.when(jnp.logical_and(lax.rem(j, G) == 0, j + G < rows))
                def _():
                    for d in stage(j // G + 1):
                        d.start()

                @pl.when(j + 2 < rows)
                def _():
                    @pl.when(j >= 1)
                    def _():
                        scatter_wait(j - 1)

                    @pl.when(lax.rem(j + 2, G) == 0)
                    def _():
                        for d in stage((j + 2) // G):
                            d.wait()

                    gather(j + 2).start()

                gather(j).wait()
                scatter_start(j)
                return 0

            lax.fori_loop(0, rows, body, 0)
            for k in range(3):
                scatter_wait(rows - 3 + k)
            plsc.subcore_barrier()
            pltpu.sync_copy(acc.at[nsl], out.at[nsl])

        @pl.when(c == 0)
        def _():
            run(table_a, out_a)

        @pl.when(c == 1)
        def _():
            run(table_b, out_b)

    return agg


_agg_edge_split = _make_agg(True)



def _tca_body(x_ref, d0_ref, d1_ref, out_ref):
    dinv = lax.rsqrt(d0_ref[...] + d1_ref[...] + 1.0)
    out_ref[...] = x_ref[...] * dinv


def _tcb_body(aa_ref, ab_ref, xs_ref, d0_ref, d1_ref, b1_ref,
              w1_ref, w2_ref, out_ref):
    dinv = lax.rsqrt(d0_ref[...] + d1_ref[...] + 1.0)
    u = (aa_ref[...] + ab_ref[...] - xs_ref[...]) * dinv
    h1 = jnp.maximum(
        jnp.dot(u, w1_ref[...], preferred_element_type=_f32) + b1_ref[...], 0.0)
    out_ref[...] = jnp.dot(h1, w2_ref[...], preferred_element_type=_f32) * dinv


def _tc3_body(aa_ref, ab_ref, h2_ref, d0_ref, d1_ref, b2_ref, out_ref):
    dinv = lax.rsqrt(d0_ref[...] + d1_ref[...] + 1.0)
    out_ref[...] = ((aa_ref[...] + ab_ref[...] - h2_ref[...]) * dinv
                    + b2_ref[...])


_BN = 640


def _row_spec(width):
    return pl.BlockSpec((_BN, width), lambda i: (i, 0))


def _full_spec(shape):
    return pl.BlockSpec(shape, lambda i: (0,) * len(shape))


def _tca(x_pad, d0, d1):
    return pl.pallas_call(
        _tca_body,
        grid=(NPAD // _BN,),
        in_specs=[_row_spec(D), _row_spec(1), _row_spec(1)],
        out_specs=_row_spec(D),
        out_shape=jax.ShapeDtypeStruct((NPAD, D), _f32),
    )(x_pad, d0, d1)


def _tcb(aa, ab, xs, d0, d1, b1, w1, w2):
    return pl.pallas_call(
        _tcb_body,
        grid=(NPAD // _BN,),
        in_specs=[_row_spec(D), _row_spec(D), _row_spec(D),
                  _row_spec(1), _row_spec(1), _full_spec((1, 2 * D)),
                  _full_spec((D, 2 * D)), _full_spec((2 * D, D))],
        out_specs=_row_spec(D),
        out_shape=jax.ShapeDtypeStruct((NPAD, D), _f32),
    )(aa, ab, xs, d0, d1, b1, w1, w2)


def _tc3(aa, ab, h2, d0, d1, b2):
    return pl.pallas_call(
        _tc3_body,
        grid=(NPAD // _BN,),
        in_specs=[_row_spec(D), _row_spec(D), _row_spec(D),
                  _row_spec(1), _row_spec(1), _full_spec((1, D))],
        out_specs=_row_spec(D),
        out_shape=jax.ShapeDtypeStruct((NPAD, D), _f32),
    )(aa, ab, h2, d0, d1, b2)



def kernel(x, edge_index, W1, b1, W2, b2):
    src32 = edge_index[0].reshape(NC * NS, E // (NC * NS * CH), 1, CH)
    dst32 = edge_index[1].reshape(NC * NS, E // (NC * NS * CH), 1, CH)
    dst_deg = edge_index[1].reshape(NC * NS, E // (NC * NS * CHD), CHD)
    x_pad = jnp.pad(x, ((0, NPAD - N), (0, 0)))

    deg_a, deg_b = _deg_kernel(dst_deg)
    d0 = deg_a[:, None]
    d1 = deg_b[:, None]

    xs = _tca(x_pad, d0, d1)
    agg1a, agg1b = _agg_edge_split(src32, dst32, xs, xs)

    h2 = _tcb(agg1a, agg1b, xs, d0, d1, b1.reshape(1, 2 * D), W1, W2)
    agg2a, agg2b = _agg_edge_split(src32, dst32, h2, h2)

    out = _tc3(agg2a, agg2b, h2, d0, d1, b2.reshape(1, D))
    return out[:N]

# --- scband reference (transcript-rebuilt; emitter-appended) ---
"""Pipeline reference for scband-gcnencoder-9268539425058 (READ-ONLY COPY).

The authoritative reference and input builder live on the scoring server;
editing this copy changes nothing except your own understanding.
"""

import jax, jax.numpy as jnp
import numpy as np

N = 10000
E = 320000
D_IN = 128
D_OUT = 128
D_HID = 2 * D_OUT


def setup_inputs(seed: int = 0) -> dict:
    key = jax.random.key(seed)
    k1, k2, k3, k4, k5, k6 = jax.random.split(key, 6)
    x = jax.random.normal(k1, (N, D_IN), dtype=jnp.float32)
    edge_index = jax.random.randint(k2, (2, E), 0, N, dtype=jnp.int32)
    # GCNConv weights (glorot-style scale) and biases
    W1 = jax.random.normal(k3, (D_IN, D_HID), dtype=jnp.float32) * (1.0 / np.sqrt(D_IN))
    b1 = jnp.zeros((D_HID,), dtype=jnp.float32)
    W2 = jax.random.normal(k4, (D_HID, D_OUT), dtype=jnp.float32) * (1.0 / np.sqrt(D_HID))
    b2 = jnp.zeros((D_OUT,), dtype=jnp.float32)
    return {"x": x, "edge_index": edge_index, "W1": W1, "b1": b1, "W2": W2, "b2": b2}


def _gcn_conv(x, W, b, edge_index):
    # Faithful GCNConv: add self-loops, symmetric deg^{-1/2} normalization,
    # linear transform, scatter-add aggregation, bias after aggregation.
    n = x.shape[0]
    src = edge_index[0]
    dst = edge_index[1]
    loop = jnp.arange(n, dtype=src.dtype)
    src = jnp.concatenate([src, loop])
    dst = jnp.concatenate([dst, loop])
    h = x @ W
    deg = jnp.zeros((n,), dtype=jnp.float32).at[dst].add(1.0)
    dinv_sqrt = jnp.where(deg > 0, jax.lax.rsqrt(jnp.maximum(deg, 1e-12)), 0.0)
    norm = dinv_sqrt[src] * dinv_sqrt[dst]
    msg = h[src] * norm[:, None]
    out = jnp.zeros((n, h.shape[1]), dtype=h.dtype).at[dst].add(msg)
    return out + b


def reference(x, edge_index, W1, b1, W2, b2):
    h = _gcn_conv(x, W1, b1, edge_index)
    h = jax.nn.relu(h)
    out = _gcn_conv(h, W2, b2, edge_index)
    return out

if __name__ == "__main__":
    import jax
    _d = setup_inputs()
    print(jax.jit(kernel)(*tuple(_d.values())))

</pallas_src>

<mosaic_0001>
#map = affine_map<(d0, d1) -> (0, 0, 0, 0)>
#map1 = affine_map<(d0, d1) -> (0, 0)>
module attributes {stable_mosaic.version = 14 : i64} {
  func.func @agg(%arg0: i32, %arg1: i32, %arg2: memref<32x100x1x100xi32, #tpu.memory_space<hbm>>, %arg3: memref<32x100x1x100xi32, #tpu.memory_space<hbm>>, %arg4: memref<10240x128xf32, #tpu.memory_space<hbm>>, %arg5: memref<10240x128xf32, #tpu.memory_space<hbm>>, %arg6: memref<10240x128xf32, #tpu.memory_space<hbm>>, %arg7: memref<10240x128xf32, #tpu.memory_space<hbm>>, %arg8: memref<20x1x100xi32, #tpu.memory_space<vmem>>, %arg9: memref<20x1x100xi32, #tpu.memory_space<vmem>>, %arg10: memref<3x100x128xf32, #tpu.memory_space<vmem>>, %arg11: memref<10240x128xf32, #tpu.memory_space<vmem_shared>>, %arg12: memref<!tpu.dma_semaphore, #tpu.memory_space<semaphore_mem>>, %arg13: memref<!tpu.dma_semaphore, #tpu.memory_space<semaphore_mem>>, %arg14: memref<!tpu.dma_semaphore, #tpu.memory_space<semaphore_mem>>) attributes {dimension_semantics = [#tpu.dimension_semantics<core_parallel>, #tpu.dimension_semantics<subcore_parallel>], iteration_bounds = array<i64: 2, 16>, scalar_prefetch = 0 : i64, scratch_operands = 7 : i64, tpu.core_type = #tpu.core_type<sc_vector_subcore>, window_params = [{transform_indices = #map}, {transform_indices = #map}, {transform_indices = #map1}, {transform_indices = #map1}, {transform_indices = #map1}, {transform_indices = #map1}]} {
    %mul3A = arith.constant 2 : i32
    %mul3A_0 = arith.muli %arg1, %mul3A : i32
    %add3A = arith.addi %mul3A_0, %arg0 : i32
    %mul3A_1 = arith.constant 640 : i32
    %mul3A_2 = arith.muli %arg1, %mul3A_1 : i32
    %eq3A = arith.constant 0 : i32
    %eq3A_3 = arith.cmpi eq, %arg0, %eq3A : i32
    %convert_element_type3A = arith.extui %eq3A_3 : i1 to i32
    %cond3A = arith.constant 0 : i32
    %cond3A_4 = arith.cmpi ne, %convert_element_type3A, %cond3A : i32
    scf.if %cond3A_4 {
      %rem3A = arith.constant 0 : i32
      %rem3A_10 = arith.constant 2 : i32
      %rem3A_11 = arith.remsi %rem3A, %rem3A_10 : i32
      %mul3A_12 = arith.constant 10 : i32
      %mul3A_13 = arith.muli %rem3A_11, %mul3A_12 : i32
      %dma_start3A = arith.constant 0 : i32
      %dma_start3A_14 = arith.constant 0 : i32
      %dma_start3A_15 = tpu.memref_slice %arg8[%mul3A_13, %dma_start3A, %dma_start3A_14] : memref<20x1x100xi32, #tpu.memory_space<vmem>> -> memref<10x1x100xi32, #tpu.memory_space<vmem>>
      %dma_start3A_16 = arith.constant 0 : i32
      %dma_start3A_17 = arith.constant 0 : i32
      %dma_start3A_18 = arith.constant 0 : i32
      %dma_start3A_19 = tpu.memref_slice %arg2[%add3A, %dma_start3A_16, %dma_start3A_17, %dma_start3A_18] : memref<32x100x1x100xi32, #tpu.memory_space<hbm>> -> memref<1x100x1x100xi32, #tpu.memory_space<hbm>>
      %dma_start3A_20 = tpu.memref_squeeze %dma_start3A_19 : memref<1x100x1x100xi32, #tpu.memory_space<hbm>> -> memref<100x1x100xi32, #tpu.memory_space<hbm>>
      %dma_start3A_21 = arith.constant 0 : i32
      %dma_start3A_22 = arith.constant 0 : i32
      %dma_start3A_23 = arith.constant 0 : i32
      %dma_start3A_24 = tpu.memref_slice %dma_start3A_20[%dma_start3A_21, %dma_start3A_22, %dma_start3A_23] : memref<100x1x100xi32, #tpu.memory_space<hbm>> -> memref<10x1x100xi32, #tpu.memory_space<hbm>>
      %dma_start3A_25 = arith.constant 0 : i32
      %dma_start3A_26 = arith.constant 0 : i32
      %dma_start3A_27 = tpu.memref_slice %arg8[%mul3A_13, %dma_start3A_25, %dma_start3A_26] : memref<20x1x100xi32, #tpu.memory_space<vmem>> -> memref<10x1x100xi32, #tpu.memory_space<vmem>>
      %dma_start3A_28 = arith.constant 0 : i32
      %dma_start3A_29 = arith.constant 0 : i32
      %dma_start3A_30 = arith.constant 0 : i32
      %dma_start3A_31 = tpu.memref_slice %arg2[%add3A, %dma_start3A_28, %dma_start3A_29, %dma_start3A_30] : memref<32x100x1x100xi32, #tpu.memory_space<hbm>> -> memref<1x100x1x100xi32, #tpu.memory_space<hbm>>
      %dma_start3A_32 = tpu.memref_squeeze %dma_start3A_31 : memref<1x100x1x100xi32, #tpu.memory_space<hbm>> -> memref<100x1x100xi32, #tpu.memory_space<hbm>>
      %dma_start3A_33 = arith.constant 0 : i32
      %dma_start3A_34 = arith.constant 0 : i32
      %dma_start3A_35 = arith.constant 0 : i32
      %dma_start3A_36 = tpu.memref_slice %dma_start3A_32[%dma_start3A_33, %dma_start3A_34, %dma_start3A_35] : memref<100x1x100xi32, #tpu.memory_space<hbm>> -> memref<10x1x100xi32, #tpu.memory_space<hbm>>
      tpu.enqueue_dma source(%dma_start3A_36 : memref<10x1x100xi32, #tpu.memory_space<hbm>>) target(%dma_start3A_27 : memref<10x1x100xi32, #tpu.memory_space<vmem>>) target_semaphore(%arg14 : memref<!tpu.dma_semaphore, #tpu.memory_space<semaphore_mem>>)
      %dma_start3A_37 = arith.constant 0 : i32
      %dma_start3A_38 = arith.constant 0 : i32
      %dma_start3A_39 = tpu.memref_slice %arg9[%mul3A_13, %dma_start3A_37, %dma_start3A_38] : memref<20x1x100xi32, #tpu.memory_space<vmem>> -> memref<10x1x100xi32, #tpu.memory_space<vmem>>
      %dma_start3A_40 = arith.constant 0 : i32
      %dma_start3A_41 = arith.constant 0 : i32
      %dma_start3A_42 = arith.constant 0 : i32
      %dma_start3A_43 = tpu.memref_slice %arg3[%add3A, %dma_start3A_40, %dma_start3A_41, %dma_start3A_42] : memref<32x100x1x100xi32, #tpu.memory_space<hbm>> -> memref<1x100x1x100xi32, #tpu.memory_space<hbm>>
      %dma_start3A_44 = tpu.memref_squeeze %dma_start3A_43 : memref<1x100x1x100xi32, #tpu.memory_space<hbm>> -> memref<100x1x100xi32, #tpu.memory_space<hbm>>
      %dma_start3A_45 = arith.constant 0 : i32
      %dma_start3A_46 = arith.constant 0 : i32
      %dma_start3A_47 = arith.constant 0 : i32
      %dma_start3A_48 = tpu.memref_slice %dma_start3A_44[%dma_start3A_45, %dma_start3A_46, %dma_start3A_47] : memref<100x1x100xi32, #tpu.memory_space<hbm>> -> memref<10x1x100xi32, #tpu.memory_space<hbm>>
      %dma_start3A_49 = arith.constant 0 : i32
      %dma_start3A_50 = arith.constant 0 : i32
      %dma_start3A_51 = tpu.memref_slice %arg9[%mul3A_13, %dma_start3A_49, %dma_start3A_50] : memref<20x1x100xi32, #tpu.memory_space<vmem>> -> memref<10x1x100xi32, #tpu.memory_space<vmem>>
      %dma_start3A_52 = arith.constant 0 : i32
      %dma_start3A_53 = arith.constant 0 : i32
      %dma_start3A_54 = arith.constant 0 : i32
      %dma_start3A_55 = tpu.memref_slice %arg3[%add3A, %dma_start3A_52, %dma_start3A_53, %dma_start3A_54] : memref<32x100x1x100xi32, #tpu.memory_space<hbm>> -> memref<1x100x1x100xi32, #tpu.memory_space<hbm>>
      %dma_start3A_56 = tpu.memref_squeeze %dma_start3A_55 : memref<1x100x1x100xi32, #tpu.memory_space<hbm>> -> memref<100x1x100xi32, #tpu.memory_space<hbm>>
      %dma_start3A_57 = arith.constant 0 : i32
      %dma_start3A_58 = arith.constant 0 : i32
      %dma_start3A_59 = arith.constant 0 : i32
      %dma_start3A_60 = tpu.memref_slice %dma_start3A_56[%dma_start3A_57, %dma_start3A_58, %dma_start3A_59] : memref<100x1x100xi32, #tpu.memory_space<hbm>> -> memref<10x1x100xi32, #tpu.memory_space<hbm>>
      tpu.enqueue_dma source(%dma_start3A_60 : memref<10x1x100xi32, #tpu.memory_space<hbm>>) target(%dma_start3A_51 : memref<10x1x100xi32, #tpu.memory_space<vmem>>) target_semaphore(%arg14 : memref<!tpu.dma_semaphore, #tpu.memory_space<semaphore_mem>>)
      "tpu.region"() ({
        %run_scoped3A = tpu.sem_alloc : memref<!tpu.dma_semaphore, #tpu.memory_space<semaphore_mem>>
        %dma_start3A_225 = arith.constant 0 : i32
        %dma_start3A_226 = tpu.memref_slice %arg11[%mul3A_2, %dma_start3A_225] : memref<10240x128xf32, #tpu.memory_space<vmem_shared>> -> memref<640x128xf32, #tpu.memory_space<vmem_shared>>
        %dma_start3A_227 = arith.constant 0 : i32
        %dma_start3A_228 = tpu.memref_slice %arg4[%mul3A_2, %dma_start3A_227] : memref<10240x128xf32, #tpu.memory_space<hbm>> -> memref<640x128xf32, #tpu.memory_space<hbm>>
        tpu.enqueue_dma source(%dma_start3A_228 : memref<640x128xf32, #tpu.memory_space<hbm>>) target(%dma_start3A_226 : memref<640x128xf32, #tpu.memory_space<vmem_shared>>) target_semaphore(%run_scoped3A : memref<!tpu.dma_semaphore, #tpu.memory_space<semaphore_mem>>)
        %dma_wait3A_229 = arith.constant 0 : i32
        %dma_wait3A_230 = tpu.memref_slice %arg11[%mul3A_2, %dma_wait3A_229] : memref<10240x128xf32, #tpu.memory_space<vmem_shared>> -> memref<640x128xf32, #tpu.memory_space<vmem_shared>>
        %dma_wait3A_231 = arith.constant 0 : i32
        %dma_wait3A_232 = tpu.memref_slice %arg4[%mul3A_2, %dma_wait3A_231] : memref<10240x128xf32, #tpu.memory_space<hbm>> -> memref<640x128xf32, #tpu.memory_space<hbm>>
        tpu.wait_dma2 semaphore(%run_scoped3A : memref<!tpu.dma_semaphore, #tpu.memory_space<semaphore_mem>>) src(%dma_wait3A_232 : memref<640x128xf32, #tpu.memory_space<hbm>>) dst(%dma_wait3A_230 : memref<640x128xf32, #tpu.memory_space<vmem_shared>>)
        tpu.yield
      }) : () -> ()
      %rem3A_61 = arith.constant 0 : i32
      %rem3A_62 = arith.constant 2 : i32
      %rem3A_63 = arith.remsi %rem3A_61, %rem3A_62 : i32
      %mul3A_64 = arith.constant 10 : i32
      %mul3A_65 = arith.muli %rem3A_63, %mul3A_64 : i32
      %dma_wait3A = arith.constant 0 : i32
      %dma_wait3A_66 = arith.constant 0 : i32
      %dma_wait3A_67 = tpu.memref_slice %arg8[%mul3A_65, %dma_wait3A, %dma_wait3A_66] : memref<20x1x100xi32, #tpu.memory_space<vmem>> -> memref<10x1x100xi32, #tpu.memory_space<vmem>>
      %dma_wait3A_68 = arith.constant 0 : i32
      %dma_wait3A_69 = arith.constant 0 : i32
      %dma_wait3A_70 = arith.constant 0 : i32
      %dma_wait3A_71 = tpu.memref_slice %arg2[%add3A, %dma_wait3A_68, %dma_wait3A_69, %dma_wait3A_70] : memref<32x100x1x100xi32, #tpu.memory_space<hbm>> -> memref<1x100x1x100xi32, #tpu.memory_space<hbm>>
      %dma_wait3A_72 = tpu.memref_squeeze %dma_wait3A_71 : memref<1x100x1x100xi32, #tpu.memory_space<hbm>> -> memref<100x1x100xi32, #tpu.memory_space<hbm>>
      %dma_wait3A_73 = arith.constant 0 : i32
      %dma_wait3A_74 = arith.constant 0 : i32
      %dma_wait3A_75 = arith.constant 0 : i32
      %dma_wait3A_76 = tpu.memref_slice %dma_wait3A_72[%dma_wait3A_73, %dma_wait3A_74, %dma_wait3A_75] : memref<100x1x100xi32, #tpu.memory_space<hbm>> -> memref<10x1x100xi32, #tpu.memory_space<hbm>>
      %dma_wait3A_77 = arith.constant 0 : i32
      %dma_wait3A_78 = arith.constant 0 : i32
      %dma_wait3A_79 = tpu.memref_slice %arg8[%mul3A_65, %dma_wait3A_77, %dma_wait3A_78] : memref<20x1x100xi32, #tpu.memory_space<vmem>> -> memref<10x1x100xi32, #tpu.memory_space<vmem>>
      %dma_wait3A_80 = arith.constant 0 : i32
      %dma_wait3A_81 = arith.constant 0 : i32
      %dma_wait3A_82 = arith.constant 0 : i32
      %dma_wait3A_83 = tpu.memref_slice %arg2[%add3A, %dma_wait3A_80, %dma_wait3A_81, %dma_wait3A_82] : memref<32x100x1x100xi32, #tpu.memory_space<hbm>> -> memref<1x100x1x100xi32, #tpu.memory_space<hbm>>
      %dma_wait3A_84 = tpu.memref_squeeze %dma_wait3A_83 : memref<1x100x1x100xi32, #tpu.memory_space<hbm>> -> memref<100x1x100xi32, #tpu.memory_space<hbm>>
      %dma_wait3A_85 = arith.constant 0 : i32
      %dma_wait3A_86 = arith.constant 0 : i32
      %dma_wait3A_87 = arith.constant 0 : i32
      %dma_wait3A_88 = tpu.memref_slice %dma_wait3A_84[%dma_wait3A_85, %dma_wait3A_86, %dma_wait3A_87] : memref<100x1x100xi32, #tpu.memory_space<hbm>> -> memref<10x1x100xi32, #tpu.memory_space<hbm>>
      tpu.wait_dma2 semaphore(%arg14 : memref<!tpu.dma_semaphore, #tpu.memory_space<semaphore_mem>>) src(%dma_wait3A_88 : memref<10x1x100xi32, #tpu.memory_space<hbm>>) dst(%dma_wait3A_79 : memref<10x1x100xi32, #tpu.memory_space<vmem>>)
      %dma_wait3A_89 = arith.constant 0 : i32
      %dma_wait3A_90 = arith.constant 0 : i32
      %dma_wait3A_91 = tpu.memref_slice %arg9[%mul3A_65, %dma_wait3A_89, %dma_wait3A_90] : memref<20x1x100xi32, #tpu.memory_space<vmem>> -> memref<10x1x100xi32, #tpu.memory_space<vmem>>
      %dma_wait3A_92 = arith.constant 0 : i32
      %dma_wait3A_93 = arith.constant 0 : i32
      %dma_wait3A_94 = arith.constant 0 : i32
      %dma_wait3A_95 = tpu.memref_slice %arg3[%add3A, %dma_wait3A_92, %dma_wait3A_93, %dma_wait3A_94] : memref<32x100x1x100xi32, #tpu.memory_space<hbm>> -> memref<1x100x1x100xi32, #tpu.memory_space<hbm>>
      %dma_wait3A_96 = tpu.memref_squeeze %dma_wait3A_95 : memref<1x100x1x100xi32, #tpu.memory_space<hbm>> -> memref<100x1x100xi32, #tpu.memory_space<hbm>>
      %dma_wait3A_97 = arith.constant 0 : i32
      %dma_wait3A_98 = arith.constant 0 : i32
      %dma_wait3A_99 = arith.constant 0 : i32
      %dma_wait3A_100 = tpu.memref_slice %dma_wait3A_96[%dma_wait3A_97, %dma_wait3A_98, %dma_wait3A_99] : memref<100x1x100xi32, #tpu.memory_space<hbm>> -> memref<10x1x100xi32, #tpu.memory_space<hbm>>
      %dma_wait3A_101 = arith.constant 0 : i32
      %dma_wait3A_102 = arith.constant 0 : i32
      %dma_wait3A_103 = tpu.memref_slice %arg9[%mul3A_65, %dma_wait3A_101, %dma_wait3A_102] : memref<20x1x100xi32, #tpu.memory_space<vmem>> -> memref<10x1x100xi32, #tpu.memory_space<vmem>>
      %dma_wait3A_104 = arith.constant 0 : i32
      %dma_wait3A_105 = arith.constant 0 : i32
      %dma_wait3A_106 = arith.constant 0 : i32
      %dma_wait3A_107 = tpu.memref_slice %arg3[%add3A, %dma_wait3A_104, %dma_wait3A_105, %dma_wait3A_106] : memref<32x100x1x100xi32, #tpu.memory_space<hbm>> -> memref<1x100x1x100xi32, #tpu.memory_space<hbm>>
      %dma_wait3A_108 = tpu.memref_squeeze %dma_wait3A_107 : memref<1x100x1x100xi32, #tpu.memory_space<hbm>> -> memref<100x1x100xi32, #tpu.memory_space<hbm>>
      %dma_wait3A_109 = arith.constant 0 : i32
      %dma_wait3A_110 = arith.constant 0 : i32
      %dma_wait3A_111 = arith.constant 0 : i32
      %dma_wait3A_112 = tpu.memref_slice %dma_wait3A_108[%dma_wait3A_109, %dma_wait3A_110, %dma_wait3A_111] : memref<100x1x100xi32, #tpu.memory_space<hbm>> -> memref<10x1x100xi32, #tpu.memory_space<hbm>>
      tpu.wait_dma2 semaphore(%arg14 : memref<!tpu.dma_semaphore, #tpu.memory_space<semaphore_mem>>) src(%dma_wait3A_112 : memref<10x1x100xi32, #tpu.memory_space<hbm>>) dst(%dma_wait3A_103 : memref<10x1x100xi32, #tpu.memory_space<vmem>>)
      %barrier3A = arith.constant 0 : index
      tpu.barrier barrier_id(%barrier3A)
      %rem3A_113 = arith.constant 0 : i32
      %rem3A_114 = arith.constant 20 : i32
      %rem3A_115 = arith.remsi %rem3A_113, %rem3A_114 : i32
      %rem3A_116 = arith.constant 0 : i32
      %rem3A_117 = arith.constant 3 : i32
      %rem3A_118 = arith.remsi %rem3A_116, %rem3A_117 : i32
      %dma_start3A_119 = arith.constant 0 : i32
      %dma_start3A_120 = arith.constant 0 : i32
      %dma_start3A_121 = arith.constant 0 : i32
      %dma_start3A_122 = tpu.memref_slice %arg10[%rem3A_118, %dma_start3A_120, %dma_start3A_121] : memref<3x100x128xf32, #tpu.memory_space<vmem>> -> memref<1x100x128xf32, #tpu.memory_space<vmem>>
      %dma_start3A_123 = tpu.memref_squeeze %dma_start3A_122 : memref<1x100x128xf32, #tpu.memory_space<vmem>> -> memref<100x128xf32, #tpu.memory_space<vmem>>
      %dma_start3A_124 = arith.constant 0 : i32
      %dma_start3A_125 = arith.constant 0 : i32
      %dma_start3A_126 = tpu.memref_slice %arg8[%rem3A_115, %dma_start3A_124, %dma_start3A_125] : memref<20x1x100xi32, #tpu.memory_space<vmem>> -> memref<1x1x100xi32, #tpu.memory_space<vmem>>
      %dma_start3A_127 = tpu.memref_squeeze %dma_start3A_126 : memref<1x1x100xi32, #tpu.memory_space<vmem>> -> memref<1x100xi32, #tpu.memory_space<vmem>>
      %dma_start3A_128 = arith.constant 0 : i32
      %dma_start3A_129 = tpu.memref_slice %dma_start3A_127[%dma_start3A_119, %dma_start3A_128] : memref<1x100xi32, #tpu.memory_space<vmem>> -> memref<1x100xi32, #tpu.memory_space<vmem>>
      %dma_start3A_130 = tpu.memref_squeeze %dma_start3A_129 : memref<1x100xi32, #tpu.memory_space<vmem>> -> memref<100xi32, #tpu.memory_space<vmem>>
      %dma_start3A_131 = arith.constant 0 : i32
      %dma_start3A_132 = arith.constant 0 : i32
      %dma_start3A_133 = tpu.memref_slice %arg4[%dma_start3A_131, %dma_start3A_132] : memref<10240x128xf32, #tpu.memory_space<hbm>> -> memref<10240x128xf32, #tpu.memory_space<hbm>>
      tpu.enqueue_indirect_dma source(%dma_start3A_133 : memref<10240x128xf32, #tpu.memory_space<hbm>>) target(%dma_start3A_123 : memref<100x128xf32, #tpu.memory_space<vmem>>) offsets(%dma_start3A_130 : memref<100xi32, #tpu.memory_space<vmem>>) semaphore(%arg12 : memref<!tpu.dma_semaphore, #tpu.memory_space<semaphore_mem>>)
      %rem3A_134 = arith.constant 1 : i32
      %rem3A_135 = arith.constant 20 : i32
      %rem3A_136 = arith.remsi %rem3A_134, %rem3A_135 : i32
      %rem3A_137 = arith.constant 1 : i32
      %rem3A_138 = arith.constant 3 : i32
      %rem3A_139 = arith.remsi %rem3A_137, %rem3A_138 : i32
      %dma_start3A_140 = arith.constant 0 : i32
      %dma_start3A_141 = arith.constant 0 : i32
      %dma_start3A_142 = arith.constant 0 : i32
      %dma_start3A_143 = tpu.memref_slice %arg10[%rem3A_139, %dma_start3A_141, %dma_start3A_142] : memref<3x100x128xf32, #tpu.memory_space<vmem>> -> memref<1x100x128xf32, #tpu.memory_space<vmem>>
      %dma_start3A_144 = tpu.memref_squeeze %dma_start3A_143 : memref<1x100x128xf32, #tpu.memory_space<vmem>> -> memref<100x128xf32, #tpu.memory_space<vmem>>
      %dma_start3A_145 = arith.constant 0 : i32
      %dma_start3A_146 = arith.constant 0 : i32
      %dma_start3A_147 = tpu.memref_slice %arg8[%rem3A_136, %dma_start3A_145, %dma_start3A_146] : memref<20x1x100xi32, #tpu.memory_space<vmem>> -> memref<1x1x100xi32, #tpu.memory_space<vmem>>
      %dma_start3A_148 = tpu.memref_squeeze %dma_start3A_147 : memref<1x1x100xi32, #tpu.memory_space<vmem>> -> memref<1x100xi32, #tpu.memory_space<vmem>>
      %dma_start3A_149 = arith.constant 0 : i32
      %dma_start3A_150 = tpu.memref_slice %dma_start3A_148[%dma_start3A_140, %dma_start3A_149] : memref<1x100xi32, #tpu.memory_space<vmem>> -> memref<1x100xi32, #tpu.memory_space<vmem>>
      %dma_start3A_151 = tpu.memref_squeeze %dma_start3A_150 : memref<1x100xi32, #tpu.memory_space<vmem>> -> memref<100xi32, #tpu.memory_space<vmem>>
      %dma_start3A_152 = arith.constant 0 : i32
      %dma_start3A_153 = arith.constant 0 : i32
      %dma_start3A_154 = tpu.memref_slice %arg4[%dma_start3A_152, %dma_start3A_153] : memref<10240x128xf32, #tpu.memory_space<hbm>> -> memref<10240x128xf32, #tpu.memory_space<hbm>>
      tpu.enqueue_indirect_dma source(%dma_start3A_154 : memref<10240x128xf32, #tpu.memory_space<hbm>>) target(%dma_start3A_144 : memref<100x128xf32, #tpu.memory_space<vmem>>) offsets(%dma_start3A_151 : memref<100xi32, #tpu.memory_space<vmem>>) semaphore(%arg12 : memref<!tpu.dma_semaphore, #tpu.memory_space<semaphore_mem>>)
      %scan3A = arith.constant 0 : i32
      %scan3A_155 = arith.constant 0 : i32
      %scan3A_156 = arith.constant 100 : i32
      %scan3A_157 = arith.addi %scan3A_155, %scan3A_156 : i32
      %scan3A_158 = arith.constant 1 : i32
      %scan3A_159 = scf.for %scan3A_225 = %scan3A_155 to %scan3A_157 step %scan3A_158 iter_args(%scan3A_226 = %scan3A) -> (i32)  : i32 {
        %rem3A_227 = arith.constant 10 : i32
        %rem3A_228 = arith.remsi %scan3A_225, %rem3A_227 : i32
        %eq3A_229 = arith.constant 0 : i32
        %eq3A_230 = arith.cmpi eq, %rem3A_228, %eq3A_229 : i32
        %add3A_231 = arith.constant 10 : i32
        %add3A_232 = arith.addi %scan3A_225, %add3A_231 : i32
        %lt3A = arith.constant 100 : i32
        %lt3A_233 = arith.cmpi slt, %add3A_232, %lt3A : i32
        %and3A = arith.andi %eq3A_230, %lt3A_233 : i1
        %convert_element_type3A_234 = arith.extui %and3A : i1 to i32
        %cond3A_235 = arith.constant 0 : i32
        %cond3A_236 = arith.cmpi ne, %convert_element_type3A_234, %cond3A_235 : i32
        scf.if %cond3A_236 {
          %jit3A = arith.constant 10 : i32
          %div3A = arith.divsi %scan3A_225, %jit3A : i32
          %sign3A = arith.constant 0 : i32
          %sign3A_283 = arith.cmpi sgt, %scan3A_225, %sign3A : i32
          %sign3A_284 = arith.extui %sign3A_283 : i1 to i32
          %sign3A_285 = arith.constant 0 : i32
          %sign3A_286 = arith.cmpi slt, %scan3A_225, %sign3A_285 : i32
          %sign3A_287 = arith.extui %sign3A_286 : i1 to i32
          %sign3A_288 = arith.subi %sign3A_284, %sign3A_287 : i32
          %sign3A_289 = arith.constant 0 : i32
          %sign3A_290 = arith.cmpi sgt, %jit3A, %sign3A_289 : i32
          %sign3A_291 = arith.extui %sign3A_290 : i1 to i32
          %sign3A_292 = arith.constant 0 : i32
          %sign3A_293 = arith.cmpi slt, %jit3A, %sign3A_292 : i32
          %sign3A_294 = arith.extui %sign3A_293 : i1 to i32
          %sign3A_295 = arith.subi %sign3A_291, %sign3A_294 : i32
          %ne3A = arith.cmpi ne, %sign3A_288, %sign3A_295 : i32
          %rem3A_296 = arith.remsi %scan3A_225, %jit3A : i32
          %ne3A_297 = arith.constant 0 : i32
          %ne3A_298 = arith.cmpi ne, %rem3A_296, %ne3A_297 : i32
          %and3A_299 = arith.andi %ne3A, %ne3A_298 : i1
          %sub3A = arith.constant 1 : i32
          %sub3A_300 = arith.subi %div3A, %sub3A : i32
          %select_n3A = arith.select %and3A_299, %sub3A_300, %div3A : i32
          %add3A_301 = arith.constant 1 : i32
          %add3A_302 = arith.addi %select_n3A, %add3A_301 : i32
          %rem3A_303 = arith.constant 2 : i32
          %rem3A_304 = arith.remsi %add3A_302, %rem3A_303 : i32
          %mul3A_305 = arith.constant 10 : i32
          %mul3A_306 = arith.muli %rem3A_304, %mul3A_305 : i32
          %mul3A_307 = arith.constant 10 : i32
          %mul3A_308 = arith.muli %add3A_302, %mul3A_307 : i32
          %dma_start3A_309 = arith.constant 0 : i32
          %dma_start3A_310 = arith.constant 0 : i32
          %dma_start3A_311 = tpu.memref_slice %arg8[%mul3A_306, %dma_start3A_309, %dma_start3A_310] : memref<20x1x100xi32, #tpu.memory_space<vmem>> -> memref<10x1x100xi32, #tpu.memory_space<vmem>>
          %dma_start3A_312 = arith.constant 0 : i32
          %dma_start3A_313 = arith.constant 0 : i32
          %dma_start3A_314 = arith.constant 0 : i32
          %dma_start3A_315 = tpu.memref_slice %arg2[%add3A, %dma_start3A_312, %dma_start3A_313, %dma_start3A_314] : memref<32x100x1x100xi32, #tpu.memory_space<hbm>> -> memref<1x100x1x100xi32, #tpu.memory_space<hbm>>
          %dma_start3A_316 = tpu.memref_squeeze %dma_start3A_315 : memref<1x100x1x100xi32, #tpu.memory_space<hbm>> -> memref<100x1x100xi32, #tpu.memory_space<hbm>>
          %dma_start3A_317 = arith.constant 0 : i32
          %dma_start3A_318 = arith.constant 0 : i32
          %dma_start3A_319 = tpu.memref_slice %dma_start3A_316[%mul3A_308, %dma_start3A_317, %dma_start3A_318] : memref<100x1x100xi32, #tpu.memory_space<hbm>> -> memref<10x1x100xi32, #tpu.memory_space<hbm>>
          %dma_start3A_320 = arith.constant 0 : i32
          %dma_start3A_321 = arith.constant 0 : i32
          %dma_start3A_322 = tpu.memref_slice %arg8[%mul3A_306, %dma_start3A_320, %dma_start3A_321] : memref<20x1x100xi32, #tpu.memory_space<vmem>> -> memref<10x1x100xi32, #tpu.memory_space<vmem>>
          %dma_start3A_323 = arith.constant 0 : i32
          %dma_start3A_324 = arith.constant 0 : i32
          %dma_start3A_325 = arith.constant 0 : i32
          %dma_start3A_326 = tpu.memref_slice %arg2[%add3A, %dma_start3A_323, %dma_start3A_324, %dma_start3A_325] : memref<32x100x1x100xi32, #tpu.memory_space<hbm>> -> memref<1x100x1x100xi32, #tpu.memory_space<hbm>>
          %dma_start3A_327 = tpu.memref_squeeze %dma_start3A_326 : memref<1x100x1x100xi32, #tpu.memory_space<hbm>> -> memref<100x1x100xi32, #tpu.memory_space<hbm>>
          %dma_start3A_328 = arith.constant 0 : i32
          %dma_start3A_329 = arith.constant 0 : i32
          %dma_start3A_330 = tpu.memref_slice %dma_start3A_327[%mul3A_308, %dma_start3A_328, %dma_start3A_329] : memref<100x1x100xi32, #tpu.memory_space<hbm>> -> memref<10x1x100xi32, #tpu.memory_space<hbm>>
          tpu.enqueue_dma source(%dma_start3A_330 : memref<10x1x100xi32, #tpu.memory_space<hbm>>) target(%dma_start3A_322 : memref<10x1x100xi32, #tpu.memory_space<vmem>>) target_semaphore(%arg14 : memref<!tpu.dma_semaphore, #tpu.memory_space<semaphore_mem>>)
          %dma_start3A_331 = arith.constant 0 : i32
          %dma_start3A_332 = arith.constant 0 : i32
          %dma_start3A_333 = tpu.memref_slice %arg9[%mul3A_306, %dma_start3A_331, %dma_start3A_332] : memref<20x1x100xi32, #tpu.memory_space<vmem>> -> memref<10x1x100xi32, #tpu.memory_space<vmem>>
          %dma_start3A_334 = arith.constant 0 : i32
          %dma_start3A_335 = arith.constant 0 : i32
          %dma_start3A_336 = arith.constant 0 : i32
          %dma_start3A_337 = tpu.memref_slice %arg3[%add3A, %dma_start3A_334, %dma_start3A_335, %dma_start3A_336] : memref<32x100x1x100xi32, #tpu.memory_space<hbm>> -> memref<1x100x1x100xi32, #tpu.memory_space<hbm>>
          %dma_start3A_338 = tpu.memref_squeeze %dma_start3A_337 : memref<1x100x1x100xi32, #tpu.memory_space<hbm>> -> memref<100x1x100xi32, #tpu.memory_space<hbm>>
          %dma_start3A_339 = arith.constant 0 : i32
          %dma_start3A_340 = arith.constant 0 : i32
          %dma_start3A_341 = tpu.memref_slice %dma_start3A_338[%mul3A_308, %dma_start3A_339, %dma_start3A_340] : memref<100x1x100xi32, #tpu.memory_space<hbm>> -> memref<10x1x100xi32, #tpu.memory_space<hbm>>
          %dma_start3A_342 = arith.constant 0 : i32
          %dma_start3A_343 = arith.constant 0 : i32
          %dma_start3A_344 = tpu.memref_slice %arg9[%mul3A_306, %dma_start3A_342, %dma_start3A_343] : memref<20x1x100xi32, #tpu.memory_space<vmem>> -> memref<10x1x100xi32, #tpu.memory_space<vmem>>
          %dma_start3A_345 = arith.constant 0 : i32
          %dma_start3A_346 = arith.constant 0 : i32
          %dma_start3A_347 = arith.constant 0 : i32
          %dma_start3A_348 = tpu.memref_slice %arg3[%add3A, %dma_start3A_345, %dma_start3A_346, %dma_start3A_347] : memref<32x100x1x100xi32, #tpu.memory_space<hbm>> -> memref<1x100x1x100xi32, #tpu.memory_space<hbm>>
          %dma_start3A_349 = tpu.memref_squeeze %dma_start3A_348 : memref<1x100x1x100xi32, #tpu.memory_space<hbm>> -> memref<100x1x100xi32, #tpu.memory_space<hbm>>
          %dma_start3A_350 = arith.constant 0 : i32
          %dma_start3A_351 = arith.constant 0 : i32
          %dma_start3A_352 = tpu.memref_slice %dma_start3A_349[%mul3A_308, %dma_start3A_350, %dma_start3A_351] : memref<100x1x100xi32, #tpu.memory_space<hbm>> -> memref<10x1x100xi32, #tpu.memory_space<hbm>>
          tpu.enqueue_dma source(%dma_start3A_352 : memref<10x1x100xi32, #tpu.memory_space<hbm>>) target(%dma_start3A_344 : memref<10x1x100xi32, #tpu.memory_space<vmem>>) target_semaphore(%arg14 : memref<!tpu.dma_semaphore, #tpu.memory_space<semaphore_mem>>)
        } else {
        }
        %add3A_237 = arith.constant 2 : i32
        %add3A_238 = arith.addi %scan3A_225, %add3A_237 : i32
        %lt3A_239 = arith.constant 100 : i32
        %lt3A_240 = arith.cmpi slt, %add3A_238, %lt3A_239 : i32
        %convert_element_type3A_241 = arith.extui %lt3A_240 : i1 to i32
        %cond3A_242 = arith.constant 0 : i32
        %cond3A_243 = arith.cmpi ne, %convert_element_type3A_241, %cond3A_242 : i32
        scf.if %cond3A_243 {
          %ge3A = arith.constant 1 : i32
          %ge3A_283 = arith.cmpi sge, %scan3A_225, %ge3A : i32
          %convert_element_type3A_284 = arith.extui %ge3A_283 : i1 to i32
          %cond3A_285 = arith.constant 0 : i32
          %cond3A_286 = arith.cmpi ne, %convert_element_type3A_284, %cond3A_285 : i32
          scf.if %cond3A_286 {
            %sub3A = arith.constant 1 : i32
            %sub3A_317 = arith.subi %scan3A_225, %sub3A : i32
            %rem3A_318 = arith.constant 20 : i32
            %rem3A_319 = arith.remsi %sub3A_317, %rem3A_318 : i32
            %rem3A_320 = arith.constant 3 : i32
            %rem3A_321 = arith.remsi %sub3A_317, %rem3A_320 : i32
            %dma_wait3A_322 = arith.constant 0 : i32
            %dma_wait3A_323 = arith.constant 0 : i32
            %dma_wait3A_324 = arith.constant 0 : i32
            %dma_wait3A_325 = tpu.memref_slice %arg10[%rem3A_321, %dma_wait3A_323, %dma_wait3A_324] : memref<3x100x128xf32, #tpu.memory_space<vmem>> -> memref<1x100x128xf32, #tpu.memory_space<vmem>>
            %dma_wait3A_326 = tpu.memref_squeeze %dma_wait3A_325 : memref<1x100x128xf32, #tpu.memory_space<vmem>> -> memref<100x128xf32, #tpu.memory_space<vmem>>
            %dma_wait3A_327 = arith.constant 0 : i32
            %dma_wait3A_328 = arith.constant 0 : i32
            %dma_wait3A_329 = tpu.memref_slice %arg9[%rem3A_319, %dma_wait3A_327, %dma_wait3A_328] : memref<20x1x100xi32, #tpu.memory_space<vmem>> -> memref<1x1x100xi32, #tpu.memory_space<vmem>>
            %dma_wait3A_330 = tpu.memref_squeeze %dma_wait3A_329 : memref<1x1x100xi32, #tpu.memory_space<vmem>> -> memref<1x100xi32, #tpu.memory_space<vmem>>
            %dma_wait3A_331 = arith.constant 0 : i32
            %dma_wait3A_332 = tpu.memref_slice %dma_wait3A_330[%dma_wait3A_322, %dma_wait3A_331] : memref<1x100xi32, #tpu.memory_space<vmem>> -> memref<1x100xi32, #tpu.memory_space<vmem>>
            %dma_wait3A_333 = tpu.memref_squeeze %dma_wait3A_332 : memref<1x100xi32, #tpu.memory_space<vmem>> -> memref<100xi32, #tpu.memory_space<vmem>>
            %dma_wait3A_334 = arith.constant 0 : i32
            %dma_wait3A_335 = arith.constant 0 : i32
            %dma_wait3A_336 = tpu.memref_slice %arg11[%dma_wait3A_334, %dma_wait3A_335] : memref<10240x128xf32, #tpu.memory_space<vmem_shared>> -> memref<10240x128xf32, #tpu.memory_space<vmem_shared>>
            tpu.wait_indirect_dma semaphore(%arg13 : memref<!tpu.dma_semaphore, #tpu.memory_space<semaphore_mem>>) src(%dma_wait3A_326 : memref<100x128xf32, #tpu.memory_space<vmem>>) dst(%dma_wait3A_336 : memref<10240x128xf32, #tpu.memory_space<vmem_shared>>)
          } else {
          }
          %add3A_287 = arith.constant 2 : i32
          %add3A_288 = arith.addi %scan3A_225, %add3A_287 : i32
          %rem3A_289 = arith.constant 10 : i32
          %rem3A_290 = arith.remsi %add3A_288, %rem3A_289 : i32
          %eq3A_291 = arith.constant 0 : i32
          %eq3A_292 = arith.cmpi eq, %rem3A_290, %eq3A_291 : i32
          %convert_element_type3A_293 = arith.extui %eq3A_292 : i1 to i32
          %cond3A_294 = arith.constant 0 : i32
          %cond3A_295 = arith.cmpi ne, %convert_element_type3A_293, %cond3A_294 : i32
          scf.if %cond3A_295 {
            %add3A_317 = arith.constant 2 : i32
            %add3A_318 = arith.addi %scan3A_225, %add3A_317 : i32
            %jit3A = arith.constant 10 : i32
            %div3A = arith.divsi %add3A_318, %jit3A : i32
            %sign3A = arith.constant 0 : i32
            %sign3A_319 = arith.cmpi sgt, %add3A_318, %sign3A : i32
            %sign3A_320 = arith.extui %sign3A_319 : i1 to i32
            %sign3A_321 = arith.constant 0 : i32
            %sign3A_322 = arith.cmpi slt, %add3A_318, %sign3A_321 : i32
            %sign3A_323 = arith.extui %sign3A_322 : i1 to i32
            %sign3A_324 = arith.subi %sign3A_320, %sign3A_323 : i32
            %sign3A_325 = arith.constant 0 : i32
            %sign3A_326 = arith.cmpi sgt, %jit3A, %sign3A_325 : i32
            %sign3A_327 = arith.extui %sign3A_326 : i1 to i32
            %sign3A_328 = arith.constant 0 : i32
            %sign3A_329 = arith.cmpi slt, %jit3A, %sign3A_328 : i32
            %sign3A_330 = arith.extui %sign3A_329 : i1 to i32
            %sign3A_331 = arith.subi %sign3A_327, %sign3A_330 : i32
            %ne3A = arith.cmpi ne, %sign3A_324, %sign3A_331 : i32
            %rem3A_332 = arith.remsi %add3A_318, %jit3A : i32
            %ne3A_333 = arith.constant 0 : i32
            %ne3A_334 = arith.cmpi ne, %rem3A_332, %ne3A_333 : i32
            %and3A_335 = arith.andi %ne3A, %ne3A_334 : i1
            %sub3A = arith.constant 1 : i32
            %sub3A_336 = arith.subi %div3A, %sub3A : i32
            %select_n3A = arith.select %and3A_335, %sub3A_336, %div3A : i32
            %rem3A_337 = arith.constant 2 : i32
            %rem3A_338 = arith.remsi %select_n3A, %rem3A_337 : i32
            %mul3A_339 = arith.constant 10 : i32
            %mul3A_340 = arith.muli %rem3A_338, %mul3A_339 : i32
            %mul3A_341 = arith.constant 10 : i32
            %mul3A_342 = arith.muli %select_n3A, %mul3A_341 : i32
            %dma_wait3A_343 = arith.constant 0 : i32
            %dma_wait3A_344 = arith.constant 0 : i32
            %dma_wait3A_345 = tpu.memref_slice %arg8[%mul3A_340, %dma_wait3A_343, %dma_wait3A_344] : memref<20x1x100xi32, #tpu.memory_space<vmem>> -> memref<10x1x100xi32, #tpu.memory_space<vmem>>
            %dma_wait3A_346 = arith.constant 0 : i32
            %dma_wait3A_347 = arith.constant 0 : i32
            %dma_wait3A_348 = arith.constant 0 : i32
            %dma_wait3A_349 = tpu.memref_slice %arg2[%add3A, %dma_wait3A_346, %dma_wait3A_347, %dma_wait3A_348] : memref<32x100x1x100xi32, #tpu.memory_space<hbm>> -> memref<1x100x1x100xi32, #tpu.memory_space<hbm>>
            %dma_wait3A_350 = tpu.memref_squeeze %dma_wait3A_349 : memref<1x100x1x100xi32, #tpu.memory_space<hbm>> -> memref<100x1x100xi32, #tpu.memory_space<hbm>>
            %dma_wait3A_351 = arith.constant 0 : i32
            %dma_wait3A_352 = arith.constant 0 : i32
            %dma_wait3A_353 = tpu.memref_slice %dma_wait3A_350[%mul3A_342, %dma_wait3A_351, %dma_wait3A_352] : memref<100x1x100xi32, #tpu.memory_space<hbm>> -> memref<10x1x100xi32, #tpu.memory_space<hbm>>
            %dma_wait3A_354 = arith.constant 0 : i32
            %dma_wait3A_355 = arith.constant 0 : i32
            %dma_wait3A_356 = tpu.memref_slice %arg8[%mul3A_340, %dma_wait3A_354, %dma_wait3A_355] : memref<20x1x100xi32, #tpu.memory_space<vmem>> -> memref<10x1x100xi32, #tpu.memory_space<vmem>>
            %dma_wait3A_357 = arith.constant 0 : i32
            %dma_wait3A_358 = arith.constant 0 : i32
            %dma_wait3A_359 = arith.constant 0 : i32
            %dma_wait3A_360 = tpu.memref_slice %arg2[%add3A, %dma_wait3A_357, %dma_wait3A_358, %dma_wait3A_359] : memref<32x100x1x100xi32, #tpu.memory_space<hbm>> -> memref<1x100x1x100xi32, #tpu.memory_space<hbm>>
            %dma_wait3A_361 = tpu.memref_squeeze %dma_wait3A_360 : memref<1x100x1x100xi32, #tpu.memory_space<hbm>> -> memref<100x1x100xi32, #tpu.memory_space<hbm>>
            %dma_wait3A_362 = arith.constant 0 : i32
            %dma_wait3A_363 = arith.constant 0 : i32
            %dma_wait3A_364 = tpu.memref_slice %dma_wait3A_361[%mul3A_342, %dma_wait3A_362, %dma_wait3A_363] : memref<100x1x100xi32, #tpu.memory_space<hbm>> -> memref<10x1x100xi32, #tpu.memory_space<hbm>>
            tpu.wait_dma2 semaphore(%arg14 : memref<!tpu.dma_semaphore, #tpu.memory_space<semaphore_mem>>) src(%dma_wait3A_364 : memref<10x1x100xi32, #tpu.memory_space<hbm>>) dst(%dma_wait3A_356 : memref<10x1x100xi32, #tpu.memory_space<vmem>>)
            %dma_wait3A_365 = arith.constant 0 : i32
            %dma_wait3A_366 = arith.constant 0 : i32
            %dma_wait3A_367 = tpu.memref_slice %arg9[%mul3A_340, %dma_wait3A_365, %dma_wait3A_366] : memref<20x1x100xi32, #tpu.memory_space<vmem>> -> memref<10x1x100xi32, #tpu.memory_space<vmem>>
            %dma_wait3A_368 = arith.constant 0 : i32
            %dma_wait3A_369 = arith.constant 0 : i32
            %dma_wait3A_370 = arith.constant 0 : i32
            %dma_wait3A_371 = tpu.memref_slice %arg3[%add3A, %dma_wait3A_368, %dma_wait3A_369, %dma_wait3A_370] : memref<32x100x1x100xi32, #tpu.memory_space<hbm>> -> memref<1x100x1x100xi32, #tpu.memory_space<hbm>>
            %dma_wait3A_372 = tpu.memref_squeeze %dma_wait3A_371 : memref<1x100x1x100xi32, #tpu.memory_space<hbm>> -> memref<100x1x100xi32, #tpu.memory_space<hbm>>
            %dma_wait3A_373 = arith.constant 0 : i32
            %dma_wait3A_374 = arith.constant 0 : i32
            %dma_wait3A_375 = tpu.memref_slice %dma_wait3A_372[%mul3A_342, %dma_wait3A_373, %dma_wait3A_374] : memref<100x1x100xi32, #tpu.memory_space<hbm>> -> memref<10x1x100xi32, #tpu.memory_space<hbm>>
            %dma_wait3A_376 = arith.constant 0 : i32
            %dma_wait3A_377 = arith.constant 0 : i32
            %dma_wait3A_378 = tpu.memref_slice %arg9[%mul3A_340, %dma_wait3A_376, %dma_wait3A_377] : memref<20x1x100xi32, #tpu.memory_space<vmem>> -> memref<10x1x100xi32, #tpu.memory_space<vmem>>
            %dma_wait3A_379 = arith.constant 0 : i32
            %dma_wait3A_380 = arith.constant 0 : i32
            %dma_wait3A_381 = arith.constant 0 : i32
            %dma_wait3A_382 = tpu.memref_slice %arg3[%add3A, %dma_wait3A_379, %dma_wait3A_380, %dma_wait3A_381] : memref<32x100x1x100xi32, #tpu.memory_space<hbm>> -> memref<1x100x1x100xi32, #tpu.memory_space<hbm>>
            %dma_wait3A_383 = tpu.memref_squeeze %dma_wait3A_382 : memref<1x100x1x100xi32, #tpu.memory_space<hbm>> -> memref<100x1x100xi32, #tpu.memory_space<hbm>>
            %dma_wait3A_384 = arith.constant 0 : i32
            %dma_wait3A_385 = arith.constant 0 : i32
            %dma_wait3A_386 = tpu.memref_slice %dma_wait3A_383[%mul3A_342, %dma_wait3A_384, %dma_wait3A_385] : memref<100x1x100xi32, #tpu.memory_space<hbm>> -> memref<10x1x100xi32, #tpu.memory_space<hbm>>
            tpu.wait_dma2 semaphore(%arg14 : memref<!tpu.dma_semaphore, #tpu.memory_space<semaphore_mem>>) src(%dma_wait3A_386 : memref<10x1x100xi32, #tpu.memory_space<hbm>>) dst(%dma_wait3A_378 : memref<10x1x100xi32, #tpu.memory_space<vmem>>)
          } else {
          }
          %add3A_296 = arith.constant 2 : i32
          %add3A_297 = arith.addi %scan3A_225, %add3A_296 : i32
          %rem3A_298 = arith.constant 20 : i32
          %rem3A_299 = arith.remsi %add3A_297, %rem3A_298 : i32
          %rem3A_300 = arith.constant 3 : i32
          %rem3A_301 = arith.remsi %add3A_297, %rem3A_300 : i32
          %dma_start3A_302 = arith.constant 0 : i32
          %dma_start3A_303 = arith.constant 0 : i32
          %dma_start3A_304 = arith.constant 0 : i32
          %dma_start3A_305 = tpu.memref_slice %arg10[%rem3A_301, %dma_start3A_303, %dma_start3A_304] : memref<3x100x128xf32, #tpu.memory_space<vmem>> -> memref<1x100x128xf32, #tpu.memory_space<vmem>>
          %dma_start3A_306 = tpu.memref_squeeze %dma_start3A_305 : memref<1x100x128xf32, #tpu.memory_space<vmem>> -> memref<100x128xf32, #tpu.memory_space<vmem>>
          %dma_start3A_307 = arith.constant 0 : i32
          %dma_start3A_308 = arith.constant 0 : i32
          %dma_start3A_309 = tpu.memref_slice %arg8[%rem3A_299, %dma_start3A_307, %dma_start3A_308] : memref<20x1x100xi32, #tpu.memory_space<vmem>> -> memref<1x1x100xi32, #tpu.memory_space<vmem>>
          %dma_start3A_310 = tpu.memref_squeeze %dma_start3A_309 : memref<1x1x100xi32, #tpu.memory_space<vmem>> -> memref<1x100xi32, #tpu.memory_space<vmem>>
          %dma_start3A_311 = arith.constant 0 : i32
          %dma_start3A_312 = tpu.memref_slice %dma_start3A_310[%dma_start3A_302, %dma_start3A_311] : memref<1x100xi32, #tpu.memory_space<vmem>> -> memref<1x100xi32, #tpu.memory_space<vmem>>
          %dma_start3A_313 = tpu.memref_squeeze %dma_start3A_312 : memref<1x100xi32, #tpu.memory_space<vmem>> -> memref<100xi32, #tpu.memory_space<vmem>>
          %dma_start3A_314 = arith.constant 0 : i32
          %dma_start3A_315 = arith.constant 0 : i32
          %dma_start3A_316 = tpu.memref_slice %arg4[%dma_start3A_314, %dma_start3A_315] : memref<10240x128xf32, #tpu.memory_space<hbm>> -> memref<10240x128xf32, #tpu.memory_space<hbm>>
          tpu.enqueue_indirect_dma source(%dma_start3A_316 : memref<10240x128xf32, #tpu.memory_space<hbm>>) target(%dma_start3A_306 : memref<100x128xf32, #tpu.memory_space<vmem>>) offsets(%dma_start3A_313 : memref<100xi32, #tpu.memory_space<vmem>>) semaphore(%arg12 : memref<!tpu.dma_semaphore, #tpu.memory_space<semaphore_mem>>)
        } else {
        }
        %rem3A_244 = arith.constant 20 : i32
        %rem3A_245 = arith.remsi %scan3A_225, %rem3A_244 : i32
        %rem3A_246 = arith.constant 3 : i32
        %rem3A_247 = arith.remsi %scan3A_225, %rem3A_246 : i32
        %dma_wait3A_248 = arith.constant 0 : i32
        %dma_wait3A_249 = arith.constant 0 : i32
        %dma_wait3A_250 = arith.constant 0 : i32
        %dma_wait3A_251 = tpu.memref_slice %arg10[%rem3A_247, %dma_wait3A_249, %dma_wait3A_250] : memref<3x100x128xf32, #tpu.memory_space<vmem>> -> memref<1x100x128xf32, #tpu.memory_space<vmem>>
        %dma_wait3A_252 = tpu.memref_squeeze %dma_wait3A_251 : memref<1x100x128xf32, #tpu.memory_space<vmem>> -> memref<100x128xf32, #tpu.memory_space<vmem>>
        %dma_wait3A_253 = arith.constant 0 : i32
        %dma_wait3A_254 = arith.constant 0 : i32
        %dma_wait3A_255 = tpu.memref_slice %arg8[%rem3A_245, %dma_wait3A_253, %dma_wait3A_254] : memref<20x1x100xi32, #tpu.memory_space<vmem>> -> memref<1x1x100xi32, #tpu.memory_space<vmem>>
        %dma_wait3A_256 = tpu.memref_squeeze %dma_wait3A_255 : memref<1x1x100xi32, #tpu.memory_space<vmem>> -> memref<1x100xi32, #tpu.memory_space<vmem>>
        %dma_wait3A_257 = arith.constant 0 : i32
        %dma_wait3A_258 = tpu.memref_slice %dma_wait3A_256[%dma_wait3A_248, %dma_wait3A_257] : memref<1x100xi32, #tpu.memory_space<vmem>> -> memref<1x100xi32, #tpu.memory_space<vmem>>
        %dma_wait3A_259 = tpu.memref_squeeze %dma_wait3A_258 : memref<1x100xi32, #tpu.memory_space<vmem>> -> memref<100xi32, #tpu.memory_space<vmem>>
        %dma_wait3A_260 = arith.constant 0 : i32
        %dma_wait3A_261 = arith.constant 0 : i32
        %dma_wait3A_262 = tpu.memref_slice %arg4[%dma_wait3A_260, %dma_wait3A_261] : memref<10240x128xf32, #tpu.memory_space<hbm>> -> memref<10240x128xf32, #tpu.memory_space<hbm>>
        tpu.wait_indirect_dma semaphore(%arg12 : memref<!tpu.dma_semaphore, #tpu.memory_space<semaphore_mem>>) src(%dma_wait3A_262 : memref<10240x128xf32, #tpu.memory_space<hbm>>) dst(%dma_wait3A_252 : memref<100x128xf32, #tpu.memory_space<vmem>>)
        %rem3A_263 = arith.constant 20 : i32
        %rem3A_264 = arith.remsi %scan3A_225, %rem3A_263 : i32
        %rem3A_265 = arith.constant 3 : i32
        %rem3A_266 = arith.remsi %scan3A_225, %rem3A_265 : i32
        %dma_start3A_267 = arith.constant 0 : i32
        %dma_start3A_268 = arith.constant 0 : i32
        %dma_start3A_269 = arith.constant 0 : i32
        %dma_start3A_270 = tpu.memref_slice %arg10[%rem3A_266, %dma_start3A_268, %dma_start3A_269] : memref<3x100x128xf32, #tpu.memory_space<vmem>> -> memref<1x100x128xf32, #tpu.memory_space<vmem>>
        %dma_start3A_271 = tpu.memref_squeeze %dma_start3A_270 : memref<1x100x128xf32, #tpu.memory_space<vmem>> -> memref<100x128xf32, #tpu.memory_space<vmem>>
        %dma_start3A_272 = arith.constant 0 : i32
        %dma_start3A_273 = arith.constant 0 : i32
        %dma_start3A_274 = tpu.memref_slice %arg9[%rem3A_264, %dma_start3A_272, %dma_start3A_273] : memref<20x1x100xi32, #tpu.memory_space<vmem>> -> memref<1x1x100xi32, #tpu.memory_space<vmem>>
        %dma_start3A_275 = tpu.memref_squeeze %dma_start3A_274 : memref<1x1x100xi32, #tpu.memory_space<vmem>> -> memref<1x100xi32, #tpu.memory_space<vmem>>
        %dma_start3A_276 = arith.constant 0 : i32
        %dma_start3A_277 = tpu.memref_slice %dma_start3A_275[%dma_start3A_267, %dma_start3A_276] : memref<1x100xi32, #tpu.memory_space<vmem>> -> memref<1x100xi32, #tpu.memory_space<vmem>>
        %dma_start3A_278 = tpu.memref_squeeze %dma_start3A_277 : memref<1x100xi32, #tpu.memory_space<vmem>> -> memref<100xi32, #tpu.memory_space<vmem>>
        %dma_start3A_279 = arith.constant 0 : i32
        %dma_start3A_280 = arith.constant 0 : i32
        %dma_start3A_281 = tpu.memref_slice %arg11[%dma_start3A_279, %dma_start3A_280] : memref<10240x128xf32, #tpu.memory_space<vmem_shared>> -> memref<10240x128xf32, #tpu.memory_space<vmem_shared>>
        tpu.enqueue_indirect_dma source(%dma_start3A_271 : memref<100x128xf32, #tpu.memory_space<vmem>>) target(%dma_start3A_281 : memref<10240x128xf32, #tpu.memory_space<vmem_shared>>) offsets(%dma_start3A_278 : memref<100xi32, #tpu.memory_space<vmem>>) semaphore(%arg13 : memref<!tpu.dma_semaphore, #tpu.memory_space<semaphore_mem>>) {add = true}
        %scan3A_282 = arith.constant 0 : i32
        scf.yield %scan3A_282 : i32
      }
      %scan3A_160 = arith.constant 100 : i32
      %rem3A_161 = arith.constant 97 : i32
      %rem3A_162 = arith.constant 20 : i32
      %rem3A_163 = arith.remsi %rem3A_161, %rem3A_162 : i32
      %rem3A_164 = arith.constant 97 : i32
      %rem3A_165 = arith.constant 3 : i32
      %rem3A_166 = arith.remsi %rem3A_164, %rem3A_165 : i32
      %dma_wait3A_167 = arith.constant 0 : i32
      %dma_wait3A_168 = arith.constant 0 : i32
      %dma_wait3A_169 = arith.constant 0 : i32
      %dma_wait3A_170 = tpu.memref_slice %arg10[%rem3A_166, %dma_wait3A_168, %dma_wait3A_169] : memref<3x100x128xf32, #tpu.memory_space<vmem>> -> memref<1x100x128xf32, #tpu.memory_space<vmem>>
      %dma_wait3A_171 = tpu.memref_squeeze %dma_wait3A_170 : memref<1x100x128xf32, #tpu.memory_space<vmem>> -> memref<100x128xf32, #tpu.memory_space<vmem>>
      %dma_wait3A_172 = arith.constant 0 : i32
      %dma_wait3A_173 = arith.constant 0 : i32
      %dma_wait3A_174 = tpu.memref_slice %arg9[%rem3A_163, %dma_wait3A_172, %dma_wait3A_173] : memref<20x1x100xi32, #tpu.memory_space<vmem>> -> memref<1x1x100xi32, #tpu.memory_space<vmem>>
      %dma_wait3A_175 = tpu.memref_squeeze %dma_wait3A_174 : memref<1x1x100xi32, #tpu.memory_space<vmem>> -> memref<1x100xi32, #tpu.memory_space<vmem>>
      %dma_wait3A_176 = arith.constant 0 : i32
      %dma_wait3A_177 = tpu.memref_slice %dma_wait3A_175[%dma_wait3A_167, %dma_wait3A_176] : memref<1x100xi32, #tpu.memory_space<vmem>> -> memref<1x100xi32, #tpu.memory_space<vmem>>
      %dma_wait3A_178 = tpu.memref_squeeze %dma_wait3A_177 : memref<1x100xi32, #tpu.memory_space<vmem>> -> memref<100xi32, #tpu.memory_space<vmem>>
      %dma_wait3A_179 = arith.constant 0 : i32
      %dma_wait3A_180 = arith.constant 0 : i32
      %dma_wait3A_181 = tpu.memref_slice %arg11[%dma_wait3A_179, %dma_wait3A_180] : memref<10240x128xf32, #tpu.memory_space<vmem_shared>> -> memref<10240x128xf32, #tpu.memory_space<vmem_shared>>
      tpu.wait_indirect_dma semaphore(%arg13 : memref<!tpu.dma_semaphore, #tpu.memory_space<semaphore_mem>>) src(%dma_wait3A_171 : memref<100x128xf32, #tpu.memory_space<vmem>>) dst(%dma_wait3A_181 : memref<10240x128xf32, #tpu.memory_space<vmem_shared>>)
      %rem3A_182 = arith.constant 98 : i32
      %rem3A_183 = arith.constant 20 : i32
      %rem3A_184 = arith.remsi %rem3A_182, %rem3A_183 : i32
      %rem3A_185 = arith.constant 98 : i32
      %rem3A_186 = arith.constant 3 : i32
      %rem3A_187 = arith.remsi %rem3A_185, %rem3A_186 : i32
      %dma_wait3A_188 = arith.constant 0 : i32
      %dma_wait3A_189 = arith.constant 0 : i32
      %dma_wait3A_190 = arith.constant 0 : i32
      %dma_wait3A_191 = tpu.memref_slice %arg10[%rem3A_187, %dma_wait3A_189, %dma_wait3A_190] : memref<3x100x128xf32, #tpu.memory_space<vmem>> -> memref<1x100x128xf32, #tpu.memory_space<vmem>>
      %dma_wait3A_192 = tpu.memref_squeeze %dma_wait3A_191 : memref<1x100x128xf32, #tpu.memory_space<vmem>> -> memref<100x128xf32, #tpu.memory_space<vmem>>
      %dma_wait3A_193 = arith.constant 0 : i32
      %dma_wait3A_194 = arith.constant 0 : i32
      %dma_wait3A_195 = tpu.memref_slice %arg9[%rem3A_184, %dma_wait3A_193, %dma_wait3A_194] : memref<20x1x100xi32, #tpu.memory_space<vmem>> -> memref<1x1x100xi32, #tpu.memory_space<vmem>>
      %dma_wait3A_196 = tpu.memref_squeeze %dma_wait3A_195 : memref<1x1x100xi32, #tpu.memory_space<vmem>> -> memref<1x100xi32, #tpu.memory_space<vmem>>
      %dma_wait3A_197 = arith.constant 0 : i32
      %dma_wait3A_198 = tpu.memref_slice %dma_wait3A_196[%dma_wait3A_188, %dma_wait3A_197] : memref<1x100xi32, #tpu.memory_space<vmem>> -> memref<1x100xi32, #tpu.memory_space<vmem>>
      %dma_wait3A_199 = tpu.memref_squeeze %dma_wait3A_198 : memref<1x100xi32, #tpu.memory_space<vmem>> -> memref<100xi32, #tpu.memory_space<vmem>>
      %dma_wait3A_200 = arith.constant 0 : i32
      %dma_wait3A_201 = arith.constant 0 : i32
      %dma_wait3A_202 = tpu.memref_slice %arg11[%dma_wait3A_200, %dma_wait3A_201] : memref<10240x128xf32, #tpu.memory_space<vmem_shared>> -> memref<10240x128xf32, #tpu.memory_space<vmem_shared>>
      tpu.wait_indirect_dma semaphore(%arg13 : memref<!tpu.dma_semaphore, #tpu.memory_space<semaphore_mem>>) src(%dma_wait3A_192 : memref<100x128xf32, #tpu.memory_space<vmem>>) dst(%dma_wait3A_202 : memref<10240x128xf32, #tpu.memory_space<vmem_shared>>)
      %rem3A_203 = arith.constant 99 : i32
      %rem3A_204 = arith.constant 20 : i32
      %rem3A_205 = arith.remsi %rem3A_203, %rem3A_204 : i32
      %rem3A_206 = arith.constant 99 : i32
      %rem3A_207 = arith.constant 3 : i32
      %rem3A_208 = arith.remsi %rem3A_206, %rem3A_207 : i32
      %dma_wait3A_209 = arith.constant 0 : i32
      %dma_wait3A_210 = arith.constant 0 : i32
      %dma_wait3A_211 = arith.constant 0 : i32
      %dma_wait3A_212 = tpu.memref_slice %arg10[%rem3A_208, %dma_wait3A_210, %dma_wait3A_211] : memref<3x100x128xf32, #tpu.memory_space<vmem>> -> memref<1x100x128xf32, #tpu.memory_space<vmem>>
      %dma_wait3A_213 = tpu.memref_squeeze %dma_wait3A_212 : memref<1x100x128xf32, #tpu.memory_space<vmem>> -> memref<100x128xf32, #tpu.memory_space<vmem>>
      %dma_wait3A_214 = arith.constant 0 : i32
      %dma_wait3A_215 = arith.constant 0 : i32
      %dma_wait3A_216 = tpu.memref_slice %arg9[%rem3A_205, %dma_wait3A_214, %dma_wait3A_215] : memref<20x1x100xi32, #tpu.memory_space<vmem>> -> memref<1x1x100xi32, #tpu.memory_space<vmem>>
      %dma_wait3A_217 = tpu.memref_squeeze %dma_wait3A_216 : memref<1x1x100xi32, #tpu.memory_space<vmem>> -> memref<1x100xi32, #tpu.memory_space<vmem>>
      %dma_wait3A_218 = arith.constant 0 : i32
      %dma_wait3A_219 = tpu.memref_slice %dma_wait3A_217[%dma_wait3A_209, %dma_wait3A_218] : memref<1x100xi32, #tpu.memory_space<vmem>> -> memref<1x100xi32, #tpu.memory_space<vmem>>
      %dma_wait3A_220 = tpu.memref_squeeze %dma_wait3A_219 : memref<1x100xi32, #tpu.memory_space<vmem>> -> memref<100xi32, #tpu.memory_space<vmem>>
      %dma_wait3A_221 = arith.constant 0 : i32
      %dma_wait3A_222 = arith.constant 0 : i32
      %dma_wait3A_223 = tpu.memref_slice %arg11[%dma_wait3A_221, %dma_wait3A_222] : memref<10240x128xf32, #tpu.memory_space<vmem_shared>> -> memref<10240x128xf32, #tpu.memory_space<vmem_shared>>
      tpu.wait_indirect_dma semaphore(%arg13 : memref<!tpu.dma_semaphore, #tpu.memory_space<semaphore_mem>>) src(%dma_wait3A_213 : memref<100x128xf32, #tpu.memory_space<vmem>>) dst(%dma_wait3A_223 : memref<10240x128xf32, #tpu.memory_space<vmem_shared>>)
      %barrier3A_224 = arith.constant 0 : index
      tpu.barrier barrier_id(%barrier3A_224)
      "tpu.region"() ({
        %run_scoped3A = tpu.sem_alloc : memref<!tpu.dma_semaphore, #tpu.memory_space<semaphore_mem>>
        %dma_start3A_225 = arith.constant 0 : i32
        %dma_start3A_226 = tpu.memref_slice %arg6[%mul3A_2, %dma_start3A_225] : memref<10240x128xf32, #tpu.memory_space<hbm>> -> memref<640x128xf32, #tpu.memory_space<hbm>>
        %dma_start3A_227 = arith.constant 0 : i32
        %dma_start3A_228 = tpu.memref_slice %arg11[%mul3A_2, %dma_start3A_227] : memref<10240x128xf32, #tpu.memory_space<vmem_shared>> -> memref<640x128xf32, #tpu.memory_space<vmem_shared>>
        tpu.enqueue_dma source(%dma_start3A_228 : memref<640x128xf32, #tpu.memory_space<vmem_shared>>) target(%dma_start3A_226 : memref<640x128xf32, #tpu.memory_space<hbm>>) target_semaphore(%run_scoped3A : memref<!tpu.dma_semaphore, #tpu.memory_space<semaphore_mem>>)
        %dma_wait3A_229 = arith.constant 0 : i32
        %dma_wait3A_230 = tpu.memref_slice %arg6[%mul3A_2, %dma_wait3A_229] : memref<10240x128xf32, #tpu.memory_space<hbm>> -> memref<640x128xf32, #tpu.memory_space<hbm>>
        %dma_wait3A_231 = arith.constant 0 : i32
        %dma_wait3A_232 = tpu.memref_slice %arg11[%mul3A_2, %dma_wait3A_231] : memref<10240x128xf32, #tpu.memory_space<vmem_shared>> -> memref<640x128xf32, #tpu.memory_space<vmem_shared>>
        tpu.wait_dma2 semaphore(%run_scoped3A : memref<!tpu.dma_semaphore, #tpu.memory_space<semaphore_mem>>) src(%dma_wait3A_232 : memref<640x128xf32, #tpu.memory_space<vmem_shared>>) dst(%dma_wait3A_230 : memref<640x128xf32, #tpu.memory_space<hbm>>)
        tpu.yield
      }) : () -> ()
    } else {
    }
    %eq3A_5 = arith.constant 1 : i32
    %eq3A_6 = arith.cmpi eq, %arg0, %eq3A_5 : i32
    %convert_element_type3A_7 = arith.extui %eq3A_6 : i1 to i32
    %cond3A_8 = arith.constant 0 : i32
    %cond3A_9 = arith.cmpi ne, %convert_element_type3A_7, %cond3A_8 : i32
    scf.if %cond3A_9 {
      %rem3A = arith.constant 0 : i32
      %rem3A_10 = arith.constant 2 : i32
      %rem3A_11 = arith.remsi %rem3A, %rem3A_10 : i32
      %mul3A_12 = arith.constant 10 : i32
      %mul3A_13 = arith.muli %rem3A_11, %mul3A_12 : i32
      %dma_start3A = arith.constant 0 : i32
      %dma_start3A_14 = arith.constant 0 : i32
      %dma_start3A_15 = tpu.memref_slice %arg8[%mul3A_13, %dma_start3A, %dma_start3A_14] : memref<20x1x100xi32, #tpu.memory_space<vmem>> -> memref<10x1x100xi32, #tpu.memory_space<vmem>>
      %dma_start3A_16 = arith.constant 0 : i32
      %dma_start3A_17 = arith.constant 0 : i32
      %dma_start3A_18 = arith.constant 0 : i32
      %dma_start3A_19 = tpu.memref_slice %arg2[%add3A, %dma_start3A_16, %dma_start3A_17, %dma_start3A_18] : memref<32x100x1x100xi32, #tpu.memory_space<hbm>> -> memref<1x100x1x100xi32, #tpu.memory_space<hbm>>
      %dma_start3A_20 = tpu.memref_squeeze %dma_start3A_19 : memref<1x100x1x100xi32, #tpu.memory_space<hbm>> -> memref<100x1x100xi32, #tpu.memory_space<hbm>>
      %dma_start3A_21 = arith.constant 0 : i32
      %dma_start3A_22 = arith.constant 0 : i32
      %dma_start3A_23 = arith.constant 0 : i32
      %dma_start3A_24 = tpu.memref_slice %dma_start3A_20[%dma_start3A_21, %dma_start3A_22, %dma_start3A_23] : memref<100x1x100xi32, #tpu.memory_space<hbm>> -> memref<10x1x100xi32, #tpu.memory_space<hbm>>
      %dma_start3A_25 = arith.constant 0 : i32
      %dma_start3A_26 = arith.constant 0 : i32
      %dma_start3A_27 = tpu.memref_slice %arg8[%mul3A_13, %dma_start3A_25, %dma_start3A_26] : memref<20x1x100xi32, #tpu.memory_space<vmem>> -> memref<10x1x100xi32, #tpu.memory_space<vmem>>
      %dma_start3A_28 = arith.constant 0 : i32
      %dma_start3A_29 = arith.constant 0 : i32
      %dma_start3A_30 = arith.constant 0 : i32
      %dma_start3A_31 = tpu.memref_slice %arg2[%add3A, %dma_start3A_28, %dma_start3A_29, %dma_start3A_30] : memref<32x100x1x100xi32, #tpu.memory_space<hbm>> -> memref<1x100x1x100xi32, #tpu.memory_space<hbm>>
      %dma_start3A_32 = tpu.memref_squeeze %dma_start3A_31 : memref<1x100x1x100xi32, #tpu.memory_space<hbm>> -> memref<100x1x100xi32, #tpu.memory_space<hbm>>
      %dma_start3A_33 = arith.constant 0 : i32
      %dma_start3A_34 = arith.constant 0 : i32
      %dma_start3A_35 = arith.constant 0 : i32
      %dma_start3A_36 = tpu.memref_slice %dma_start3A_32[%dma_start3A_33, %dma_start3A_34, %dma_start3A_35] : memref<100x1x100xi32, #tpu.memory_space<hbm>> -> memref<10x1x100xi32, #tpu.memory_space<hbm>>
      tpu.enqueue_dma source(%dma_start3A_36 : memref<10x1x100xi32, #tpu.memory_space<hbm>>) target(%dma_start3A_27 : memref<10x1x100xi32, #tpu.memory_space<vmem>>) target_semaphore(%arg14 : memref<!tpu.dma_semaphore, #tpu.memory_space<semaphore_mem>>)
      %dma_start3A_37 = arith.constant 0 : i32
      %dma_start3A_38 = arith.constant 0 : i32
      %dma_start3A_39 = tpu.memref_slice %arg9[%mul3A_13, %dma_start3A_37, %dma_start3A_38] : memref<20x1x100xi32, #tpu.memory_space<vmem>> -> memref<10x1x100xi32, #tpu.memory_space<vmem>>
      %dma_start3A_40 = arith.constant 0 : i32
      %dma_start3A_41 = arith.constant 0 : i32
      %dma_start3A_42 = arith.constant 0 : i32
      %dma_start3A_43 = tpu.memref_slice %arg3[%add3A, %dma_start3A_40, %dma_start3A_41, %dma_start3A_42] : memref<32x100x1x100xi32, #tpu.memory_space<hbm>> -> memref<1x100x1x100xi32, #tpu.memory_space<hbm>>
      %dma_start3A_44 = tpu.memref_squeeze %dma_start3A_43 : memref<1x100x1x100xi32, #tpu.memory_space<hbm>> -> memref<100x1x100xi32, #tpu.memory_space<hbm>>
      %dma_start3A_45 = arith.constant 0 : i32
      %dma_start3A_46 = arith.constant 0 : i32
      %dma_start3A_47 = arith.constant 0 : i32
      %dma_start3A_48 = tpu.memref_slice %dma_start3A_44[%dma_start3A_45, %dma_start3A_46, %dma_start3A_47] : memref<100x1x100xi32, #tpu.memory_space<hbm>> -> memref<10x1x100xi32, #tpu.memory_space<hbm>>
      %dma_start3A_49 = arith.constant 0 : i32
      %dma_start3A_50 = arith.constant 0 : i32
      %dma_start3A_51 = tpu.memref_slice %arg9[%mul3A_13, %dma_start3A_49, %dma_start3A_50] : memref<20x1x100xi32, #tpu.memory_space<vmem>> -> memref<10x1x100xi32, #tpu.memory_space<vmem>>
      %dma_start3A_52 = arith.constant 0 : i32
      %dma_start3A_53 = arith.constant 0 : i32
      %dma_start3A_54 = arith.constant 0 : i32
      %dma_start3A_55 = tpu.memref_slice %arg3[%add3A, %dma_start3A_52, %dma_start3A_53, %dma_start3A_54] : memref<32x100x1x100xi32, #tpu.memory_space<hbm>> -> memref<1x100x1x100xi32, #tpu.memory_space<hbm>>
      %dma_start3A_56 = tpu.memref_squeeze %dma_start3A_55 : memref<1x100x1x100xi32, #tpu.memory_space<hbm>> -> memref<100x1x100xi32, #tpu.memory_space<hbm>>
      %dma_start3A_57 = arith.constant 0 : i32
      %dma_start3A_58 = arith.constant 0 : i32
      %dma_start3A_59 = arith.constant 0 : i32
      %dma_start3A_60 = tpu.memref_slice %dma_start3A_56[%dma_start3A_57, %dma_start3A_58, %dma_start3A_59] : memref<100x1x100xi32, #tpu.memory_space<hbm>> -> memref<10x1x100xi32, #tpu.memory_space<hbm>>
      tpu.enqueue_dma source(%dma_start3A_60 : memref<10x1x100xi32, #tpu.memory_space<hbm>>) target(%dma_start3A_51 : memref<10x1x100xi32, #tpu.memory_space<vmem>>) target_semaphore(%arg14 : memref<!tpu.dma_semaphore, #tpu.memory_space<semaphore_mem>>)
      "tpu.region"() ({
        %run_scoped3A = tpu.sem_alloc : memref<!tpu.dma_semaphore, #tpu.memory_space<semaphore_mem>>
        %dma_start3A_225 = arith.constant 0 : i32
        %dma_start3A_226 = tpu.memref_slice %arg11[%mul3A_2, %dma_start3A_225] : memref<10240x128xf32, #tpu.memory_space<vmem_shared>> -> memref<640x128xf32, #tpu.memory_space<vmem_shared>>
        %dma_start3A_227 = arith.constant 0 : i32
        %dma_start3A_228 = tpu.memref_slice %arg5[%mul3A_2, %dma_start3A_227] : memref<10240x128xf32, #tpu.memory_space<hbm>> -> memref<640x128xf32, #tpu.memory_space<hbm>>
        tpu.enqueue_dma source(%dma_start3A_228 : memref<640x128xf32, #tpu.memory_space<hbm>>) target(%dma_start3A_226 : memref<640x128xf32, #tpu.memory_space<vmem_shared>>) target_semaphore(%run_scoped3A : memref<!tpu.dma_semaphore, #tpu.memory_space<semaphore_mem>>)
        %dma_wait3A_229 = arith.constant 0 : i32
        %dma_wait3A_230 = tpu.memref_slice %arg11[%mul3A_2, %dma_wait3A_229] : memref<10240x128xf32, #tpu.memory_space<vmem_shared>> -> memref<640x128xf32, #tpu.memory_space<vmem_shared>>
        %dma_wait3A_231 = arith.constant 0 : i32
        %dma_wait3A_232 = tpu.memref_slice %arg5[%mul3A_2, %dma_wait3A_231] : memref<10240x128xf32, #tpu.memory_space<hbm>> -> memref<640x128xf32, #tpu.memory_space<hbm>>
        tpu.wait_dma2 semaphore(%run_scoped3A : memref<!tpu.dma_semaphore, #tpu.memory_space<semaphore_mem>>) src(%dma_wait3A_232 : memref<640x128xf32, #tpu.memory_space<hbm>>) dst(%dma_wait3A_230 : memref<640x128xf32, #tpu.memory_space<vmem_shared>>)
        tpu.yield
      }) : () -> ()
      %rem3A_61 = arith.constant 0 : i32
      %rem3A_62 = arith.constant 2 : i32
      %rem3A_63 = arith.remsi %rem3A_61, %rem3A_62 : i32
      %mul3A_64 = arith.constant 10 : i32
      %mul3A_65 = arith.muli %rem3A_63, %mul3A_64 : i32
      %dma_wait3A = arith.constant 0 : i32
      %dma_wait3A_66 = arith.constant 0 : i32
      %dma_wait3A_67 = tpu.memref_slice %arg8[%mul3A_65, %dma_wait3A, %dma_wait3A_66] : memref<20x1x100xi32, #tpu.memory_space<vmem>> -> memref<10x1x100xi32, #tpu.memory_space<vmem>>
      %dma_wait3A_68 = arith.constant 0 : i32
      %dma_wait3A_69 = arith.constant 0 : i32
      %dma_wait3A_70 = arith.constant 0 : i32
      %dma_wait3A_71 = tpu.memref_slice %arg2[%add3A, %dma_wait3A_68, %dma_wait3A_69, %dma_wait3A_70] : memref<32x100x1x100xi32, #tpu.memory_space<hbm>> -> memref<1x100x1x100xi32, #tpu.memory_space<hbm>>
      %dma_wait3A_72 = tpu.memref_squeeze %dma_wait3A_71 : memref<1x100x1x100xi32, #tpu.memory_space<hbm>> -> memref<100x1x100xi32, #tpu.memory_space<hbm>>
      %dma_wait3A_73 = arith.constant 0 : i32
      %dma_wait3A_74 = arith.constant 0 : i32
      %dma_wait3A_75 = arith.constant 0 : i32
      %dma_wait3A_76 = tpu.memref_slice %dma_wait3A_72[%dma_wait3A_73, %dma_wait3A_74, %dma_wait3A_75] : memref<100x1x100xi32, #tpu.memory_space<hbm>> -> memref<10x1x100xi32, #tpu.memory_space<hbm>>
      %dma_wait3A_77 = arith.constant 0 : i32
      %dma_wait3A_78 = arith.constant 0 : i32
      %dma_wait3A_79 = tpu.memref_slice %arg8[%mul3A_65, %dma_wait3A_77, %dma_wait3A_78] : memref<20x1x100xi32, #tpu.memory_space<vmem>> -> memref<10x1x100xi32, #tpu.memory_space<vmem>>
      %dma_wait3A_80 = arith.constant 0 : i32
      %dma_wait3A_81 = arith.constant 0 : i32
      %dma_wait3A_82 = arith.constant 0 : i32
      %dma_wait3A_83 = tpu.memref_slice %arg2[%add3A, %dma_wait3A_80, %dma_wait3A_81, %dma_wait3A_82] : memref<32x100x1x100xi32, #tpu.memory_space<hbm>> -> memref<1x100x1x100xi32, #tpu.memory_space<hbm>>
      %dma_wait3A_84 = tpu.memref_squeeze %dma_wait3A_83 : memref<1x100x1x100xi32, #tpu.memory_space<hbm>> -> memref<100x1x100xi32, #tpu.memory_space<hbm>>
      %dma_wait3A_85 = arith.constant 0 : i32
      %dma_wait3A_86 = arith.constant 0 : i32
      %dma_wait3A_87 = arith.constant 0 : i32
      %dma_wait3A_88 = tpu.memref_slice %dma_wait3A_84[%dma_wait3A_85, %dma_wait3A_86, %dma_wait3A_87] : memref<100x1x100xi32, #tpu.memory_space<hbm>> -> memref<10x1x100xi32, #tpu.memory_space<hbm>>
      tpu.wait_dma2 semaphore(%arg14 : memref<!tpu.dma_semaphore, #tpu.memory_space<semaphore_mem>>) src(%dma_wait3A_88 : memref<10x1x100xi32, #tpu.memory_space<hbm>>) dst(%dma_wait3A_79 : memref<10x1x100xi32, #tpu.memory_space<vmem>>)
      %dma_wait3A_89 = arith.constant 0 : i32
      %dma_wait3A_90 = arith.constant 0 : i32
      %dma_wait3A_91 = tpu.memref_slice %arg9[%mul3A_65, %dma_wait3A_89, %dma_wait3A_90] : memref<20x1x100xi32, #tpu.memory_space<vmem>> -> memref<10x1x100xi32, #tpu.memory_space<vmem>>
      %dma_wait3A_92 = arith.constant 0 : i32
      %dma_wait3A_93 = arith.constant 0 : i32
      %dma_wait3A_94 = arith.constant 0 : i32
      %dma_wait3A_95 = tpu.memref_slice %arg3[%add3A, %dma_wait3A_92, %dma_wait3A_93, %dma_wait3A_94] : memref<32x100x1x100xi32, #tpu.memory_space<hbm>> -> memref<1x100x1x100xi32, #tpu.memory_space<hbm>>
      %dma_wait3A_96 = tpu.memref_squeeze %dma_wait3A_95 : memref<1x100x1x100xi32, #tpu.memory_space<hbm>> -> memref<100x1x100xi32, #tpu.memory_space<hbm>>
      %dma_wait3A_97 = arith.constant 0 : i32
      %dma_wait3A_98 = arith.constant 0 : i32
      %dma_wait3A_99 = arith.constant 0 : i32
      %dma_wait3A_100 = tpu.memref_slice %dma_wait3A_96[%dma_wait3A_97, %dma_wait3A_98, %dma_wait3A_99] : memref<100x1x100xi32, #tpu.memory_space<hbm>> -> memref<10x1x100xi32, #tpu.memory_space<hbm>>
      %dma_wait3A_101 = arith.constant 0 : i32
      %dma_wait3A_102 = arith.constant 0 : i32
      %dma_wait3A_103 = tpu.memref_slice %arg9[%mul3A_65, %dma_wait3A_101, %dma_wait3A_102] : memref<20x1x100xi32, #tpu.memory_space<vmem>> -> memref<10x1x100xi32, #tpu.memory_space<vmem>>
      %dma_wait3A_104 = arith.constant 0 : i32
      %dma_wait3A_105 = arith.constant 0 : i32
      %dma_wait3A_106 = arith.constant 0 : i32
      %dma_wait3A_107 = tpu.memref_slice %arg3[%add3A, %dma_wait3A_104, %dma_wait3A_105, %dma_wait3A_106] : memref<32x100x1x100xi32, #tpu.memory_space<hbm>> -> memref<1x100x1x100xi32, #tpu.memory_space<hbm>>
      %dma_wait3A_108 = tpu.memref_squeeze %dma_wait3A_107 : memref<1x100x1x100xi32, #tpu.memory_space<hbm>> -> memref<100x1x100xi32, #tpu.memory_space<hbm>>
      %dma_wait3A_109 = arith.constant 0 : i32
      %dma_wait3A_110 = arith.constant 0 : i32
      %dma_wait3A_111 = arith.constant 0 : i32
      %dma_wait3A_112 = tpu.memref_slice %dma_wait3A_108[%dma_wait3A_109, %dma_wait3A_110, %dma_wait3A_111] : memref<100x1x100xi32, #tpu.memory_space<hbm>> -> memref<10x1x100xi32, #tpu.memory_space<hbm>>
      tpu.wait_dma2 semaphore(%arg14 : memref<!tpu.dma_semaphore, #tpu.memory_space<semaphore_mem>>) src(%dma_wait3A_112 : memref<10x1x100xi32, #tpu.memory_space<hbm>>) dst(%dma_wait3A_103 : memref<10x1x100xi32, #tpu.memory_space<vmem>>)
      %barrier3A = arith.constant 0 : index
      tpu.barrier barrier_id(%barrier3A)
      %rem3A_113 = arith.constant 0 : i32
      %rem3A_114 = arith.constant 20 : i32
      %rem3A_115 = arith.remsi %rem3A_113, %rem3A_114 : i32
      %rem3A_116 = arith.constant 0 : i32
      %rem3A_117 = arith.constant 3 : i32
      %rem3A_118 = arith.remsi %rem3A_116, %rem3A_117 : i32
      %dma_start3A_119 = arith.constant 0 : i32
      %dma_start3A_120 = arith.constant 0 : i32
      %dma_start3A_121 = arith.constant 0 : i32
      %dma_start3A_122 = tpu.memref_slice %arg10[%rem3A_118, %dma_start3A_120, %dma_start3A_121] : memref<3x100x128xf32, #tpu.memory_space<vmem>> -> memref<1x100x128xf32, #tpu.memory_space<vmem>>
      %dma_start3A_123 = tpu.memref_squeeze %dma_start3A_122 : memref<1x100x128xf32, #tpu.memory_space<vmem>> -> memref<100x128xf32, #tpu.memory_space<vmem>>
      %dma_start3A_124 = arith.constant 0 : i32
      %dma_start3A_125 = arith.constant 0 : i32
      %dma_start3A_126 = tpu.memref_slice %arg8[%rem3A_115, %dma_start3A_124, %dma_start3A_125] : memref<20x1x100xi32, #tpu.memory_space<vmem>> -> memref<1x1x100xi32, #tpu.memory_space<vmem>>
      %dma_start3A_127 = tpu.memref_squeeze %dma_start3A_126 : memref<1x1x100xi32, #tpu.memory_space<vmem>> -> memref<1x100xi32, #tpu.memory_space<vmem>>
      %dma_start3A_128 = arith.constant 0 : i32
      %dma_start3A_129 = tpu.memref_slice %dma_start3A_127[%dma_start3A_119, %dma_start3A_128] : memref<1x100xi32, #tpu.memory_space<vmem>> -> memref<1x100xi32, #tpu.memory_space<vmem>>
      %dma_start3A_130 = tpu.memref_squeeze %dma_start3A_129 : memref<1x100xi32, #tpu.memory_space<vmem>> -> memref<100xi32, #tpu.memory_space<vmem>>
      %dma_start3A_131 = arith.constant 0 : i32
      %dma_start3A_132 = arith.constant 0 : i32
      %dma_start3A_133 = tpu.memref_slice %arg5[%dma_start3A_131, %dma_start3A_132] : memref<10240x128xf32, #tpu.memory_space<hbm>> -> memref<10240x128xf32, #tpu.memory_space<hbm>>
      tpu.enqueue_indirect_dma source(%dma_start3A_133 : memref<10240x128xf32, #tpu.memory_space<hbm>>) target(%dma_start3A_123 : memref<100x128xf32, #tpu.memory_space<vmem>>) offsets(%dma_start3A_130 : memref<100xi32, #tpu.memory_space<vmem>>) semaphore(%arg12 : memref<!tpu.dma_semaphore, #tpu.memory_space<semaphore_mem>>)
      %rem3A_134 = arith.constant 1 : i32
      %rem3A_135 = arith.constant 20 : i32
      %rem3A_136 = arith.remsi %rem3A_134, %rem3A_135 : i32
      %rem3A_137 = arith.constant 1 : i32
      %rem3A_138 = arith.constant 3 : i32
      %rem3A_139 = arith.remsi %rem3A_137, %rem3A_138 : i32
      %dma_start3A_140 = arith.constant 0 : i32
      %dma_start3A_141 = arith.constant 0 : i32
      %dma_start3A_142 = arith.constant 0 : i32
      %dma_start3A_143 = tpu.memref_slice %arg10[%rem3A_139, %dma_start3A_141, %dma_start3A_142] : memref<3x100x128xf32, #tpu.memory_space<vmem>> -> memref<1x100x128xf32, #tpu.memory_space<vmem>>
      %dma_start3A_144 = tpu.memref_squeeze %dma_start3A_143 : memref<1x100x128xf32, #tpu.memory_space<vmem>> -> memref<100x128xf32, #tpu.memory_space<vmem>>
      %dma_start3A_145 = arith.constant 0 : i32
      %dma_start3A_146 = arith.constant 0 : i32
      %dma_start3A_147 = tpu.memref_slice %arg8[%rem3A_136, %dma_start3A_145, %dma_start3A_146] : memref<20x1x100xi32, #tpu.memory_space<vmem>> -> memref<1x1x100xi32, #tpu.memory_space<vmem>>
      %dma_start3A_148 = tpu.memref_squeeze %dma_start3A_147 : memref<1x1x100xi32, #tpu.memory_space<vmem>> -> memref<1x100xi32, #tpu.memory_space<vmem>>
      %dma_start3A_149 = arith.constant 0 : i32
      %dma_start3A_150 = tpu.memref_slice %dma_start3A_148[%dma_start3A_140, %dma_start3A_149] : memref<1x100xi32, #tpu.memory_space<vmem>> -> memref<1x100xi32, #tpu.memory_space<vmem>>
      %dma_start3A_151 = tpu.memref_squeeze %dma_start3A_150 : memref<1x100xi32, #tpu.memory_space<vmem>> -> memref<100xi32, #tpu.memory_space<vmem>>
      %dma_start3A_152 = arith.constant 0 : i32
      %dma_start3A_153 = arith.constant 0 : i32
      %dma_start3A_154 = tpu.memref_slice %arg5[%dma_start3A_152, %dma_start3A_153] : memref<10240x128xf32, #tpu.memory_space<hbm>> -> memref<10240x128xf32, #tpu.memory_space<hbm>>
      tpu.enqueue_indirect_dma source(%dma_start3A_154 : memref<10240x128xf32, #tpu.memory_space<hbm>>) target(%dma_start3A_144 : memref<100x128xf32, #tpu.memory_space<vmem>>) offsets(%dma_start3A_151 : memref<100xi32, #tpu.memory_space<vmem>>) semaphore(%arg12 : memref<!tpu.dma_semaphore, #tpu.memory_space<semaphore_mem>>)
      %scan3A = arith.constant 0 : i32
      %scan3A_155 = arith.constant 0 : i32
      %scan3A_156 = arith.constant 100 : i32
      %scan3A_157 = arith.addi %scan3A_155, %scan3A_156 : i32
      %scan3A_158 = arith.constant 1 : i32
      %scan3A_159 = scf.for %scan3A_225 = %scan3A_155 to %scan3A_157 step %scan3A_158 iter_args(%scan3A_226 = %scan3A) -> (i32)  : i32 {
        %rem3A_227 = arith.constant 10 : i32
        %rem3A_228 = arith.remsi %scan3A_225, %rem3A_227 : i32
        %eq3A_229 = arith.constant 0 : i32
        %eq3A_230 = arith.cmpi eq, %rem3A_228, %eq3A_229 : i32
        %add3A_231 = arith.constant 10 : i32
        %add3A_232 = arith.addi %scan3A_225, %add3A_231 : i32
        %lt3A = arith.constant 100 : i32
        %lt3A_233 = arith.cmpi slt, %add3A_232, %lt3A : i32
        %and3A = arith.andi %eq3A_230, %lt3A_233 : i1
        %convert_element_type3A_234 = arith.extui %and3A : i1 to i32
        %cond3A_235 = arith.constant 0 : i32
        %cond3A_236 = arith.cmpi ne, %convert_element_type3A_234, %cond3A_235 : i32
        scf.if %cond3A_236 {
          %jit3A = arith.constant 10 : i32
          %div3A = arith.divsi %scan3A_225, %jit3A : i32
          %sign3A = arith.constant 0 : i32
          %sign3A_283 = arith.cmpi sgt, %scan3A_225, %sign3A : i32
          %sign3A_284 = arith.extui %sign3A_283 : i1 to i32
          %sign3A_285 = arith.constant 0 : i32
          %sign3A_286 = arith.cmpi slt, %scan3A_225, %sign3A_285 : i32
          %sign3A_287 = arith.extui %sign3A_286 : i1 to i32
          %sign3A_288 = arith.subi %sign3A_284, %sign3A_287 : i32
          %sign3A_289 = arith.constant 0 : i32
          %sign3A_290 = arith.cmpi sgt, %jit3A, %sign3A_289 : i32
          %sign3A_291 = arith.extui %sign3A_290 : i1 to i32
          %sign3A_292 = arith.constant 0 : i32
          %sign3A_293 = arith.cmpi slt, %jit3A, %sign3A_292 : i32
          %sign3A_294 = arith.extui %sign3A_293 : i1 to i32
          %sign3A_295 = arith.subi %sign3A_291, %sign3A_294 : i32
          %ne3A = arith.cmpi ne, %sign3A_288, %sign3A_295 : i32
          %rem3A_296 = arith.remsi %scan3A_225, %jit3A : i32
          %ne3A_297 = arith.constant 0 : i32
          %ne3A_298 = arith.cmpi ne, %rem3A_296, %ne3A_297 : i32
          %and3A_299 = arith.andi %ne3A, %ne3A_298 : i1
          %sub3A = arith.constant 1 : i32
          %sub3A_300 = arith.subi %div3A, %sub3A : i32
          %select_n3A = arith.select %and3A_299, %sub3A_300, %div3A : i32
          %add3A_301 = arith.constant 1 : i32
          %add3A_302 = arith.addi %select_n3A, %add3A_301 : i32
          %rem3A_303 = arith.constant 2 : i32
          %rem3A_304 = arith.remsi %add3A_302, %rem3A_303 : i32
          %mul3A_305 = arith.constant 10 : i32
          %mul3A_306 = arith.muli %rem3A_304, %mul3A_305 : i32
          %mul3A_307 = arith.constant 10 : i32
          %mul3A_308 = arith.muli %add3A_302, %mul3A_307 : i32
          %dma_start3A_309 = arith.constant 0 : i32
          %dma_start3A_310 = arith.constant 0 : i32
          %dma_start3A_311 = tpu.memref_slice %arg8[%mul3A_306, %dma_start3A_309, %dma_start3A_310] : memref<20x1x100xi32, #tpu.memory_space<vmem>> -> memref<10x1x100xi32, #tpu.memory_space<vmem>>
          %dma_start3A_312 = arith.constant 0 : i32
          %dma_start3A_313 = arith.constant 0 : i32
          %dma_start3A_314 = arith.constant 0 : i32
          %dma_start3A_315 = tpu.memref_slice %arg2[%add3A, %dma_start3A_312, %dma_start3A_313, %dma_start3A_314] : memref<32x100x1x100xi32, #tpu.memory_space<hbm>> -> memref<1x100x1x100xi32, #tpu.memory_space<hbm>>
          %dma_start3A_316 = tpu.memref_squeeze %dma_start3A_315 : memref<1x100x1x100xi32, #tpu.memory_space<hbm>> -> memref<100x1x100xi32, #tpu.memory_space<hbm>>
          %dma_start3A_317 = arith.constant 0 : i32
          %dma_start3A_318 = arith.constant 0 : i32
          %dma_start3A_319 = tpu.memref_slice %dma_start3A_316[%mul3A_308, %dma_start3A_317, %dma_start3A_318] : memref<100x1x100xi32, #tpu.memory_space<hbm>> -> memref<10x1x100xi32, #tpu.memory_space<hbm>>
          %dma_start3A_320 = arith.constant 0 : i32
          %dma_start3A_321 = arith.constant 0 : i32
          %dma_start3A_322 = tpu.memref_slice %arg8[%mul3A_306, %dma_start3A_320, %dma_start3A_321] : memref<20x1x100xi32, #tpu.memory_space<vmem>> -> memref<10x1x100xi32, #tpu.memory_space<vmem>>
          %dma_start3A_323 = arith.constant 0 : i32
          %dma_start3A_324 = arith.constant 0 : i32
          %dma_start3A_325 = arith.constant 0 : i32
          %dma_start3A_326 = tpu.memref_slice %arg2[%add3A, %dma_start3A_323, %dma_start3A_324, %dma_start3A_325] : memref<32x100x1x100xi32, #tpu.memory_space<hbm>> -> memref<1x100x1x100xi32, #tpu.memory_space<hbm>>
          %dma_start3A_327 = tpu.memref_squeeze %dma_start3A_326 : memref<1x100x1x100xi32, #tpu.memory_space<hbm>> -> memref<100x1x100xi32, #tpu.memory_space<hbm>>
          %dma_start3A_328 = arith.constant 0 : i32
          %dma_start3A_329 = arith.constant 0 : i32
          %dma_start3A_330 = tpu.memref_slice %dma_start3A_327[%mul3A_308, %dma_start3A_328, %dma_start3A_329] : memref<100x1x100xi32, #tpu.memory_space<hbm>> -> memref<10x1x100xi32, #tpu.memory_space<hbm>>
          tpu.enqueue_dma source(%dma_start3A_330 : memref<10x1x100xi32, #tpu.memory_space<hbm>>) target(%dma_start3A_322 : memref<10x1x100xi32, #tpu.memory_space<vmem>>) target_semaphore(%arg14 : memref<!tpu.dma_semaphore, #tpu.memory_space<semaphore_mem>>)
          %dma_start3A_331 = arith.constant 0 : i32
          %dma_start3A_332 = arith.constant 0 : i32
          %dma_start3A_333 = tpu.memref_slice %arg9[%mul3A_306, %dma_start3A_331, %dma_start3A_332] : memref<20x1x100xi32, #tpu.memory_space<vmem>> -> memref<10x1x100xi32, #tpu.memory_space<vmem>>
          %dma_start3A_334 = arith.constant 0 : i32
          %dma_start3A_335 = arith.constant 0 : i32
          %dma_start3A_336 = arith.constant 0 : i32
          %dma_start3A_337 = tpu.memref_slice %arg3[%add3A, %dma_start3A_334, %dma_start3A_335, %dma_start3A_336] : memref<32x100x1x100xi32, #tpu.memory_space<hbm>> -> memref<1x100x1x100xi32, #tpu.memory_space<hbm>>
          %dma_start3A_338 = tpu.memref_squeeze %dma_start3A_337 : memref<1x100x1x100xi32, #tpu.memory_space<hbm>> -> memref<100x1x100xi32, #tpu.memory_space<hbm>>
          %dma_start3A_339 = arith.constant 0 : i32
          %dma_start3A_340 = arith.constant 0 : i32
          %dma_start3A_341 = tpu.memref_slice %dma_start3A_338[%mul3A_308, %dma_start3A_339, %dma_start3A_340] : memref<100x1x100xi32, #tpu.memory_space<hbm>> -> memref<10x1x100xi32, #tpu.memory_space<hbm>>
          %dma_start3A_342 = arith.constant 0 : i32
          %dma_start3A_343 = arith.constant 0 : i32
          %dma_start3A_344 = tpu.memref_slice %arg9[%mul3A_306, %dma_start3A_342, %dma_start3A_343] : memref<20x1x100xi32, #tpu.memory_space<vmem>> -> memref<10x1x100xi32, #tpu.memory_space<vmem>>
          %dma_start3A_345 = arith.constant 0 : i32
          %dma_start3A_346 = arith.constant 0 : i32
          %dma_start3A_347 = arith.constant 0 : i32
          %dma_start3A_348 = tpu.memref_slice %arg3[%add3A, %dma_start3A_345, %dma_start3A_346, %dma_start3A_347] : memref<32x100x1x100xi32, #tpu.memory_space<hbm>> -> memref<1x100x1x100xi32, #tpu.memory_space<hbm>>
          %dma_start3A_349 = tpu.memref_squeeze %dma_start3A_348 : memref<1x100x1x100xi32, #tpu.memory_space<hbm>> -> memref<100x1x100xi32, #tpu.memory_space<hbm>>
          %dma_start3A_350 = arith.constant 0 : i32
          %dma_start3A_351 = arith.constant 0 : i32
          %dma_start3A_352 = tpu.memref_slice %dma_start3A_349[%mul3A_308, %dma_start3A_350, %dma_start3A_351] : memref<100x1x100xi32, #tpu.memory_space<hbm>> -> memref<10x1x100xi32, #tpu.memory_space<hbm>>
          tpu.enqueue_dma source(%dma_start3A_352 : memref<10x1x100xi32, #tpu.memory_space<hbm>>) target(%dma_start3A_344 : memref<10x1x100xi32, #tpu.memory_space<vmem>>) target_semaphore(%arg14 : memref<!tpu.dma_semaphore, #tpu.memory_space<semaphore_mem>>)
        } else {
        }
        %add3A_237 = arith.constant 2 : i32
        %add3A_238 = arith.addi %scan3A_225, %add3A_237 : i32
        %lt3A_239 = arith.constant 100 : i32
        %lt3A_240 = arith.cmpi slt, %add3A_238, %lt3A_239 : i32
        %convert_element_type3A_241 = arith.extui %lt3A_240 : i1 to i32
        %cond3A_242 = arith.constant 0 : i32
        %cond3A_243 = arith.cmpi ne, %convert_element_type3A_241, %cond3A_242 : i32
        scf.if %cond3A_243 {
          %ge3A = arith.constant 1 : i32
          %ge3A_283 = arith.cmpi sge, %scan3A_225, %ge3A : i32
          %convert_element_type3A_284 = arith.extui %ge3A_283 : i1 to i32
          %cond3A_285 = arith.constant 0 : i32
          %cond3A_286 = arith.cmpi ne, %convert_element_type3A_284, %cond3A_285 : i32
          scf.if %cond3A_286 {
            %sub3A = arith.constant 1 : i32
            %sub3A_317 = arith.subi %scan3A_225, %sub3A : i32
            %rem3A_318 = arith.constant 20 : i32
            %rem3A_319 = arith.remsi %sub3A_317, %rem3A_318 : i32
            %rem3A_320 = arith.constant 3 : i32
            %rem3A_321 = arith.remsi %sub3A_317, %rem3A_320 : i32
            %dma_wait3A_322 = arith.constant 0 : i32
            %dma_wait3A_323 = arith.constant 0 : i32
            %dma_wait3A_324 = arith.constant 0 : i32
            %dma_wait3A_325 = tpu.memref_slice %arg10[%rem3A_321, %dma_wait3A_323, %dma_wait3A_324] : memref<3x100x128xf32, #tpu.memory_space<vmem>> -> memref<1x100x128xf32, #tpu.memory_space<vmem>>
            %dma_wait3A_326 = tpu.memref_squeeze %dma_wait3A_325 : memref<1x100x128xf32, #tpu.memory_space<vmem>> -> memref<100x128xf32, #tpu.memory_space<vmem>>
            %dma_wait3A_327 = arith.constant 0 : i32
            %dma_wait3A_328 = arith.constant 0 : i32
            %dma_wait3A_329 = tpu.memref_slice %arg9[%rem3A_319, %dma_wait3A_327, %dma_wait3A_328] : memref<20x1x100xi32, #tpu.memory_space<vmem>> -> memref<1x1x100xi32, #tpu.memory_space<vmem>>
            %dma_wait3A_330 = tpu.memref_squeeze %dma_wait3A_329 : memref<1x1x100xi32, #tpu.memory_space<vmem>> -> memref<1x100xi32, #tpu.memory_space<vmem>>
            %dma_wait3A_331 = arith.constant 0 : i32
            %dma_wait3A_332 = tpu.memref_slice %dma_wait3A_330[%dma_wait3A_322, %dma_wait3A_331] : memref<1x100xi32, #tpu.memory_space<vmem>> -> memref<1x100xi32, #tpu.memory_space<vmem>>
            %dma_wait3A_333 = tpu.memref_squeeze %dma_wait3A_332 : memref<1x100xi32, #tpu.memory_space<vmem>> -> memref<100xi32, #tpu.memory_space<vmem>>
            %dma_wait3A_334 = arith.constant 0 : i32
            %dma_wait3A_335 = arith.constant 0 : i32
            %dma_wait3A_336 = tpu.memref_slice %arg11[%dma_wait3A_334, %dma_wait3A_335] : memref<10240x128xf32, #tpu.memory_space<vmem_shared>> -> memref<10240x128xf32, #tpu.memory_space<vmem_shared>>
            tpu.wait_indirect_dma semaphore(%arg13 : memref<!tpu.dma_semaphore, #tpu.memory_space<semaphore_mem>>) src(%dma_wait3A_326 : memref<100x128xf32, #tpu.memory_space<vmem>>) dst(%dma_wait3A_336 : memref<10240x128xf32, #tpu.memory_space<vmem_shared>>)
          } else {
          }
          %add3A_287 = arith.constant 2 : i32
          %add3A_288 = arith.addi %scan3A_225, %add3A_287 : i32
          %rem3A_289 = arith.constant 10 : i32
          %rem3A_290 = arith.remsi %add3A_288, %rem3A_289 : i32
          %eq3A_291 = arith.constant 0 : i32
          %eq3A_292 = arith.cmpi eq, %rem3A_290, %eq3A_291 : i32
          %convert_element_type3A_293 = arith.extui %eq3A_292 : i1 to i32
          %cond3A_294 = arith.constant 0 : i32
          %cond3A_295 = arith.cmpi ne, %convert_element_type3A_293, %cond3A_294 : i32
          scf.if %cond3A_295 {
            %add3A_317 = arith.constant 2 : i32
            %add3A_318 = arith.addi %scan3A_225, %add3A_317 : i32
            %jit3A = arith.constant 10 : i32
            %div3A = arith.divsi %add3A_318, %jit3A : i32
            %sign3A = arith.constant 0 : i32
            %sign3A_319 = arith.cmpi sgt, %add3A_318, %sign3A : i32
            %sign3A_320 = arith.extui %sign3A_319 : i1 to i32
            %sign3A_321 = arith.constant 0 : i32
            %sign3A_322 = arith.cmpi slt, %add3A_318, %sign3A_321 : i32
            %sign3A_323 = arith.extui %sign3A_322 : i1 to i32
            %sign3A_324 = arith.subi %sign3A_320, %sign3A_323 : i32
            %sign3A_325 = arith.constant 0 : i32
            %sign3A_326 = arith.cmpi sgt, %jit3A, %sign3A_325 : i32
            %sign3A_327 = arith.extui %sign3A_326 : i1 to i32
            %sign3A_328 = arith.constant 0 : i32
            %sign3A_329 = arith.cmpi slt, %jit3A, %sign3A_328 : i32
            %sign3A_330 = arith.extui %sign3A_329 : i1 to i32
            %sign3A_331 = arith.subi %sign3A_327, %sign3A_330 : i32
            %ne3A = arith.cmpi ne, %sign3A_324, %sign3A_331 : i32
            %rem3A_332 = arith.remsi %add3A_318, %jit3A : i32
            %ne3A_333 = arith.constant 0 : i32
            %ne3A_334 = arith.cmpi ne, %rem3A_332, %ne3A_333 : i32
            %and3A_335 = arith.andi %ne3A, %ne3A_334 : i1
            %sub3A = arith.constant 1 : i32
            %sub3A_336 = arith.subi %div3A, %sub3A : i32
            %select_n3A = arith.select %and3A_335, %sub3A_336, %div3A : i32
            %rem3A_337 = arith.constant 2 : i32
            %rem3A_338 = arith.remsi %select_n3A, %rem3A_337 : i32
            %mul3A_339 = arith.constant 10 : i32
            %mul3A_340 = arith.muli %rem3A_338, %mul3A_339 : i32
            %mul3A_341 = arith.constant 10 : i32
            %mul3A_342 = arith.muli %select_n3A, %mul3A_341 : i32
            %dma_wait3A_343 = arith.constant 0 : i32
            %dma_wait3A_344 = arith.constant 0 : i32
            %dma_wait3A_345 = tpu.memref_slice %arg8[%mul3A_340, %dma_wait3A_343, %dma_wait3A_344] : memref<20x1x100xi32, #tpu.memory_space<vmem>> -> memref<10x1x100xi32, #tpu.memory_space<vmem>>
            %dma_wait3A_346 = arith.constant 0 : i32
            %dma_wait3A_347 = arith.constant 0 : i32
            %dma_wait3A_348 = arith.constant 0 : i32
            %dma_wait3A_349 = tpu.memref_slice %arg2[%add3A, %dma_wait3A_346, %dma_wait3A_347, %dma_wait3A_348] : memref<32x100x1x100xi32, #tpu.memory_space<hbm>> -> memref<1x100x1x100xi32, #tpu.memory_space<hbm>>
            %dma_wait3A_350 = tpu.memref_squeeze %dma_wait3A_349 : memref<1x100x1x100xi32, #tpu.memory_space<hbm>> -> memref<100x1x100xi32, #tpu.memory_space<hbm>>
            %dma_wait3A_351 = arith.constant 0 : i32
            %dma_wait3A_352 = arith.constant 0 : i32
            %dma_wait3A_353 = tpu.memref_slice %dma_wait3A_350[%mul3A_342, %dma_wait3A_351, %dma_wait3A_352] : memref<100x1x100xi32, #tpu.memory_space<hbm>> -> memref<10x1x100xi32, #tpu.memory_space<hbm>>
            %dma_wait3A_354 = arith.constant 0 : i32
            %dma_wait3A_355 = arith.constant 0 : i32
            %dma_wait3A_356 = tpu.memref_slice %arg8[%mul3A_340, %dma_wait3A_354, %dma_wait3A_355] : memref<20x1x100xi32, #tpu.memory_space<vmem>> -> memref<10x1x100xi32, #tpu.memory_space<vmem>>
            %dma_wait3A_357 = arith.constant 0 : i32
            %dma_wait3A_358 = arith.constant 0 : i32
            %dma_wait3A_359 = arith.constant 0 : i32
            %dma_wait3A_360 = tpu.memref_slice %arg2[%add3A, %dma_wait3A_357, %dma_wait3A_358, %dma_wait3A_359] : memref<32x100x1x100xi32, #tpu.memory_space<hbm>> -> memref<1x100x1x100xi32, #tpu.memory_space<hbm>>
            %dma_wait3A_361 = tpu.memref_squeeze %dma_wait3A_360 : memref<1x100x1x100xi32, #tpu.memory_space<hbm>> -> memref<100x1x100xi32, #tpu.memory_space<hbm>>
            %dma_wait3A_362 = arith.constant 0 : i32
            %dma_wait3A_363 = arith.constant 0 : i32
            %dma_wait3A_364 = tpu.memref_slice %dma_wait3A_361[%mul3A_342, %dma_wait3A_362, %dma_wait3A_363] : memref<100x1x100xi32, #tpu.memory_space<hbm>> -> memref<10x1x100xi32, #tpu.memory_space<hbm>>
            tpu.wait_dma2 semaphore(%arg14 : memref<!tpu.dma_semaphore, #tpu.memory_space<semaphore_mem>>) src(%dma_wait3A_364 : memref<10x1x100xi32, #tpu.memory_space<hbm>>) dst(%dma_wait3A_356 : memref<10x1x100xi32, #tpu.memory_space<vmem>>)
            %dma_wait3A_365 = arith.constant 0 : i32
            %dma_wait3A_366 = arith.constant 0 : i32
            %dma_wait3A_367 = tpu.memref_slice %arg9[%mul3A_340, %dma_wait3A_365, %dma_wait3A_366] : memref<20x1x100xi32, #tpu.memory_space<vmem>> -> memref<10x1x100xi32, #tpu.memory_space<vmem>>
            %dma_wait3A_368 = arith.constant 0 : i32
            %dma_wait3A_369 = arith.constant 0 : i32
            %dma_wait3A_370 = arith.constant 0 : i32
            %dma_wait3A_371 = tpu.memref_slice %arg3[%add3A, %dma_wait3A_368, %dma_wait3A_369, %dma_wait3A_370] : memref<32x100x1x100xi32, #tpu.memory_space<hbm>> -> memref<1x100x1x100xi32, #tpu.memory_space<hbm>>
            %dma_wait3A_372 = tpu.memref_squeeze %dma_wait3A_371 : memref<1x100x1x100xi32, #tpu.memory_space<hbm>> -> memref<100x1x100xi32, #tpu.memory_space<hbm>>
            %dma_wait3A_373 = arith.constant 0 : i32
            %dma_wait3A_374 = arith.constant 0 : i32
            %dma_wait3A_375 = tpu.memref_slice %dma_wait3A_372[%mul3A_342, %dma_wait3A_373, %dma_wait3A_374] : memref<100x1x100xi32, #tpu.memory_space<hbm>> -> memref<10x1x100xi32, #tpu.memory_space<hbm>>
            %dma_wait3A_376 = arith.constant 0 : i32
            %dma_wait3A_377 = arith.constant 0 : i32
            %dma_wait3A_378 = tpu.memref_slice %arg9[%mul3A_340, %dma_wait3A_376, %dma_wait3A_377] : memref<20x1x100xi32, #tpu.memory_space<vmem>> -> memref<10x1x100xi32, #tpu.memory_space<vmem>>
            %dma_wait3A_379 = arith.constant 0 : i32
            %dma_wait3A_380 = arith.constant 0 : i32
            %dma_wait3A_381 = arith.constant 0 : i32
            %dma_wait3A_382 = tpu.memref_slice %arg3[%add3A, %dma_wait3A_379, %dma_wait3A_380, %dma_wait3A_381] : memref<32x100x1x100xi32, #tpu.memory_space<hbm>> -> memref<1x100x1x100xi32, #tpu.memory_space<hbm>>
            %dma_wait3A_383 = tpu.memref_squeeze %dma_wait3A_382 : memref<1x100x1x100xi32, #tpu.memory_space<hbm>> -> memref<100x1x100xi32, #tpu.memory_space<hbm>>
            %dma_wait3A_384 = arith.constant 0 : i32
            %dma_wait3A_385 = arith.constant 0 : i32
            %dma_wait3A_386 = tpu.memref_slice %dma_wait3A_383[%mul3A_342, %dma_wait3A_384, %dma_wait3A_385] : memref<100x1x100xi32, #tpu.memory_space<hbm>> -> memref<10x1x100xi32, #tpu.memory_space<hbm>>
            tpu.wait_dma2 semaphore(%arg14 : memref<!tpu.dma_semaphore, #tpu.memory_space<semaphore_mem>>) src(%dma_wait3A_386 : memref<10x1x100xi32, #tpu.memory_space<hbm>>) dst(%dma_wait3A_378 : memref<10x1x100xi32, #tpu.memory_space<vmem>>)
          } else {
          }
          %add3A_296 = arith.constant 2 : i32
          %add3A_297 = arith.addi %scan3A_225, %add3A_296 : i32
          %rem3A_298 = arith.constant 20 : i32
          %rem3A_299 = arith.remsi %add3A_297, %rem3A_298 : i32
          %rem3A_300 = arith.constant 3 : i32
          %rem3A_301 = arith.remsi %add3A_297, %rem3A_300 : i32
          %dma_start3A_302 = arith.constant 0 : i32
          %dma_start3A_303 = arith.constant 0 : i32
          %dma_start3A_304 = arith.constant 0 : i32
          %dma_start3A_305 = tpu.memref_slice %arg10[%rem3A_301, %dma_start3A_303, %dma_start3A_304] : memref<3x100x128xf32, #tpu.memory_space<vmem>> -> memref<1x100x128xf32, #tpu.memory_space<vmem>>
          %dma_start3A_306 = tpu.memref_squeeze %dma_start3A_305 : memref<1x100x128xf32, #tpu.memory_space<vmem>> -> memref<100x128xf32, #tpu.memory_space<vmem>>
          %dma_start3A_307 = arith.constant 0 : i32
          %dma_start3A_308 = arith.constant 0 : i32
          %dma_start3A_309 = tpu.memref_slice %arg8[%rem3A_299, %dma_start3A_307, %dma_start3A_308] : memref<20x1x100xi32, #tpu.memory_space<vmem>> -> memref<1x1x100xi32, #tpu.memory_space<vmem>>
          %dma_start3A_310 = tpu.memref_squeeze %dma_start3A_309 : memref<1x1x100xi32, #tpu.memory_space<vmem>> -> memref<1x100xi32, #tpu.memory_space<vmem>>
          %dma_start3A_311 = arith.constant 0 : i32
          %dma_start3A_312 = tpu.memref_slice %dma_start3A_310[%dma_start3A_302, %dma_start3A_311] : memref<1x100xi32, #tpu.memory_space<vmem>> -> memref<1x100xi32, #tpu.memory_space<vmem>>
          %dma_start3A_313 = tpu.memref_squeeze %dma_start3A_312 : memref<1x100xi32, #tpu.memory_space<vmem>> -> memref<100xi32, #tpu.memory_space<vmem>>
          %dma_start3A_314 = arith.constant 0 : i32
          %dma_start3A_315 = arith.constant 0 : i32
          %dma_start3A_316 = tpu.memref_slice %arg5[%dma_start3A_314, %dma_start3A_315] : memref<10240x128xf32, #tpu.memory_space<hbm>> -> memref<10240x128xf32, #tpu.memory_space<hbm>>
          tpu.enqueue_indirect_dma source(%dma_start3A_316 : memref<10240x128xf32, #tpu.memory_space<hbm>>) target(%dma_start3A_306 : memref<100x128xf32, #tpu.memory_space<vmem>>) offsets(%dma_start3A_313 : memref<100xi32, #tpu.memory_space<vmem>>) semaphore(%arg12 : memref<!tpu.dma_semaphore, #tpu.memory_space<semaphore_mem>>)
        } else {
        }
        %rem3A_244 = arith.constant 20 : i32
        %rem3A_245 = arith.remsi %scan3A_225, %rem3A_244 : i32
        %rem3A_246 = arith.constant 3 : i32
        %rem3A_247 = arith.remsi %scan3A_225, %rem3A_246 : i32
        %dma_wait3A_248 = arith.constant 0 : i32
        %dma_wait3A_249 = arith.constant 0 : i32
        %dma_wait3A_250 = arith.constant 0 : i32
        %dma_wait3A_251 = tpu.memref_slice %arg10[%rem3A_247, %dma_wait3A_249, %dma_wait3A_250] : memref<3x100x128xf32, #tpu.memory_space<vmem>> -> memref<1x100x128xf32, #tpu.memory_space<vmem>>
        %dma_wait3A_252 = tpu.memref_squeeze %dma_wait3A_251 : memref<1x100x128xf32, #tpu.memory_space<vmem>> -> memref<100x128xf32, #tpu.memory_space<vmem>>
        %dma_wait3A_253 = arith.constant 0 : i32
        %dma_wait3A_254 = arith.constant 0 : i32
        %dma_wait3A_255 = tpu.memref_slice %arg8[%rem3A_245, %dma_wait3A_253, %dma_wait3A_254] : memref<20x1x100xi32, #tpu.memory_space<vmem>> -> memref<1x1x100xi32, #tpu.memory_space<vmem>>
        %dma_wait3A_256 = tpu.memref_squeeze %dma_wait3A_255 : memref<1x1x100xi32, #tpu.memory_space<vmem>> -> memref<1x100xi32, #tpu.memory_space<vmem>>
        %dma_wait3A_257 = arith.constant 0 : i32
        %dma_wait3A_258 = tpu.memref_slice %dma_wait3A_256[%dma_wait3A_248, %dma_wait3A_257] : memref<1x100xi32, #tpu.memory_space<vmem>> -> memref<1x100xi32, #tpu.memory_space<vmem>>
        %dma_wait3A_259 = tpu.memref_squeeze %dma_wait3A_258 : memref<1x100xi32, #tpu.memory_space<vmem>> -> memref<100xi32, #tpu.memory_space<vmem>>
        %dma_wait3A_260 = arith.constant 0 : i32
        %dma_wait3A_261 = arith.constant 0 : i32
        %dma_wait3A_262 = tpu.memref_slice %arg5[%dma_wait3A_260, %dma_wait3A_261] : memref<10240x128xf32, #tpu.memory_space<hbm>> -> memref<10240x128xf32, #tpu.memory_space<hbm>>
        tpu.wait_indirect_dma semaphore(%arg12 : memref<!tpu.dma_semaphore, #tpu.memory_space<semaphore_mem>>) src(%dma_wait3A_262 : memref<10240x128xf32, #tpu.memory_space<hbm>>) dst(%dma_wait3A_252 : memref<100x128xf32, #tpu.memory_space<vmem>>)
        %rem3A_263 = arith.constant 20 : i32
        %rem3A_264 = arith.remsi %scan3A_225, %rem3A_263 : i32
        %rem3A_265 = arith.constant 3 : i32
        %rem3A_266 = arith.remsi %scan3A_225, %rem3A_265 : i32
        %dma_start3A_267 = arith.constant 0 : i32
        %dma_start3A_268 = arith.constant 0 : i32
        %dma_start3A_269 = arith.constant 0 : i32
        %dma_start3A_270 = tpu.memref_slice %arg10[%rem3A_266, %dma_start3A_268, %dma_start3A_269] : memref<3x100x128xf32, #tpu.memory_space<vmem>> -> memref<1x100x128xf32, #tpu.memory_space<vmem>>
        %dma_start3A_271 = tpu.memref_squeeze %dma_start3A_270 : memref<1x100x128xf32, #tpu.memory_space<vmem>> -> memref<100x128xf32, #tpu.memory_space<vmem>>
        %dma_start3A_272 = arith.constant 0 : i32
        %dma_start3A_273 = arith.constant 0 : i32
        %dma_start3A_274 = tpu.memref_slice %arg9[%rem3A_264, %dma_start3A_272, %dma_start3A_273] : memref<20x1x100xi32, #tpu.memory_space<vmem>> -> memref<1x1x100xi32, #tpu.memory_space<vmem>>
        %dma_start3A_275 = tpu.memref_squeeze %dma_start3A_274 : memref<1x1x100xi32, #tpu.memory_space<vmem>> -> memref<1x100xi32, #tpu.memory_space<vmem>>
        %dma_start3A_276 = arith.constant 0 : i32
        %dma_start3A_277 = tpu.memref_slice %dma_start3A_275[%dma_start3A_267, %dma_start3A_276] : memref<1x100xi32, #tpu.memory_space<vmem>> -> memref<1x100xi32, #tpu.memory_space<vmem>>
        %dma_start3A_278 = tpu.memref_squeeze %dma_start3A_277 : memref<1x100xi32, #tpu.memory_space<vmem>> -> memref<100xi32, #tpu.memory_space<vmem>>
        %dma_start3A_279 = arith.constant 0 : i32
        %dma_start3A_280 = arith.constant 0 : i32
        %dma_start3A_281 = tpu.memref_slice %arg11[%dma_start3A_279, %dma_start3A_280] : memref<10240x128xf32, #tpu.memory_space<vmem_shared>> -> memref<10240x128xf32, #tpu.memory_space<vmem_shared>>
        tpu.enqueue_indirect_dma source(%dma_start3A_271 : memref<100x128xf32, #tpu.memory_space<vmem>>) target(%dma_start3A_281 : memref<10240x128xf32, #tpu.memory_space<vmem_shared>>) offsets(%dma_start3A_278 : memref<100xi32, #tpu.memory_space<vmem>>) semaphore(%arg13 : memref<!tpu.dma_semaphore, #tpu.memory_space<semaphore_mem>>) {add = true}
        %scan3A_282 = arith.constant 0 : i32
        scf.yield %scan3A_282 : i32
      }
      %scan3A_160 = arith.constant 100 : i32
      %rem3A_161 = arith.constant 97 : i32
      %rem3A_162 = arith.constant 20 : i32
      %rem3A_163 = arith.remsi %rem3A_161, %rem3A_162 : i32
      %rem3A_164 = arith.constant 97 : i32
      %rem3A_165 = arith.constant 3 : i32
      %rem3A_166 = arith.remsi %rem3A_164, %rem3A_165 : i32
      %dma_wait3A_167 = arith.constant 0 : i32
      %dma_wait3A_168 = arith.constant 0 : i32
      %dma_wait3A_169 = arith.constant 0 : i32
      %dma_wait3A_170 = tpu.memref_slice %arg10[%rem3A_166, %dma_wait3A_168, %dma_wait3A_169] : memref<3x100x128xf32, #tpu.memory_space<vmem>> -> memref<1x100x128xf32, #tpu.memory_space<vmem>>
      %dma_wait3A_171 = tpu.memref_squeeze %dma_wait3A_170 : memref<1x100x128xf32, #tpu.memory_space<vmem>> -> memref<100x128xf32, #tpu.memory_space<vmem>>
      %dma_wait3A_172 = arith.constant 0 : i32
      %dma_wait3A_173 = arith.constant 0 : i32
      %dma_wait3A_174 = tpu.memref_slice %arg9[%rem3A_163, %dma_wait3A_172, %dma_wait3A_173] : memref<20x1x100xi32, #tpu.memory_space<vmem>> -> memref<1x1x100xi32, #tpu.memory_space<vmem>>
      %dma_wait3A_175 = tpu.memref_squeeze %dma_wait3A_174 : memref<1x1x100xi32, #tpu.memory_space<vmem>> -> memref<1x100xi32, #tpu.memory_space<vmem>>
      %dma_wait3A_176 = arith.constant 0 : i32
      %dma_wait3A_177 = tpu.memref_slice %dma_wait3A_175[%dma_wait3A_167, %dma_wait3A_176] : memref<1x100xi32, #tpu.memory_space<vmem>> -> memref<1x100xi32, #tpu.memory_space<vmem>>
      %dma_wait3A_178 = tpu.memref_squeeze %dma_wait3A_177 : memref<1x100xi32, #tpu.memory_space<vmem>> -> memref<100xi32, #tpu.memory_space<vmem>>
      %dma_wait3A_179 = arith.constant 0 : i32
      %dma_wait3A_180 = arith.constant 0 : i32
      %dma_wait3A_181 = tpu.memref_slice %arg11[%dma_wait3A_179, %dma_wait3A_180] : memref<10240x128xf32, #tpu.memory_space<vmem_shared>> -> memref<10240x128xf32, #tpu.memory_space<vmem_shared>>
      tpu.wait_indirect_dma semaphore(%arg13 : memref<!tpu.dma_semaphore, #tpu.memory_space<semaphore_mem>>) src(%dma_wait3A_171 : memref<100x128xf32, #tpu.memory_space<vmem>>) dst(%dma_wait3A_181 : memref<10240x128xf32, #tpu.memory_space<vmem_shared>>)
      %rem3A_182 = arith.constant 98 : i32
      %rem3A_183 = arith.constant 20 : i32
      %rem3A_184 = arith.remsi %rem3A_182, %rem3A_183 : i32
      %rem3A_185 = arith.constant 98 : i32
      %rem3A_186 = arith.constant 3 : i32
      %rem3A_187 = arith.remsi %rem3A_185, %rem3A_186 : i32
      %dma_wait3A_188 = arith.constant 0 : i32
      %dma_wait3A_189 = arith.constant 0 : i32
      %dma_wait3A_190 = arith.constant 0 : i32
      %dma_wait3A_191 = tpu.memref_slice %arg10[%rem3A_187, %dma_wait3A_189, %dma_wait3A_190] : memref<3x100x128xf32, #tpu.memory_space<vmem>> -> memref<1x100x128xf32, #tpu.memory_space<vmem>>
      %dma_wait3A_192 = tpu.memref_squeeze %dma_wait3A_191 : memref<1x100x128xf32, #tpu.memory_space<vmem>> -> memref<100x128xf32, #tpu.memory_space<vmem>>
      %dma_wait3A_193 = arith.constant 0 : i32
      %dma_wait3A_194 = arith.constant 0 : i32
      %dma_wait3A_195 = tpu.memref_slice %arg9[%rem3A_184, %dma_wait3A_193, %dma_wait3A_194] : memref<20x1x100xi32, #tpu.memory_space<vmem>> -> memref<1x1x100xi32, #tpu.memory_space<vmem>>
      %dma_wait3A_196 = tpu.memref_squeeze %dma_wait3A_195 : memref<1x1x100xi32, #tpu.memory_space<vmem>> -> memref<1x100xi32, #tpu.memory_space<vmem>>
      %dma_wait3A_197 = arith.constant 0 : i32
      %dma_wait3A_198 = tpu.memref_slice %dma_wait3A_196[%dma_wait3A_188, %dma_wait3A_197] : memref<1x100xi32, #tpu.memory_space<vmem>> -> memref<1x100xi32, #tpu.memory_space<vmem>>
      %dma_wait3A_199 = tpu.memref_squeeze %dma_wait3A_198 : memref<1x100xi32, #tpu.memory_space<vmem>> -> memref<100xi32, #tpu.memory_space<vmem>>
      %dma_wait3A_200 = arith.constant 0 : i32
      %dma_wait3A_201 = arith.constant 0 : i32
      %dma_wait3A_202 = tpu.memref_slice %arg11[%dma_wait3A_200, %dma_wait3A_201] : memref<10240x128xf32, #tpu.memory_space<vmem_shared>> -> memref<10240x128xf32, #tpu.memory_space<vmem_shared>>
      tpu.wait_indirect_dma semaphore(%arg13 : memref<!tpu.dma_semaphore, #tpu.memory_space<semaphore_mem>>) src(%dma_wait3A_192 : memref<100x128xf32, #tpu.memory_space<vmem>>) dst(%dma_wait3A_202 : memref<10240x128xf32, #tpu.memory_space<vmem_shared>>)
      %rem3A_203 = arith.constant 99 : i32
      %rem3A_204 = arith.constant 20 : i32
      %rem3A_205 = arith.remsi %rem3A_203, %rem3A_204 : i32
      %rem3A_206 = arith.constant 99 : i32
      %rem3A_207 = arith.constant 3 : i32
      %rem3A_208 = arith.remsi %rem3A_206, %rem3A_207 : i32
      %dma_wait3A_209 = arith.constant 0 : i32
      %dma_wait3A_210 = arith.constant 0 : i32
      %dma_wait3A_211 = arith.constant 0 : i32
      %dma_wait3A_212 = tpu.memref_slice %arg10[%rem3A_208, %dma_wait3A_210, %dma_wait3A_211] : memref<3x100x128xf32, #tpu.memory_space<vmem>> -> memref<1x100x128xf32, #tpu.memory_space<vmem>>
      %dma_wait3A_213 = tpu.memref_squeeze %dma_wait3A_212 : memref<1x100x128xf32, #tpu.memory_space<vmem>> -> memref<100x128xf32, #tpu.memory_space<vmem>>
      %dma_wait3A_214 = arith.constant 0 : i32
      %dma_wait3A_215 = arith.constant 0 : i32
      %dma_wait3A_216 = tpu.memref_slice %arg9[%rem3A_205, %dma_wait3A_214, %dma_wait3A_215] : memref<20x1x100xi32, #tpu.memory_space<vmem>> -> memref<1x1x100xi32, #tpu.memory_space<vmem>>
      %dma_wait3A_217 = tpu.memref_squeeze %dma_wait3A_216 : memref<1x1x100xi32, #tpu.memory_space<vmem>> -> memref<1x100xi32, #tpu.memory_space<vmem>>
      %dma_wait3A_218 = arith.constant 0 : i32
      %dma_wait3A_219 = tpu.memref_slice %dma_wait3A_217[%dma_wait3A_209, %dma_wait3A_218] : memref<1x100xi32, #tpu.memory_space<vmem>> -> memref<1x100xi32, #tpu.memory_space<vmem>>
      %dma_wait3A_220 = tpu.memref_squeeze %dma_wait3A_219 : memref<1x100xi32, #tpu.memory_space<vmem>> -> memref<100xi32, #tpu.memory_space<vmem>>
      %dma_wait3A_221 = arith.constant 0 : i32
      %dma_wait3A_222 = arith.constant 0 : i32
      %dma_wait3A_223 = tpu.memref_slice %arg11[%dma_wait3A_221, %dma_wait3A_222] : memref<10240x128xf32, #tpu.memory_space<vmem_shared>> -> memref<10240x128xf32, #tpu.memory_space<vmem_shared>>
      tpu.wait_indirect_dma semaphore(%arg13 : memref<!tpu.dma_semaphore, #tpu.memory_space<semaphore_mem>>) src(%dma_wait3A_213 : memref<100x128xf32, #tpu.memory_space<vmem>>) dst(%dma_wait3A_223 : memref<10240x128xf32, #tpu.memory_space<vmem_shared>>)
      %barrier3A_224 = arith.constant 0 : index
      tpu.barrier barrier_id(%barrier3A_224)
      "tpu.region"() ({
        %run_scoped3A = tpu.sem_alloc : memref<!tpu.dma_semaphore, #tpu.memory_space<semaphore_mem>>
        %dma_start3A_225 = arith.constant 0 : i32
        %dma_start3A_226 = tpu.memref_slice %arg7[%mul3A_2, %dma_start3A_225] : memref<10240x128xf32, #tpu.memory_space<hbm>> -> memref<640x128xf32, #tpu.memory_space<hbm>>
        %dma_start3A_227 = arith.constant 0 : i32
        %dma_start3A_228 = tpu.memref_slice %arg11[%mul3A_2, %dma_start3A_227] : memref<10240x128xf32, #tpu.memory_space<vmem_shared>> -> memref<640x128xf32, #tpu.memory_space<vmem_shared>>
        tpu.enqueue_dma source(%dma_start3A_228 : memref<640x128xf32, #tpu.memory_space<vmem_shared>>) target(%dma_start3A_226 : memref<640x128xf32, #tpu.memory_space<hbm>>) target_semaphore(%run_scoped3A : memref<!tpu.dma_semaphore, #tpu.memory_space<semaphore_mem>>)
        %dma_wait3A_229 = arith.constant 0 : i32
        %dma_wait3A_230 = tpu.memref_slice %arg7[%mul3A_2, %dma_wait3A_229] : memref<10240x128xf32, #tpu.memory_space<hbm>> -> memref<640x128xf32, #tpu.memory_space<hbm>>
        %dma_wait3A_231 = arith.constant 0 : i32
        %dma_wait3A_232 = tpu.memref_slice %arg11[%mul3A_2, %dma_wait3A_231] : memref<10240x128xf32, #tpu.memory_space<vmem_shared>> -> memref<640x128xf32, #tpu.memory_space<vmem_shared>>
        tpu.wait_dma2 semaphore(%run_scoped3A : memref<!tpu.dma_semaphore, #tpu.memory_space<semaphore_mem>>) src(%dma_wait3A_232 : memref<640x128xf32, #tpu.memory_space<vmem_shared>>) dst(%dma_wait3A_230 : memref<640x128xf32, #tpu.memory_space<hbm>>)
        tpu.yield
      }) : () -> ()
    } else {
    }
    return
  }
}

#map = affine_map<(d0, d1) -> (0, 0, 0)>
#map1 = affine_map<(d0, d1) -> (0)>
module attributes {stable_mosaic.version = 14 : i64} {
  func.func @_deg_kernel(%arg0: i32, %arg1: i32, %arg2: memref<32x80x125xi32, #tpu.memory_space<hbm>>, %arg3: memref<10240xf32, #tpu.memory_space<hbm>>, %arg4: memref<10240xf32, #tpu.memory_space<hbm>>, %arg5: memref<80x125xi32, #tpu.memory_space<vmem>>, %arg6: memref<128xf32, #tpu.memory_space<vmem>>, %arg7: memref<640xf32, #tpu.memory_space<vmem>>, %arg8: memref<10240xf32, #tpu.memory_space<vmem_shared>>, %arg9: memref<!tpu.dma_semaphore, #tpu.memory_space<semaphore_mem>>) attributes {dimension_semantics = [#tpu.dimension_semantics<core_parallel>, #tpu.dimension_semantics<subcore_parallel>], iteration_bounds = array<i64: 2, 16>, scalar_prefetch = 0 : i64, scratch_operands = 5 : i64, tpu.core_type = #tpu.core_type<sc_vector_subcore>, window_params = [{transform_indices = #map}, {transform_indices = #map1}, {transform_indices = #map1}]} {
    %mul3A = arith.constant 2 : i32
    %mul3A_0 = arith.muli %arg1, %mul3A : i32
    %add3A = arith.addi %mul3A_0, %arg0 : i32
    %scan3A = arith.constant 0 : i32
    %scan3A_1 = arith.constant 0 : i32
    %scan3A_2 = arith.constant 8 : i32
    %scan3A_3 = arith.addi %scan3A_1, %scan3A_2 : i32
    %scan3A_4 = arith.constant 1 : i32
    %scan3A_5 = scf.for %scan3A_38 = %scan3A_1 to %scan3A_3 step %scan3A_4 iter_args(%scan3A_39 = %scan3A) -> (i32)  : i32 {
      %broadcast_in_dim3A = arith.constant 1.000000e+00 : f32
      %broadcast_in_dim3A_40 = vector.broadcast %broadcast_in_dim3A : f32 to vector<16xf32>
      %mul3A_41 = arith.constant 16 : i32
      %mul3A_42 = arith.muli %scan3A_38, %mul3A_41 : i32
      %swap3A = arith.index_cast %mul3A_42 : i32 to index
      %swap3A_43 = tpu.vector_load %arg6[%swap3A] {strides = array<i32>} : memref<128xf32, #tpu.memory_space<vmem>>, vector<16xf32>,
      %swap3A_44 = vector.shape_cast %swap3A_43 : vector<16xf32> to vector<16xf32>
      %swap3A_45 = vector.shape_cast %broadcast_in_dim3A_40 : vector<16xf32> to vector<16xf32>
      tpu.vector_store %arg6[%swap3A], %swap3A_45 {strides = array<i32>} : memref<128xf32, #tpu.memory_space<vmem>>, vector<16xf32>,
      %scan3A_46 = arith.constant 0 : i32
      scf.yield %scan3A_46 : i32
    }
    %scan3A_6 = arith.constant 8 : i32
    %scan3A_7 = arith.constant 0 : i32
    %scan3A_8 = arith.constant 0 : i32
    %scan3A_9 = arith.constant 40 : i32
    %scan3A_10 = arith.addi %scan3A_8, %scan3A_9 : i32
    %scan3A_11 = arith.constant 1 : i32
    %scan3A_12 = scf.for %scan3A_38 = %scan3A_8 to %scan3A_10 step %scan3A_11 iter_args(%scan3A_39 = %scan3A_7) -> (i32)  : i32 {
      %broadcast_in_dim3A = arith.constant 0.000000e+00 : f32
      %broadcast_in_dim3A_40 = vector.broadcast %broadcast_in_dim3A : f32 to vector<16xf32>
      %mul3A_41 = arith.constant 16 : i32
      %mul3A_42 = arith.muli %scan3A_38, %mul3A_41 : i32
      %swap3A = arith.index_cast %mul3A_42 : i32 to index
      %swap3A_43 = tpu.vector_load %arg7[%swap3A] {strides = array<i32>} : memref<640xf32, #tpu.memory_space<vmem>>, vector<16xf32>,
      %swap3A_44 = vector.shape_cast %swap3A_43 : vector<16xf32> to vector<16xf32>
      %swap3A_45 = vector.shape_cast %broadcast_in_dim3A_40 : vector<16xf32> to vector<16xf32>
      tpu.vector_store %arg7[%swap3A], %swap3A_45 {strides = array<i32>} : memref<640xf32, #tpu.memory_space<vmem>>, vector<16xf32>,
      %scan3A_46 = arith.constant 0 : i32
      scf.yield %scan3A_46 : i32
    }
    %scan3A_13 = arith.constant 40 : i32
    %mul3A_14 = arith.constant 640 : i32
    %mul3A_15 = arith.muli %arg1, %mul3A_14 : i32
    "tpu.region"() ({
      %run_scoped3A = tpu.sem_alloc : memref<!tpu.dma_semaphore, #tpu.memory_space<semaphore_mem>>
      %dma_start3A = tpu.memref_slice %arg8[%mul3A_15] : memref<10240xf32, #tpu.memory_space<vmem_shared>> -> memref<640xf32, #tpu.memory_space<vmem_shared>>
      %dma_start3A_38 = tpu.memref_slice %arg8[%mul3A_15] : memref<10240xf32, #tpu.memory_space<vmem_shared>> -> memref<640xf32, #tpu.memory_space<vmem_shared>>
      tpu.enqueue_dma source(%arg7 : memref<640xf32, #tpu.memory_space<vmem>>) target(%dma_start3A_38 : memref<640xf32, #tpu.memory_space<vmem_shared>>) target_semaphore(%run_scoped3A : memref<!tpu.dma_semaphore, #tpu.memory_space<semaphore_mem>>)
      %dma_wait3A = tpu.memref_slice %arg8[%mul3A_15] : memref<10240xf32, #tpu.memory_space<vmem_shared>> -> memref<640xf32, #tpu.memory_space<vmem_shared>>
      %dma_wait3A_39 = tpu.memref_slice %arg8[%mul3A_15] : memref<10240xf32, #tpu.memory_space<vmem_shared>> -> memref<640xf32, #tpu.memory_space<vmem_shared>>
      tpu.wait_dma2 semaphore(%run_scoped3A : memref<!tpu.dma_semaphore, #tpu.memory_space<semaphore_mem>>) src(%arg7 : memref<640xf32, #tpu.memory_space<vmem>>) dst(%dma_wait3A_39 : memref<640xf32, #tpu.memory_space<vmem_shared>>)
      tpu.yield
    }) : () -> ()
    "tpu.region"() ({
      %run_scoped3A = tpu.sem_alloc : memref<!tpu.dma_semaphore, #tpu.memory_space<semaphore_mem>>
      %dma_start3A = arith.constant 0 : i32
      %dma_start3A_38 = arith.constant 0 : i32
      %dma_start3A_39 = tpu.memref_slice %arg2[%add3A, %dma_start3A, %dma_start3A_38] : memref<32x80x125xi32, #tpu.memory_space<hbm>> -> memref<1x80x125xi32, #tpu.memory_space<hbm>>
      %dma_start3A_40 = tpu.memref_squeeze %dma_start3A_39 : memref<1x80x125xi32, #tpu.memory_space<hbm>> -> memref<80x125xi32, #tpu.memory_space<hbm>>
      %dma_start3A_41 = arith.constant 0 : i32
      %dma_start3A_42 = arith.constant 0 : i32
      %dma_start3A_43 = tpu.memref_slice %arg2[%add3A, %dma_start3A_41, %dma_start3A_42] : memref<32x80x125xi32, #tpu.memory_space<hbm>> -> memref<1x80x125xi32, #tpu.memory_space<hbm>>
      %dma_start3A_44 = tpu.memref_squeeze %dma_start3A_43 : memref<1x80x125xi32, #tpu.memory_space<hbm>> -> memref<80x125xi32, #tpu.memory_space<hbm>>
      tpu.enqueue_dma source(%dma_start3A_44 : memref<80x125xi32, #tpu.memory_space<hbm>>) target(%arg5 : memref<80x125xi32, #tpu.memory_space<vmem>>) target_semaphore(%run_scoped3A : memref<!tpu.dma_semaphore, #tpu.memory_space<semaphore_mem>>)
      %dma_wait3A = arith.constant 0 : i32
      %dma_wait3A_45 = arith.constant 0 : i32
      %dma_wait3A_46 = tpu.memref_slice %arg2[%add3A, %dma_wait3A, %dma_wait3A_45] : memref<32x80x125xi32, #tpu.memory_space<hbm>> -> memref<1x80x125xi32, #tpu.memory_space<hbm>>
      %dma_wait3A_47 = tpu.memref_squeeze %dma_wait3A_46 : memref<1x80x125xi32, #tpu.memory_space<hbm>> -> memref<80x125xi32, #tpu.memory_space<hbm>>
      %dma_wait3A_48 = arith.constant 0 : i32
      %dma_wait3A_49 = arith.constant 0 : i32
      %dma_wait3A_50 = tpu.memref_slice %arg2[%add3A, %dma_wait3A_48, %dma_wait3A_49] : memref<32x80x125xi32, #tpu.memory_space<hbm>> -> memref<1x80x125xi32, #tpu.memory_space<hbm>>
      %dma_wait3A_51 = tpu.memref_squeeze %dma_wait3A_50 : memref<1x80x125xi32, #tpu.memory_space<hbm>> -> memref<80x125xi32, #tpu.memory_space<hbm>>
      tpu.wait_dma2 semaphore(%run_scoped3A : memref<!tpu.dma_semaphore, #tpu.memory_space<semaphore_mem>>) src(%dma_wait3A_51 : memref<80x125xi32, #tpu.memory_space<hbm>>) dst(%arg5 : memref<80x125xi32, #tpu.memory_space<vmem>>)
      tpu.yield
    }) : () -> ()
    %barrier3A = arith.constant 0 : index
    tpu.barrier barrier_id(%barrier3A)
    %scan3A_16 = arith.constant 0 : i32
    %scan3A_17 = arith.constant 0 : i32
    %scan3A_18 = arith.constant 80 : i32
    %scan3A_19 = arith.addi %scan3A_17, %scan3A_18 : i32
    %scan3A_20 = arith.constant 1 : i32
    %scan3A_21 = scf.for %scan3A_38 = %scan3A_17 to %scan3A_19 step %scan3A_20 iter_args(%scan3A_39 = %scan3A_16) -> (i32)  : i32 {
      %dma_start3A = arith.constant 0 : i32
      %dma_start3A_40 = tpu.memref_slice %arg6[%dma_start3A] : memref<128xf32, #tpu.memory_space<vmem>> -> memref<125xf32, #tpu.memory_space<vmem>>
      %dma_start3A_41 = arith.constant 0 : i32
      %dma_start3A_42 = tpu.memref_slice %arg5[%scan3A_38, %dma_start3A_41] : memref<80x125xi32, #tpu.memory_space<vmem>> -> memref<1x125xi32, #tpu.memory_space<vmem>>
      %dma_start3A_43 = tpu.memref_squeeze %dma_start3A_42 : memref<1x125xi32, #tpu.memory_space<vmem>> -> memref<125xi32, #tpu.memory_space<vmem>>
      %dma_start3A_44 = arith.constant 0 : i32
      %dma_start3A_45 = tpu.memref_slice %arg8[%dma_start3A_44] : memref<10240xf32, #tpu.memory_space<vmem_shared>> -> memref<10240xf32, #tpu.memory_space<vmem_shared>>
      tpu.enqueue_indirect_dma source(%dma_start3A_40 : memref<125xf32, #tpu.memory_space<vmem>>) target(%dma_start3A_45 : memref<10240xf32, #tpu.memory_space<vmem_shared>>) offsets(%dma_start3A_43 : memref<125xi32, #tpu.memory_space<vmem>>) semaphore(%arg9 : memref<!tpu.dma_semaphore, #tpu.memory_space<semaphore_mem>>) {add = true}
      %scan3A_46 = arith.constant 0 : i32
      scf.yield %scan3A_46 : i32
    }
    %scan3A_22 = arith.constant 80 : i32
    %scan3A_23 = arith.constant 0 : i32
    %scan3A_24 = arith.constant 0 : i32
    %scan3A_25 = arith.constant 80 : i32
    %scan3A_26 = arith.addi %scan3A_24, %scan3A_25 : i32
    %scan3A_27 = arith.constant 1 : i32
    %scan3A_28 = scf.for %scan3A_38 = %scan3A_24 to %scan3A_26 step %scan3A_27 iter_args(%scan3A_39 = %scan3A_23) -> (i32)  : i32 {
      %dma_wait3A = arith.constant 0 : i32
      %dma_wait3A_40 = tpu.memref_slice %arg6[%dma_wait3A] : memref<128xf32, #tpu.memory_space<vmem>> -> memref<125xf32, #tpu.memory_space<vmem>>
      %dma_wait3A_41 = arith.constant 0 : i32
      %dma_wait3A_42 = tpu.memref_slice %arg5[%scan3A_38, %dma_wait3A_41] : memref<80x125xi32, #tpu.memory_space<vmem>> -> memref<1x125xi32, #tpu.memory_space<vmem>>
      %dma_wait3A_43 = tpu.memref_squeeze %dma_wait3A_42 : memref<1x125xi32, #tpu.memory_space<vmem>> -> memref<125xi32, #tpu.memory_space<vmem>>
      %dma_wait3A_44 = arith.constant 0 : i32
      %dma_wait3A_45 = tpu.memref_slice %arg8[%dma_wait3A_44] : memref<10240xf32, #tpu.memory_space<vmem_shared>> -> memref<10240xf32, #tpu.memory_space<vmem_shared>>
      tpu.wait_indirect_dma semaphore(%arg9 : memref<!tpu.dma_semaphore, #tpu.memory_space<semaphore_mem>>) src(%dma_wait3A_40 : memref<125xf32, #tpu.memory_space<vmem>>) dst(%dma_wait3A_45 : memref<10240xf32, #tpu.memory_space<vmem_shared>>)
      %scan3A_46 = arith.constant 0 : i32
      scf.yield %scan3A_46 : i32
    }
    %scan3A_29 = arith.constant 80 : i32
    %barrier3A_30 = arith.constant 0 : index
    tpu.barrier barrier_id(%barrier3A_30)
    %eq3A = arith.constant 0 : i32
    %eq3A_31 = arith.cmpi eq, %arg0, %eq3A : i32
    %convert_element_type3A = arith.extui %eq3A_31 : i1 to i32
    %cond3A = arith.constant 0 : i32
    %cond3A_32 = arith.cmpi ne, %convert_element_type3A, %cond3A : i32
    scf.if %cond3A_32 {
      "tpu.region"() ({
        %run_scoped3A = tpu.sem_alloc : memref<!tpu.dma_semaphore, #tpu.memory_space<semaphore_mem>>
        %dma_start3A = tpu.memref_slice %arg3[%mul3A_15] : memref<10240xf32, #tpu.memory_space<hbm>> -> memref<640xf32, #tpu.memory_space<hbm>>
        %dma_start3A_38 = tpu.memref_slice %arg8[%mul3A_15] : memref<10240xf32, #tpu.memory_space<vmem_shared>> -> memref<640xf32, #tpu.memory_space<vmem_shared>>
        tpu.enqueue_dma source(%dma_start3A_38 : memref<640xf32, #tpu.memory_space<vmem_shared>>) target(%dma_start3A : memref<640xf32, #tpu.memory_space<hbm>>) target_semaphore(%run_scoped3A : memref<!tpu.dma_semaphore, #tpu.memory_space<semaphore_mem>>)
        %dma_wait3A = tpu.memref_slice %arg3[%mul3A_15] : memref<10240xf32, #tpu.memory_space<hbm>> -> memref<640xf32, #tpu.memory_space<hbm>>
        %dma_wait3A_39 = tpu.memref_slice %arg8[%mul3A_15] : memref<10240xf32, #tpu.memory_space<vmem_shared>> -> memref<640xf32, #tpu.memory_space<vmem_shared>>
        tpu.wait_dma2 semaphore(%run_scoped3A : memref<!tpu.dma_semaphore, #tpu.memory_space<semaphore_mem>>) src(%dma_wait3A_39 : memref<640xf32, #tpu.memory_space<vmem_shared>>) dst(%dma_wait3A : memref<640xf32, #tpu.memory_space<hbm>>)
        tpu.yield
      }) : () -> ()
    } else {
    }
    %eq3A_33 = arith.constant 1 : i32
    %eq3A_34 = arith.cmpi eq, %arg0, %eq3A_33 : i32
    %convert_element_type3A_35 = arith.extui %eq3A_34 : i1 to i32
    %cond3A_36 = arith.constant 0 : i32
    %cond3A_37 = arith.cmpi ne, %convert_element_type3A_35, %cond3A_36 : i32
    scf.if %cond3A_37 {
      "tpu.region"() ({
        %run_scoped3A = tpu.sem_alloc : memref<!tpu.dma_semaphore, #tpu.memory_space<semaphore_mem>>
        %dma_start3A = tpu.memref_slice %arg4[%mul3A_15] : memref<10240xf32, #tpu.memory_space<hbm>> -> memref<640xf32, #tpu.memory_space<hbm>>
        %dma_start3A_38 = tpu.memref_slice %arg8[%mul3A_15] : memref<10240xf32, #tpu.memory_space<vmem_shared>> -> memref<640xf32, #tpu.memory_space<vmem_shared>>
        tpu.enqueue_dma source(%dma_start3A_38 : memref<640xf32, #tpu.memory_space<vmem_shared>>) target(%dma_start3A : memref<640xf32, #tpu.memory_space<hbm>>) target_semaphore(%run_scoped3A : memref<!tpu.dma_semaphore, #tpu.memory_space<semaphore_mem>>)
        %dma_wait3A = tpu.memref_slice %arg4[%mul3A_15] : memref<10240xf32, #tpu.memory_space<hbm>> -> memref<640xf32, #tpu.memory_space<hbm>>
        %dma_wait3A_39 = tpu.memref_slice %arg8[%mul3A_15] : memref<10240xf32, #tpu.memory_space<vmem_shared>> -> memref<640xf32, #tpu.memory_space<vmem_shared>>
        tpu.wait_dma2 semaphore(%run_scoped3A : memref<!tpu.dma_semaphore, #tpu.memory_space<semaphore_mem>>) src(%dma_wait3A_39 : memref<640xf32, #tpu.memory_space<vmem_shared>>) dst(%dma_wait3A : memref<640xf32, #tpu.memory_space<hbm>>)
        tpu.yield
      }) : () -> ()
    } else {
    }
    return
  }
}

#map = affine_map<(d0, d1) -> (0, 0, 0, 0)>
#map1 = affine_map<(d0, d1) -> (0, 0)>
module attributes {stable_mosaic.version = 14 : i64} {
  func.func @agg(%arg0: i32, %arg1: i32, %arg2: memref<32x100x1x100xi32, #tpu.memory_space<hbm>>, %arg3: memref<32x100x1x100xi32, #tpu.memory_space<hbm>>, %arg4: memref<10240x128xf32, #tpu.memory_space<hbm>>, %arg5: memref<10240x128xf32, #tpu.memory_space<hbm>>, %arg6: memref<10240x128xf32, #tpu.memory_space<hbm>>, %arg7: memref<10240x128xf32, #tpu.memory_space<hbm>>, %arg8: memref<20x1x100xi32, #tpu.memory_space<vmem>>, %arg9: memref<20x1x100xi32, #tpu.memory_space<vmem>>, %arg10: memref<3x100x128xf32, #tpu.memory_space<vmem>>, %arg11: memref<10240x128xf32, #tpu.memory_space<vmem_shared>>, %arg12: memref<!tpu.dma_semaphore, #tpu.memory_space<semaphore_mem>>, %arg13: memref<!tpu.dma_semaphore, #tpu.memory_space<semaphore_mem>>, %arg14: memref<!tpu.dma_semaphore, #tpu.memory_space<semaphore_mem>>) attributes {dimension_semantics = [#tpu.dimension_semantics<core_parallel>, #tpu.dimension_semantics<subcore_parallel>], iteration_bounds = array<i64: 2, 16>, scalar_prefetch = 0 : i64, scratch_operands = 7 : i64, tpu.core_type = #tpu.core_type<sc_vector_subcore>, window_params = [{transform_indices = #map}, {transform_indices = #map}, {transform_indices = #map1}, {transform_indices = #map1}, {transform_indices = #map1}, {transform_indices = #map1}]} {
    %mul3A = arith.constant 2 : i32
    %mul3A_0 = arith.muli %arg1, %mul3A : i32
    %add3A = arith.addi %mul3A_0, %arg0 : i32
    %mul3A_1 = arith.constant 640 : i32
    %mul3A_2 = arith.muli %arg1, %mul3A_1 : i32
    %eq3A = arith.constant 0 : i32
    %eq3A_3 = arith.cmpi eq, %arg0, %eq3A : i32
    %convert_element_type3A = arith.extui %eq3A_3 : i1 to i32
    %cond3A = arith.constant 0 : i32
    %cond3A_4 = arith.cmpi ne, %convert_element_type3A, %cond3A : i32
    scf.if %cond3A_4 {
      %rem3A = arith.constant 0 : i32
      %rem3A_10 = arith.constant 2 : i32
      %rem3A_11 = arith.remsi %rem3A, %rem3A_10 : i32
      %mul3A_12 = arith.constant 10 : i32
      %mul3A_13 = arith.muli %rem3A_11, %mul3A_12 : i32
      %dma_start3A = arith.constant 0 : i32
      %dma_start3A_14 = arith.constant 0 : i32
      %dma_start3A_15 = tpu.memref_slice %arg8[%mul3A_13, %dma_start3A, %dma_start3A_14] : memref<20x1x100xi32, #tpu.memory_space<vmem>> -> memref<10x1x100xi32, #tpu.memory_space<vmem>>
      %dma_start3A_16 = arith.constant 0 : i32
      %dma_start3A_17 = arith.constant 0 : i32
      %dma_start3A_18 = arith.constant 0 : i32
      %dma_start3A_19 = tpu.memref_slice %arg2[%add3A, %dma_start3A_16, %dma_start3A_17, %dma_start3A_18] : memref<32x100x1x100xi32, #tpu.memory_space<hbm>> -> memref<1x100x1x100xi32, #tpu.memory_space<hbm>>
      %dma_start3A_20 = tpu.memref_squeeze %dma_start3A_19 : memref<1x100x1x100xi32, #tpu.memory_space<hbm>> -> memref<100x1x100xi32, #tpu.memory_space<hbm>>
      %dma_start3A_21 = arith.constant 0 : i32
      %dma_start3A_22 = arith.constant 0 : i32
      %dma_start3A_23 = arith.constant 0 : i32
      %dma_start3A_24 = tpu.memref_slice %dma_start3A_20[%dma_start3A_21, %dma_start3A_22, %dma_start3A_23] : memref<100x1x100xi32, #tpu.memory_space<hbm>> -> memref<10x1x100xi32, #tpu.memory_space<hbm>>
      %dma_start3A_25 = arith.constant 0 : i32
      %dma_start3A_26 = arith.constant 0 : i32
      %dma_start3A_27 = tpu.memref_slice %arg8[%mul3A_13, %dma_start3A_25, %dma_start3A_26] : memref<20x1x100xi32, #tpu.memory_space<vmem>> -> memref<10x1x100xi32, #tpu.memory_space<vmem>>
      %dma_start3A_28 = arith.constant 0 : i32
      %dma_start3A_29 = arith.constant 0 : i32
      %dma_start3A_30 = arith.constant 0 : i32
      %dma_start3A_31 = tpu.memref_slice %arg2[%add3A, %dma_start3A_28, %dma_start3A_29, %dma_start3A_30] : memref<32x100x1x100xi32, #tpu.memory_space<hbm>> -> memref<1x100x1x100xi32, #tpu.memory_space<hbm>>
      %dma_start3A_32 = tpu.memref_squeeze %dma_start3A_31 : memref<1x100x1x100xi32, #tpu.memory_space<hbm>> -> memref<100x1x100xi32, #tpu.memory_space<hbm>>
      %dma_start3A_33 = arith.constant 0 : i32
      %dma_start3A_34 = arith.constant 0 : i32
      %dma_start3A_35 = arith.constant 0 : i32
      %dma_start3A_36 = tpu.memref_slice %dma_start3A_32[%dma_start3A_33, %dma_start3A_34, %dma_start3A_35] : memref<100x1x100xi32, #tpu.memory_space<hbm>> -> memref<10x1x100xi32, #tpu.memory_space<hbm>>
      tpu.enqueue_dma source(%dma_start3A_36 : memref<10x1x100xi32, #tpu.memory_space<hbm>>) target(%dma_start3A_27 : memref<10x1x100xi32, #tpu.memory_space<vmem>>) target_semaphore(%arg14 : memref<!tpu.dma_semaphore, #tpu.memory_space<semaphore_mem>>)
      %dma_start3A_37 = arith.constant 0 : i32
      %dma_start3A_38 = arith.constant 0 : i32
      %dma_start3A_39 = tpu.memref_slice %arg9[%mul3A_13, %dma_start3A_37, %dma_start3A_38] : memref<20x1x100xi32, #tpu.memory_space<vmem>> -> memref<10x1x100xi32, #tpu.memory_space<vmem>>
      %dma_start3A_40 = arith.constant 0 : i32
      %dma_start3A_41 = arith.constant 0 : i32
      %dma_start3A_42 = arith.constant 0 : i32
      %dma_start3A_43 = tpu.memref_slice %arg3[%add3A, %dma_start3A_40, %dma_start3A_41, %dma_start3A_42] : memref<32x100x1x100xi32, #tpu.memory_space<hbm>> -> memref<1x100x1x100xi32, #tpu.memory_space<hbm>>
      %dma_start3A_44 = tpu.memref_squeeze %dma_start3A_43 : memref<1x100x1x100xi32, #tpu.memory_space<hbm>> -> memref<100x1x100xi32, #tpu.memory_space<hbm>>
      %dma_start3A_45 = arith.constant 0 : i32
      %dma_start3A_46 = arith.constant 0 : i32
      %dma_start3A_47 = arith.constant 0 : i32
      %dma_start3A_48 = tpu.memref_slice %dma_start3A_44[%dma_start3A_45, %dma_start3A_46, %dma_start3A_47] : memref<100x1x100xi32, #tpu.memory_space<hbm>> -> memref<10x1x100xi32, #tpu.memory_space<hbm>>
      %dma_start3A_49 = arith.constant 0 : i32
      %dma_start3A_50 = arith.constant 0 : i32
      %dma_start3A_51 = tpu.memref_slice %arg9[%mul3A_13, %dma_start3A_49, %dma_start3A_50] : memref<20x1x100xi32, #tpu.memory_space<vmem>> -> memref<10x1x100xi32, #tpu.memory_space<vmem>>
      %dma_start3A_52 = arith.constant 0 : i32
      %dma_start3A_53 = arith.constant 0 : i32
      %dma_start3A_54 = arith.constant 0 : i32
      %dma_start3A_55 = tpu.memref_slice %arg3[%add3A, %dma_start3A_52, %dma_start3A_53, %dma_start3A_54] : memref<32x100x1x100xi32, #tpu.memory_space<hbm>> -> memref<1x100x1x100xi32, #tpu.memory_space<hbm>>
      %dma_start3A_56 = tpu.memref_squeeze %dma_start3A_55 : memref<1x100x1x100xi32, #tpu.memory_space<hbm>> -> memref<100x1x100xi32, #tpu.memory_space<hbm>>
      %dma_start3A_57 = arith.constant 0 : i32
      %dma_start3A_58 = arith.constant 0 : i32
      %dma_start3A_59 = arith.constant 0 : i32
      %dma_start3A_60 = tpu.memref_slice %dma_start3A_56[%dma_start3A_57, %dma_start3A_58, %dma_start3A_59] : memref<100x1x100xi32, #tpu.memory_space<hbm>> -> memref<10x1x100xi32, #tpu.memory_space<hbm>>
      tpu.enqueue_dma source(%dma_start3A_60 : memref<10x1x100xi32, #tpu.memory_space<hbm>>) target(%dma_start3A_51 : memref<10x1x100xi32, #tpu.memory_space<vmem>>) target_semaphore(%arg14 : memref<!tpu.dma_semaphore, #tpu.memory_space<semaphore_mem>>)
      "tpu.region"() ({
        %run_scoped3A = tpu.sem_alloc : memref<!tpu.dma_semaphore, #tpu.memory_space<semaphore_mem>>
        %dma_start3A_225 = arith.constant 0 : i32
        %dma_start3A_226 = tpu.memref_slice %arg11[%mul3A_2, %dma_start3A_225] : memref<10240x128xf32, #tpu.memory_space<vmem_shared>> -> memref<640x128xf32, #tpu.memory_space<vmem_shared>>
        %dma_start3A_227 = arith.constant 0 : i32
        %dma_start3A_228 = tpu.memref_slice %arg4[%mul3A_2, %dma_start3A_227] : memref<10240x128xf32, #tpu.memory_space<hbm>> -> memref<640x128xf32, #tpu.memory_space<hbm>>
        tpu.enqueue_dma source(%dma_start3A_228 : memref<640x128xf32, #tpu.memory_space<hbm>>) target(%dma_start3A_226 : memref<640x128xf32, #tpu.memory_space<vmem_shared>>) target_semaphore(%run_scoped3A : memref<!tpu.dma_semaphore, #tpu.memory_space<semaphore_mem>>)
        %dma_wait3A_229 = arith.constant 0 : i32
        %dma_wait3A_230 = tpu.memref_slice %arg11[%mul3A_2, %dma_wait3A_229] : memref<10240x128xf32, #tpu.memory_space<vmem_shared>> -> memref<640x128xf32, #tpu.memory_space<vmem_shared>>
        %dma_wait3A_231 = arith.constant 0 : i32
        %dma_wait3A_232 = tpu.memref_slice %arg4[%mul3A_2, %dma_wait3A_231] : memref<10240x128xf32, #tpu.memory_space<hbm>> -> memref<640x128xf32, #tpu.memory_space<hbm>>
        tpu.wait_dma2 semaphore(%run_scoped3A : memref<!tpu.dma_semaphore, #tpu.memory_space<semaphore_mem>>) src(%dma_wait3A_232 : memref<640x128xf32, #tpu.memory_space<hbm>>) dst(%dma_wait3A_230 : memref<640x128xf32, #tpu.memory_space<vmem_shared>>)
        tpu.yield
      }) : () -> ()
      %rem3A_61 = arith.constant 0 : i32
      %rem3A_62 = arith.constant 2 : i32
      %rem3A_63 = arith.remsi %rem3A_61, %rem3A_62 : i32
      %mul3A_64 = arith.constant 10 : i32
      %mul3A_65 = arith.muli %rem3A_63, %mul3A_64 : i32
      %dma_wait3A = arith.constant 0 : i32
      %dma_wait3A_66 = arith.constant 0 : i32
      %dma_wait3A_67 = tpu.memref_slice %arg8[%mul3A_65, %dma_wait3A, %dma_wait3A_66] : memref<20x1x100xi32, #tpu.memory_space<vmem>> -> memref<10x1x100xi32, #tpu.memory_space<vmem>>
      %dma_wait3A_68 = arith.constant 0 : i32
      %dma_wait3A_69 = arith.constant 0 : i32
      %dma_wait3A_70 = arith.constant 0 : i32
      %dma_wait3A_71 = tpu.memref_slice %arg2[%add3A, %dma_wait3A_68, %dma_wait3A_69, %dma_wait3A_70] : memref<32x100x1x100xi32, #tpu.memory_space<hbm>> -> memref<1x100x1x100xi32, #tpu.memory_space<hbm>>
      %dma_wait3A_72 = tpu.memref_squeeze %dma_wait3A_71 : memref<1x100x1x100xi32, #tpu.memory_space<hbm>> -> memref<100x1x100xi32, #tpu.memory_space<hbm>>
      %dma_wait3A_73 = arith.constant 0 : i32
      %dma_wait3A_74 = arith.constant 0 : i32
      %dma_wait3A_75 = arith.constant 0 : i32
      %dma_wait3A_76 = tpu.memref_slice %dma_wait3A_72[%dma_wait3A_73, %dma_wait3A_74, %dma_wait3A_75] : memref<100x1x100xi32, #tpu.memory_space<hbm>> -> memref<10x1x100xi32, #tpu.memory_space<hbm>>
      %dma_wait3A_77 = arith.constant 0 : i32
      %dma_wait3A_78 = arith.constant 0 : i32
      %dma_wait3A_79 = tpu.memref_slice %arg8[%mul3A_65, %dma_wait3A_77, %dma_wait3A_78] : memref<20x1x100xi32, #tpu.memory_space<vmem>> -> memref<10x1x100xi32, #tpu.memory_space<vmem>>
      %dma_wait3A_80 = arith.constant 0 : i32
      %dma_wait3A_81 = arith.constant 0 : i32
      %dma_wait3A_82 = arith.constant 0 : i32
      %dma_wait3A_83 = tpu.memref_slice %arg2[%add3A, %dma_wait3A_80, %dma_wait3A_81, %dma_wait3A_82] : memref<32x100x1x100xi32, #tpu.memory_space<hbm>> -> memref<1x100x1x100xi32, #tpu.memory_space<hbm>>
      %dma_wait3A_84 = tpu.memref_squeeze %dma_wait3A_83 : memref<1x100x1x100xi32, #tpu.memory_space<hbm>> -> memref<100x1x100xi32, #tpu.memory_space<hbm>>
      %dma_wait3A_85 = arith.constant 0 : i32
      %dma_wait3A_86 = arith.constant 0 : i32
      %dma_wait3A_87 = arith.constant 0 : i32
      %dma_wait3A_88 = tpu.memref_slice %dma_wait3A_84[%dma_wait3A_85, %dma_wait3A_86, %dma_wait3A_87] : memref<100x1x100xi32, #tpu.memory_space<hbm>> -> memref<10x1x100xi32, #tpu.memory_space<hbm>>
      tpu.wait_dma2 semaphore(%arg14 : memref<!tpu.dma_semaphore, #tpu.memory_space<semaphore_mem>>) src(%dma_wait3A_88 : memref<10x1x100xi32, #tpu.memory_space<hbm>>) dst(%dma_wait3A_79 : memref<10x1x100xi32, #tpu.memory_space<vmem>>)
      %dma_wait3A_89 = arith.constant 0 : i32
      %dma_wait3A_90 = arith.constant 0 : i32
      %dma_wait3A_91 = tpu.memref_slice %arg9[%mul3A_65, %dma_wait3A_89, %dma_wait3A_90] : memref<20x1x100xi32, #tpu.memory_space<vmem>> -> memref<10x1x100xi32, #tpu.memory_space<vmem>>
      %dma_wait3A_92 = arith.constant 0 : i32
      %dma_wait3A_93 = arith.constant 0 : i32
      %dma_wait3A_94 = arith.constant 0 : i32
      %dma_wait3A_95 = tpu.memref_slice %arg3[%add3A, %dma_wait3A_92, %dma_wait3A_93, %dma_wait3A_94] : memref<32x100x1x100xi32, #tpu.memory_space<hbm>> -> memref<1x100x1x100xi32, #tpu.memory_space<hbm>>
      %dma_wait3A_96 = tpu.memref_squeeze %dma_wait3A_95 : memref<1x100x1x100xi32, #tpu.memory_space<hbm>> -> memref<100x1x100xi32, #tpu.memory_space<hbm>>
      %dma_wait3A_97 = arith.constant 0 : i32
      %dma_wait3A_98 = arith.constant 0 : i32
      %dma_wait3A_99 = arith.constant 0 : i32
      %dma_wait3A_100 = tpu.memref_slice %dma_wait3A_96[%dma_wait3A_97, %dma_wait3A_98, %dma_wait3A_99] : memref<100x1x100xi32, #tpu.memory_space<hbm>> -> memref<10x1x100xi32, #tpu.memory_space<hbm>>
      %dma_wait3A_101 = arith.constant 0 : i32
      %dma_wait3A_102 = arith.constant 0 : i32
      %dma_wait3A_103 = tpu.memref_slice %arg9[%mul3A_65, %dma_wait3A_101, %dma_wait3A_102] : memref<20x1x100xi32, #tpu.memory_space<vmem>> -> memref<10x1x100xi32, #tpu.memory_space<vmem>>
      %dma_wait3A_104 = arith.constant 0 : i32
      %dma_wait3A_105 = arith.constant 0 : i32
      %dma_wait3A_106 = arith.constant 0 : i32
      %dma_wait3A_107 = tpu.memref_slice %arg3[%add3A, %dma_wait3A_104, %dma_wait3A_105, %dma_wait3A_106] : memref<32x100x1x100xi32, #tpu.memory_space<hbm>> -> memref<1x100x1x100xi32, #tpu.memory_space<hbm>>
      %dma_wait3A_108 = tpu.memref_squeeze %dma_wait3A_107 : memref<1x100x1x100xi32, #tpu.memory_space<hbm>> -> memref<100x1x100xi32, #tpu.memory_space<hbm>>
      %dma_wait3A_109 = arith.constant 0 : i32
      %dma_wait3A_110 = arith.constant 0 : i32
      %dma_wait3A_111 = arith.constant 0 : i32
      %dma_wait3A_112 = tpu.memref_slice %dma_wait3A_108[%dma_wait3A_109, %dma_wait3A_110, %dma_wait3A_111] : memref<100x1x100xi32, #tpu.memory_space<hbm>> -> memref<10x1x100xi32, #tpu.memory_space<hbm>>
      tpu.wait_dma2 semaphore(%arg14 : memref<!tpu.dma_semaphore, #tpu.memory_space<semaphore_mem>>) src(%dma_wait3A_112 : memref<10x1x100xi32, #tpu.memory_space<hbm>>) dst(%dma_wait3A_103 : memref<10x1x100xi32, #tpu.memory_space<vmem>>)
      %barrier3A = arith.constant 0 : index
      tpu.barrier barrier_id(%barrier3A)
      %rem3A_113 = arith.constant 0 : i32
      %rem3A_114 = arith.constant 20 : i32
      %rem3A_115 = arith.remsi %rem3A_113, %rem3A_114 : i32
      %rem3A_116 = arith.constant 0 : i32
      %rem3A_117 = arith.constant 3 : i32
      %rem3A_118 = arith.remsi %rem3A_116, %rem3A_117 : i32
      %dma_start3A_119 = arith.constant 0 : i32
      %dma_start3A_120 = arith.constant 0 : i32
      %dma_start3A_121 = arith.constant 0 : i32
      %dma_start3A_122 = tpu.memref_slice %arg10[%rem3A_118, %dma_start3A_120, %dma_start3A_121] : memref<3x100x128xf32, #tpu.memory_space<vmem>> -> memref<1x100x128xf32, #tpu.memory_space<vmem>>
      %dma_start3A_123 = tpu.memref_squeeze %dma_start3A_122 : memref<1x100x128xf32, #tpu.memory_space<vmem>> -> memref<100x128xf32, #tpu.memory_space<vmem>>
      %dma_start3A_124 = arith.constant 0 : i32
      %dma_start3A_125 = arith.constant 0 : i32
      %dma_start3A_126 = tpu.memref_slice %arg8[%rem3A_115, %dma_start3A_124, %dma_start3A_125] : memref<20x1x100xi32, #tpu.memory_space<vmem>> -> memref<1x1x100xi32, #tpu.memory_space<vmem>>
      %dma_start3A_127 = tpu.memref_squeeze %dma_start3A_126 : memref<1x1x100xi32, #tpu.memory_space<vmem>> -> memref<1x100xi32, #tpu.memory_space<vmem>>
      %dma_start3A_128 = arith.constant 0 : i32
      %dma_start3A_129 = tpu.memref_slice %dma_start3A_127[%dma_start3A_119, %dma_start3A_128] : memref<1x100xi32, #tpu.memory_space<vmem>> -> memref<1x100xi32, #tpu.memory_space<vmem>>
      %dma_start3A_130 = tpu.memref_squeeze %dma_start3A_129 : memref<1x100xi32, #tpu.memory_space<vmem>> -> memref<100xi32, #tpu.memory_space<vmem>>
      %dma_start3A_131 = arith.constant 0 : i32
      %dma_start3A_132 = arith.constant 0 : i32
      %dma_start3A_133 = tpu.memref_slice %arg4[%dma_start3A_131, %dma_start3A_132] : memref<10240x128xf32, #tpu.memory_space<hbm>> -> memref<10240x128xf32, #tpu.memory_space<hbm>>
      tpu.enqueue_indirect_dma source(%dma_start3A_133 : memref<10240x128xf32, #tpu.memory_space<hbm>>) target(%dma_start3A_123 : memref<100x128xf32, #tpu.memory_space<vmem>>) offsets(%dma_start3A_130 : memref<100xi32, #tpu.memory_space<vmem>>) semaphore(%arg12 : memref<!tpu.dma_semaphore, #tpu.memory_space<semaphore_mem>>)
      %rem3A_134 = arith.constant 1 : i32
      %rem3A_135 = arith.constant 20 : i32
      %rem3A_136 = arith.remsi %rem3A_134, %rem3A_135 : i32
      %rem3A_137 = arith.constant 1 : i32
      %rem3A_138 = arith.constant 3 : i32
      %rem3A_139 = arith.remsi %rem3A_137, %rem3A_138 : i32
      %dma_start3A_140 = arith.constant 0 : i32
      %dma_start3A_141 = arith.constant 0 : i32
      %dma_start3A_142 = arith.constant 0 : i32
      %dma_start3A_143 = tpu.memref_slice %arg10[%rem3A_139, %dma_start3A_141, %dma_start3A_142] : memref<3x100x128xf32, #tpu.memory_space<vmem>> -> memref<1x100x128xf32, #tpu.memory_space<vmem>>
      %dma_start3A_144 = tpu.memref_squeeze %dma_start3A_143 : memref<1x100x128xf32, #tpu.memory_space<vmem>> -> memref<100x128xf32, #tpu.memory_space<vmem>>
      %dma_start3A_145 = arith.constant 0 : i32
      %dma_start3A_146 = arith.constant 0 : i32
      %dma_start3A_147 = tpu.memref_slice %arg8[%rem3A_136, %dma_start3A_145, %dma_start3A_146] : memref<20x1x100xi32, #tpu.memory_space<vmem>> -> memref<1x1x100xi32, #tpu.memory_space<vmem>>
      %dma_start3A_148 = tpu.memref_squeeze %dma_start3A_147 : memref<1x1x100xi32, #tpu.memory_space<vmem>> -> memref<1x100xi32, #tpu.memory_space<vmem>>
      %dma_start3A_149 = arith.constant 0 : i32
      %dma_start3A_150 = tpu.memref_slice %dma_start3A_148[%dma_start3A_140, %dma_start3A_149] : memref<1x100xi32, #tpu.memory_space<vmem>> -> memref<1x100xi32, #tpu.memory_space<vmem>>
      %dma_start3A_151 = tpu.memref_squeeze %dma_start3A_150 : memref<1x100xi32, #tpu.memory_space<vmem>> -> memref<100xi32, #tpu.memory_space<vmem>>
      %dma_start3A_152 = arith.constant 0 : i32
      %dma_start3A_153 = arith.constant 0 : i32
      %dma_start3A_154 = tpu.memref_slice %arg4[%dma_start3A_152, %dma_start3A_153] : memref<10240x128xf32, #tpu.memory_space<hbm>> -> memref<10240x128xf32, #tpu.memory_space<hbm>>
      tpu.enqueue_indirect_dma source(%dma_start3A_154 : memref<10240x128xf32, #tpu.memory_space<hbm>>) target(%dma_start3A_144 : memref<100x128xf32, #tpu.memory_space<vmem>>) offsets(%dma_start3A_151 : memref<100xi32, #tpu.memory_space<vmem>>) semaphore(%arg12 : memref<!tpu.dma_semaphore, #tpu.memory_space<semaphore_mem>>)
      %scan3A = arith.constant 0 : i32
      %scan3A_155 = arith.constant 0 : i32
      %scan3A_156 = arith.constant 100 : i32
      %scan3A_157 = arith.addi %scan3A_155, %scan3A_156 : i32
      %scan3A_158 = arith.constant 1 : i32
      %scan3A_159 = scf.for %scan3A_225 = %scan3A_155 to %scan3A_157 step %scan3A_158 iter_args(%scan3A_226 = %scan3A) -> (i32)  : i32 {
        %rem3A_227 = arith.constant 10 : i32
        %rem3A_228 = arith.remsi %scan3A_225, %rem3A_227 : i32
        %eq3A_229 = arith.constant 0 : i32
        %eq3A_230 = arith.cmpi eq, %rem3A_228, %eq3A_229 : i32
        %add3A_231 = arith.constant 10 : i32
        %add3A_232 = arith.addi %scan3A_225, %add3A_231 : i32
        %lt3A = arith.constant 100 : i32
        %lt3A_233 = arith.cmpi slt, %add3A_232, %lt3A : i32
        %and3A = arith.andi %eq3A_230, %lt3A_233 : i1
        %convert_element_type3A_234 = arith.extui %and3A : i1 to i32
        %cond3A_235 = arith.constant 0 : i32
        %cond3A_236 = arith.cmpi ne, %convert_element_type3A_234, %cond3A_235 : i32
        scf.if %cond3A_236 {
          %jit3A = arith.constant 10 : i32
          %div3A = arith.divsi %scan3A_225, %jit3A : i32
          %sign3A = arith.constant 0 : i32
          %sign3A_283 = arith.cmpi sgt, %scan3A_225, %sign3A : i32
          %sign3A_284 = arith.extui %sign3A_283 : i1 to i32
          %sign3A_285 = arith.constant 0 : i32
          %sign3A_286 = arith.cmpi slt, %scan3A_225, %sign3A_285 : i32
          %sign3A_287 = arith.extui %sign3A_286 : i1 to i32
          %sign3A_288 = arith.subi %sign3A_284, %sign3A_287 : i32
          %sign3A_289 = arith.constant 0 : i32
          %sign3A_290 = arith.cmpi sgt, %jit3A, %sign3A_289 : i32
          %sign3A_291 = arith.extui %sign3A_290 : i1 to i32
          %sign3A_292 = arith.constant 0 : i32
          %sign3A_293 = arith.cmpi slt, %jit3A, %sign3A_292 : i32
          %sign3A_294 = arith.extui %sign3A_293 : i1 to i32
          %sign3A_295 = arith.subi %sign3A_291, %sign3A_294 : i32
          %ne3A = arith.cmpi ne, %sign3A_288, %sign3A_295 : i32
          %rem3A_296 = arith.remsi %scan3A_225, %jit3A : i32
          %ne3A_297 = arith.constant 0 : i32
          %ne3A_298 = arith.cmpi ne, %rem3A_296, %ne3A_297 : i32
          %and3A_299 = arith.andi %ne3A, %ne3A_298 : i1
          %sub3A = arith.constant 1 : i32
          %sub3A_300 = arith.subi %div3A, %sub3A : i32
          %select_n3A = arith.select %and3A_299, %sub3A_300, %div3A : i32
          %add3A_301 = arith.constant 1 : i32
          %add3A_302 = arith.addi %select_n3A, %add3A_301 : i32
          %rem3A_303 = arith.constant 2 : i32
          %rem3A_304 = arith.remsi %add3A_302, %rem3A_303 : i32
          %mul3A_305 = arith.constant 10 : i32
          %mul3A_306 = arith.muli %rem3A_304, %mul3A_305 : i32
          %mul3A_307 = arith.constant 10 : i32
          %mul3A_308 = arith.muli %add3A_302, %mul3A_307 : i32
          %dma_start3A_309 = arith.constant 0 : i32
          %dma_start3A_310 = arith.constant 0 : i32
          %dma_start3A_311 = tpu.memref_slice %arg8[%mul3A_306, %dma_start3A_309, %dma_start3A_310] : memref<20x1x100xi32, #tpu.memory_space<vmem>> -> memref<10x1x100xi32, #tpu.memory_space<vmem>>
          %dma_start3A_312 = arith.constant 0 : i32
          %dma_start3A_313 = arith.constant 0 : i32
          %dma_start3A_314 = arith.constant 0 : i32
          %dma_start3A_315 = tpu.memref_slice %arg2[%add3A, %dma_start3A_312, %dma_start3A_313, %dma_start3A_314] : memref<32x100x1x100xi32, #tpu.memory_space<hbm>> -> memref<1x100x1x100xi32, #tpu.memory_space<hbm>>
          %dma_start3A_316 = tpu.memref_squeeze %dma_start3A_315 : memref<1x100x1x100xi32, #tpu.memory_space<hbm>> -> memref<100x1x100xi32, #tpu.memory_space<hbm>>
          %dma_start3A_317 = arith.constant 0 : i32
          %dma_start3A_318 = arith.constant 0 : i32
          %dma_start3A_319 = tpu.memref_slice %dma_start3A_316[%mul3A_308, %dma_start3A_317, %dma_start3A_318] : memref<100x1x100xi32, #tpu.memory_space<hbm>> -> memref<10x1x100xi32, #tpu.memory_space<hbm>>
          %dma_start3A_320 = arith.constant 0 : i32
          %dma_start3A_321 = arith.constant 0 : i32
          %dma_start3A_322 = tpu.memref_slice %arg8[%mul3A_306, %dma_start3A_320, %dma_start3A_321] : memref<20x1x100xi32, #tpu.memory_space<vmem>> -> memref<10x1x100xi32, #tpu.memory_space<vmem>>
          %dma_start3A_323 = arith.constant 0 : i32
          %dma_start3A_324 = arith.constant 0 : i32
          %dma_start3A_325 = arith.constant 0 : i32
          %dma_start3A_326 = tpu.memref_slice %arg2[%add3A, %dma_start3A_323, %dma_start3A_324, %dma_start3A_325] : memref<32x100x1x100xi32, #tpu.memory_space<hbm>> -> memref<1x100x1x100xi32, #tpu.memory_space<hbm>>
          %dma_start3A_327 = tpu.memref_squeeze %dma_start3A_326 : memref<1x100x1x100xi32, #tpu.memory_space<hbm>> -> memref<100x1x100xi32, #tpu.memory_space<hbm>>
          %dma_start3A_328 = arith.constant 0 : i32
          %dma_start3A_329 = arith.constant 0 : i32
          %dma_start3A_330 = tpu.memref_slice %dma_start3A_327[%mul3A_308, %dma_start3A_328, %dma_start3A_329] : memref<100x1x100xi32, #tpu.memory_space<hbm>> -> memref<10x1x100xi32, #tpu.memory_space<hbm>>
          tpu.enqueue_dma source(%dma_start3A_330 : memref<10x1x100xi32, #tpu.memory_space<hbm>>) target(%dma_start3A_322 : memref<10x1x100xi32, #tpu.memory_space<vmem>>) target_semaphore(%arg14 : memref<!tpu.dma_semaphore, #tpu.memory_space<semaphore_mem>>)
          %dma_start3A_331 = arith.constant 0 : i32
          %dma_start3A_332 = arith.constant 0 : i32
          %dma_start3A_333 = tpu.memref_slice %arg9[%mul3A_306, %dma_start3A_331, %dma_start3A_332] : memref<20x1x100xi32, #tpu.memory_space<vmem>> -> memref<10x1x100xi32, #tpu.memory_space<vmem>>
          %dma_start3A_334 = arith.constant 0 : i32
          %dma_start3A_335 = arith.constant 0 : i32
          %dma_start3A_336 = arith.constant 0 : i32
          %dma_start3A_337 = tpu.memref_slice %arg3[%add3A, %dma_start3A_334, %dma_start3A_335, %dma_start3A_336] : memref<32x100x1x100xi32, #tpu.memory_space<hbm>> -> memref<1x100x1x100xi32, #tpu.memory_space<hbm>>
          %dma_start3A_338 = tpu.memref_squeeze %dma_start3A_337 : memref<1x100x1x100xi32, #tpu.memory_space<hbm>> -> memref<100x1x100xi32, #tpu.memory_space<hbm>>
          %dma_start3A_339 = arith.constant 0 : i32
          %dma_start3A_340 = arith.constant 0 : i32
          %dma_start3A_341 = tpu.memref_slice %dma_start3A_338[%mul3A_308, %dma_start3A_339, %dma_start3A_340] : memref<100x1x100xi32, #tpu.memory_space<hbm>> -> memref<10x1x100xi32, #tpu.memory_space<hbm>>
          %dma_start3A_342 = arith.constant 0 : i32
          %dma_start3A_343 = arith.constant 0 : i32
          %dma_start3A_344 = tpu.memref_slice %arg9[%mul3A_306, %dma_start3A_342, %dma_start3A_343] : memref<20x1x100xi32, #tpu.memory_space<vmem>> -> memref<10x1x100xi32, #tpu.memory_space<vmem>>
          %dma_start3A_345 = arith.constant 0 : i32
          %dma_start3A_346 = arith.constant 0 : i32
          %dma_start3A_347 = arith.constant 0 : i32
          %dma_start3A_348 = tpu.memref_slice %arg3[%add3A, %dma_start3A_345, %dma_start3A_346, %dma_start3A_347] : memref<32x100x1x100xi32, #tpu.memory_space<hbm>> -> memref<1x100x1x100xi32, #tpu.memory_space<hbm>>
          %dma_start3A_349 = tpu.memref_squeeze %dma_start3A_348 : memref<1x100x1x100xi32, #tpu.memory_space<hbm>> -> memref<100x1x100xi32, #tpu.memory_space<hbm>>
          %dma_start3A_350 = arith.constant 0 : i32
          %dma_start3A_351 = arith.constant 0 : i32
          %dma_start3A_352 = tpu.memref_slice %dma_start3A_349[%mul3A_308, %dma_start3A_350, %dma_start3A_351] : memref<100x1x100xi32, #tpu.memory_space<hbm>> -> memref<10x1x100xi32, #tpu.memory_space<hbm>>
          tpu.enqueue_dma source(%dma_start3A_352 : memref<10x1x100xi32, #tpu.memory_space<hbm>>) target(%dma_start3A_344 : memref<10x1x100xi32, #tpu.memory_space<vmem>>) target_semaphore(%arg14 : memref<!tpu.dma_semaphore, #tpu.memory_space<semaphore_mem>>)
        } else {
        }
        %add3A_237 = arith.constant 2 : i32
        %add3A_238 = arith.addi %scan3A_225, %add3A_237 : i32
        %lt3A_239 = arith.constant 100 : i32
        %lt3A_240 = arith.cmpi slt, %add3A_238, %lt3A_239 : i32
        %convert_element_type3A_241 = arith.extui %lt3A_240 : i1 to i32
        %cond3A_242 = arith.constant 0 : i32
        %cond3A_243 = arith.cmpi ne, %convert_element_type3A_241, %cond3A_242 : i32
        scf.if %cond3A_243 {
          %ge3A = arith.constant 1 : i32
          %ge3A_283 = arith.cmpi sge, %scan3A_225, %ge3A : i32
          %convert_element_type3A_284 = arith.extui %ge3A_283 : i1 to i32
          %cond3A_285 = arith.constant 0 : i32
          %cond3A_286 = arith.cmpi ne, %convert_element_type3A_284, %cond3A_285 : i32
          scf.if %cond3A_286 {
            %sub3A = arith.constant 1 : i32
            %sub3A_317 = arith.subi %scan3A_225, %sub3A : i32
            %rem3A_318 = arith.constant 20 : i32
            %rem3A_319 = arith.remsi %sub3A_317, %rem3A_318 : i32
            %rem3A_320 = arith.constant 3 : i32
            %rem3A_321 = arith.remsi %sub3A_317, %rem3A_320 : i32
            %dma_wait3A_322 = arith.constant 0 : i32
            %dma_wait3A_323 = arith.constant 0 : i32
            %dma_wait3A_324 = arith.constant 0 : i32
            %dma_wait3A_325 = tpu.memref_slice %arg10[%rem3A_321, %dma_wait3A_323, %dma_wait3A_324] : memref<3x100x128xf32, #tpu.memory_space<vmem>> -> memref<1x100x128xf32, #tpu.memory_space<vmem>>
            %dma_wait3A_326 = tpu.memref_squeeze %dma_wait3A_325 : memref<1x100x128xf32, #tpu.memory_space<vmem>> -> memref<100x128xf32, #tpu.memory_space<vmem>>
            %dma_wait3A_327 = arith.constant 0 : i32
            %dma_wait3A_328 = arith.constant 0 : i32
            %dma_wait3A_329 = tpu.memref_slice %arg9[%rem3A_319, %dma_wait3A_327, %dma_wait3A_328] : memref<20x1x100xi32, #tpu.memory_space<vmem>> -> memref<1x1x100xi32, #tpu.memory_space<vmem>>
            %dma_wait3A_330 = tpu.memref_squeeze %dma_wait3A_329 : memref<1x1x100xi32, #tpu.memory_space<vmem>> -> memref<1x100xi32, #tpu.memory_space<vmem>>
            %dma_wait3A_331 = arith.constant 0 : i32
            %dma_wait3A_332 = tpu.memref_slice %dma_wait3A_330[%dma_wait3A_322, %dma_wait3A_331] : memref<1x100xi32, #tpu.memory_space<vmem>> -> memref<1x100xi32, #tpu.memory_space<vmem>>
            %dma_wait3A_333 = tpu.memref_squeeze %dma_wait3A_332 : memref<1x100xi32, #tpu.memory_space<vmem>> -> memref<100xi32, #tpu.memory_space<vmem>>
            %dma_wait3A_334 = arith.constant 0 : i32
            %dma_wait3A_335 = arith.constant 0 : i32
            %dma_wait3A_336 = tpu.memref_slice %arg11[%dma_wait3A_334, %dma_wait3A_335] : memref<10240x128xf32, #tpu.memory_space<vmem_shared>> -> memref<10240x128xf32, #tpu.memory_space<vmem_shared>>
            tpu.wait_indirect_dma semaphore(%arg13 : memref<!tpu.dma_semaphore, #tpu.memory_space<semaphore_mem>>) src(%dma_wait3A_326 : memref<100x128xf32, #tpu.memory_space<vmem>>) dst(%dma_wait3A_336 : memref<10240x128xf32, #tpu.memory_space<vmem_shared>>)
          } else {
          }
          %add3A_287 = arith.constant 2 : i32
          %add3A_288 = arith.addi %scan3A_225, %add3A_287 : i32
          %rem3A_289 = arith.constant 10 : i32
          %rem3A_290 = arith.remsi %add3A_288, %rem3A_289 : i32
          %eq3A_291 = arith.constant 0 : i32
          %eq3A_292 = arith.cmpi eq, %rem3A_290, %eq3A_291 : i32
          %convert_element_type3A_293 = arith.extui %eq3A_292 : i1 to i32
          %cond3A_294 = arith.constant 0 : i32
          %cond3A_295 = arith.cmpi ne, %convert_element_type3A_293, %cond3A_294 : i32
          scf.if %cond3A_295 {
            %add3A_317 = arith.constant 2 : i32
            %add3A_318 = arith.addi %scan3A_225, %add3A_317 : i32
            %jit3A = arith.constant 10 : i32
            %div3A = arith.divsi %add3A_318, %jit3A : i32
            %sign3A = arith.constant 0 : i32
            %sign3A_319 = arith.cmpi sgt, %add3A_318, %sign3A : i32
            %sign3A_320 = arith.extui %sign3A_319 : i1 to i32
            %sign3A_321 = arith.constant 0 : i32
            %sign3A_322 = arith.cmpi slt, %add3A_318, %sign3A_321 : i32
            %sign3A_323 = arith.extui %sign3A_322 : i1 to i32
            %sign3A_324 = arith.subi %sign3A_320, %sign3A_323 : i32
            %sign3A_325 = arith.constant 0 : i32
            %sign3A_326 = arith.cmpi sgt, %jit3A, %sign3A_325 : i32
            %sign3A_327 = arith.extui %sign3A_326 : i1 to i32
            %sign3A_328 = arith.constant 0 : i32
            %sign3A_329 = arith.cmpi slt, %jit3A, %sign3A_328 : i32
            %sign3A_330 = arith.extui %sign3A_329 : i1 to i32
            %sign3A_331 = arith.subi %sign3A_327, %sign3A_330 : i32
            %ne3A = arith.cmpi ne, %sign3A_324, %sign3A_331 : i32
            %rem3A_332 = arith.remsi %add3A_318, %jit3A : i32
            %ne3A_333 = arith.constant 0 : i32
            %ne3A_334 = arith.cmpi ne, %rem3A_332, %ne3A_333 : i32
            %and3A_335 = arith.andi %ne3A, %ne3A_334 : i1
            %sub3A = arith.constant 1 : i32
            %sub3A_336 = arith.subi %div3A, %sub3A : i32
            %select_n3A = arith.select %and3A_335, %sub3A_336, %div3A : i32
            %rem3A_337 = arith.constant 2 : i32
            %rem3A_338 = arith.remsi %select_n3A, %rem3A_337 : i32
            %mul3A_339 = arith.constant 10 : i32
            %mul3A_340 = arith.muli %rem3A_338, %mul3A_339 : i32
            %mul3A_341 = arith.constant 10 : i32
            %mul3A_342 = arith.muli %select_n3A, %mul3A_341 : i32
            %dma_wait3A_343 = arith.constant 0 : i32
            %dma_wait3A_344 = arith.constant 0 : i32
            %dma_wait3A_345 = tpu.memref_slice %arg8[%mul3A_340, %dma_wait3A_343, %dma_wait3A_344] : memref<20x1x100xi32, #tpu.memory_space<vmem>> -> memref<10x1x100xi32, #tpu.memory_space<vmem>>
            %dma_wait3A_346 = arith.constant 0 : i32
            %dma_wait3A_347 = arith.constant 0 : i32
            %dma_wait3A_348 = arith.constant 0 : i32
            %dma_wait3A_349 = tpu.memref_slice %arg2[%add3A, %dma_wait3A_346, %dma_wait3A_347, %dma_wait3A_348] : memref<32x100x1x100xi32, #tpu.memory_space<hbm>> -> memref<1x100x1x100xi32, #tpu.memory_space<hbm>>
            %dma_wait3A_350 = tpu.memref_squeeze %dma_wait3A_349 : memref<1x100x1x100xi32, #tpu.memory_space<hbm>> -> memref<100x1x100xi32, #tpu.memory_space<hbm>>
            %dma_wait3A_351 = arith.constant 0 : i32
            %dma_wait3A_352 = arith.constant 0 : i32
            %dma_wait3A_353 = tpu.memref_slice %dma_wait3A_350[%mul3A_342, %dma_wait3A_351, %dma_wait3A_352] : memref<100x1x100xi32, #tpu.memory_space<hbm>> -> memref<10x1x100xi32, #tpu.memory_space<hbm>>
            %dma_wait3A_354 = arith.constant 0 : i32
            %dma_wait3A_355 = arith.constant 0 : i32
            %dma_wait3A_356 = tpu.memref_slice %arg8[%mul3A_340, %dma_wait3A_354, %dma_wait3A_355] : memref<20x1x100xi32, #tpu.memory_space<vmem>> -> memref<10x1x100xi32, #tpu.memory_space<vmem>>
            %dma_wait3A_357 = arith.constant 0 : i32
            %dma_wait3A_358 = arith.constant 0 : i32
            %dma_wait3A_359 = arith.constant 0 : i32
            %dma_wait3A_360 = tpu.memref_slice %arg2[%add3A, %dma_wait3A_357, %dma_wait3A_358, %dma_wait3A_359] : memref<32x100x1x100xi32, #tpu.memory_space<hbm>> -> memref<1x100x1x100xi32, #tpu.memory_space<hbm>>
            %dma_wait3A_361 = tpu.memref_squeeze %dma_wait3A_360 : memref<1x100x1x100xi32, #tpu.memory_space<hbm>> -> memref<100x1x100xi32, #tpu.memory_space<hbm>>
            %dma_wait3A_362 = arith.constant 0 : i32
            %dma_wait3A_363 = arith.constant 0 : i32
            %dma_wait3A_364 = tpu.memref_slice %dma_wait3A_361[%mul3A_342, %dma_wait3A_362, %dma_wait3A_363] : memref<100x1x100xi32, #tpu.memory_space<hbm>> -> memref<10x1x100xi32, #tpu.memory_space<hbm>>
            tpu.wait_dma2 semaphore(%arg14 : memref<!tpu.dma_semaphore, #tpu.memory_space<semaphore_mem>>) src(%dma_wait3A_364 : memref<10x1x100xi32, #tpu.memory_space<hbm>>) dst(%dma_wait3A_356 : memref<10x1x100xi32, #tpu.memory_space<vmem>>)
            %dma_wait3A_365 = arith.constant 0 : i32
            %dma_wait3A_366 = arith.constant 0 : i32
            %dma_wait3A_367 = tpu.memref_slice %arg9[%mul3A_340, %dma_wait3A_365, %dma_wait3A_366] : memref<20x1x100xi32, #tpu.memory_space<vmem>> -> memref<10x1x100xi32, #tpu.memory_space<vmem>>
            %dma_wait3A_368 = arith.constant 0 : i32
            %dma_wait3A_369 = arith.constant 0 : i32
            %dma_wait3A_370 = arith.constant 0 : i32
            %dma_wait3A_371 = tpu.memref_slice %arg3[%add3A, %dma_wait3A_368, %dma_wait3A_369, %dma_wait3A_370] : memref<32x100x1x100xi32, #tpu.memory_space<hbm>> -> memref<1x100x1x100xi32, #tpu.memory_space<hbm>>
            %dma_wait3A_372 = tpu.memref_squeeze %dma_wait3A_371 : memref<1x100x1x100xi32, #tpu.memory_space<hbm>> -> memref<100x1x100xi32, #tpu.memory_space<hbm>>
            %dma_wait3A_373 = arith.constant 0 : i32
            %dma_wait3A_374 = arith.constant 0 : i32
            %dma_wait3A_375 = tpu.memref_slice %dma_wait3A_372[%mul3A_342, %dma_wait3A_373, %dma_wait3A_374] : memref<100x1x100xi32, #tpu.memory_space<hbm>> -> memref<10x1x100xi32, #tpu.memory_space<hbm>>
            %dma_wait3A_376 = arith.constant 0 : i32
            %dma_wait3A_377 = arith.constant 0 : i32
            %dma_wait3A_378 = tpu.memref_slice %arg9[%mul3A_340, %dma_wait3A_376, %dma_wait3A_377] : memref<20x1x100xi32, #tpu.memory_space<vmem>> -> memref<10x1x100xi32, #tpu.memory_space<vmem>>
            %dma_wait3A_379 = arith.constant 0 : i32
            %dma_wait3A_380 = arith.constant 0 : i32
            %dma_wait3A_381 = arith.constant 0 : i32
            %dma_wait3A_382 = tpu.memref_slice %arg3[%add3A, %dma_wait3A_379, %dma_wait3A_380, %dma_wait3A_381] : memref<32x100x1x100xi32, #tpu.memory_space<hbm>> -> memref<1x100x1x100xi32, #tpu.memory_space<hbm>>
            %dma_wait3A_383 = tpu.memref_squeeze %dma_wait3A_382 : memref<1x100x1x100xi32, #tpu.memory_space<hbm>> -> memref<100x1x100xi32, #tpu.memory_space<hbm>>
            %dma_wait3A_384 = arith.constant 0 : i32
            %dma_wait3A_385 = arith.constant 0 : i32
            %dma_wait3A_386 = tpu.memref_slice %dma_wait3A_383[%mul3A_342, %dma_wait3A_384, %dma_wait3A_385] : memref<100x1x100xi32, #tpu.memory_space<hbm>> -> memref<10x1x100xi32, #tpu.memory_space<hbm>>
            tpu.wait_dma2 semaphore(%arg14 : memref<!tpu.dma_semaphore, #tpu.memory_space<semaphore_mem>>) src(%dma_wait3A_386 : memref<10x1x100xi32, #tpu.memory_space<hbm>>) dst(%dma_wait3A_378 : memref<10x1x100xi32, #tpu.memory_space<vmem>>)
          } else {
          }
          %add3A_296 = arith.constant 2 : i32
          %add3A_297 = arith.addi %scan3A_225, %add3A_296 : i32
          %rem3A_298 = arith.constant 20 : i32
          %rem3A_299 = arith.remsi %add3A_297, %rem3A_298 : i32
          %rem3A_300 = arith.constant 3 : i32
          %rem3A_301 = arith.remsi %add3A_297, %rem3A_300 : i32
          %dma_start3A_302 = arith.constant 0 : i32
          %dma_start3A_303 = arith.constant 0 : i32
          %dma_start3A_304 = arith.constant 0 : i32
          %dma_start3A_305 = tpu.memref_slice %arg10[%rem3A_301, %dma_start3A_303, %dma_start3A_304] : memref<3x100x128xf32, #tpu.memory_space<vmem>> -> memref<1x100x128xf32, #tpu.memory_space<vmem>>
          %dma_start3A_306 = tpu.memref_squeeze %dma_start3A_305 : memref<1x100x128xf32, #tpu.memory_space<vmem>> -> memref<100x128xf32, #tpu.memory_space<vmem>>
          %dma_start3A_307 = arith.constant 0 : i32
          %dma_start3A_308 = arith.constant 0 : i32
          %dma_start3A_309 = tpu.memref_slice %arg8[%rem3A_299, %dma_start3A_307, %dma_start3A_308] : memref<20x1x100xi32, #tpu.memory_space<vmem>> -> memref<1x1x100xi32, #tpu.memory_space<vmem>>
          %dma_start3A_310 = tpu.memref_squeeze %dma_start3A_309 : memref<1x1x100xi32, #tpu.memory_space<vmem>> -> memref<1x100xi32, #tpu.memory_space<vmem>>
          %dma_start3A_311 = arith.constant 0 : i32
          %dma_start3A_312 = tpu.memref_slice %dma_start3A_310[%dma_start3A_302, %dma_start3A_311] : memref<1x100xi32, #tpu.memory_space<vmem>> -> memref<1x100xi32, #tpu.memory_space<vmem>>
          %dma_start3A_313 = tpu.memref_squeeze %dma_start3A_312 : memref<1x100xi32, #tpu.memory_space<vmem>> -> memref<100xi32, #tpu.memory_space<vmem>>
          %dma_start3A_314 = arith.constant 0 : i32
          %dma_start3A_315 = arith.constant 0 : i32
          %dma_start3A_316 = tpu.memref_slice %arg4[%dma_start3A_314, %dma_start3A_315] : memref<10240x128xf32, #tpu.memory_space<hbm>> -> memref<10240x128xf32, #tpu.memory_space<hbm>>
          tpu.enqueue_indirect_dma source(%dma_start3A_316 : memref<10240x128xf32, #tpu.memory_space<hbm>>) target(%dma_start3A_306 : memref<100x128xf32, #tpu.memory_space<vmem>>) offsets(%dma_start3A_313 : memref<100xi32, #tpu.memory_space<vmem>>) semaphore(%arg12 : memref<!tpu.dma_semaphore, #tpu.memory_space<semaphore_mem>>)
        } else {
        }
        %rem3A_244 = arith.constant 20 : i32
        %rem3A_245 = arith.remsi %scan3A_225, %rem3A_244 : i32
        %rem3A_246 = arith.constant 3 : i32
        %rem3A_247 = arith.remsi %scan3A_225, %rem3A_246 : i32
        %dma_wait3A_248 = arith.constant 0 : i32
        %dma_wait3A_249 = arith.constant 0 : i32
        %dma_wait3A_250 = arith.constant 0 : i32
        %dma_wait3A_251 = tpu.memref_slice %arg10[%rem3A_247, %dma_wait3A_249, %dma_wait3A_250] : memref<3x100x128xf32, #tpu.memory_space<vmem>> -> memref<1x100x128xf32, #tpu.memory_space<vmem>>
        %dma_wait3A_252 = tpu.memref_squeeze %dma_wait3A_251 : memref<1x100x128xf32, #tpu.memory_space<vmem>> -> memref<100x128xf32, #tpu.memory_space<vmem>>
        %dma_wait3A_253 = arith.constant 0 : i32
        %dma_wait3A_254 = arith.constant 0 : i32
        %dma_wait3A_255 = tpu.memref_slice %arg8[%rem3A_245, %dma_wait3A_253, %dma_wait3A_254] : memref<20x1x100xi32, #tpu.memory_space<vmem>> -> memref<1x1x100xi32, #tpu.memory_space<vmem>>
        %dma_wait3A_256 = tpu.memref_squeeze %dma_wait3A_255 : memref<1x1x100xi32, #tpu.memory_space<vmem>> -> memref<1x100xi32, #tpu.memory_space<vmem>>
        %dma_wait3A_257 = arith.constant 0 : i32
        %dma_wait3A_258 = tpu.memref_slice %dma_wait3A_256[%dma_wait3A_248, %dma_wait3A_257] : memref<1x100xi32, #tpu.memory_space<vmem>> -> memref<1x100xi32, #tpu.memory_space<vmem>>
        %dma_wait3A_259 = tpu.memref_squeeze %dma_wait3A_258 : memref<1x100xi32, #tpu.memory_space<vmem>> -> memref<100xi32, #tpu.memory_space<vmem>>
        %dma_wait3A_260 = arith.constant 0 : i32
        %dma_wait3A_261 = arith.constant 0 : i32
        %dma_wait3A_262 = tpu.memref_slice %arg4[%dma_wait3A_260, %dma_wait3A_261] : memref<10240x128xf32, #tpu.memory_space<hbm>> -> memref<10240x128xf32, #tpu.memory_space<hbm>>
        tpu.wait_indirect_dma semaphore(%arg12 : memref<!tpu.dma_semaphore, #tpu.memory_space<semaphore_mem>>) src(%dma_wait3A_262 : memref<10240x128xf32, #tpu.memory_space<hbm>>) dst(%dma_wait3A_252 : memref<100x128xf32, #tpu.memory_space<vmem>>)
        %rem3A_263 = arith.constant 20 : i32
        %rem3A_264 = arith.remsi %scan3A_225, %rem3A_263 : i32
        %rem3A_265 = arith.constant 3 : i32
        %rem3A_266 = arith.remsi %scan3A_225, %rem3A_265 : i32
        %dma_start3A_267 = arith.constant 0 : i32
        %dma_start3A_268 = arith.constant 0 : i32
        %dma_start3A_269 = arith.constant 0 : i32
        %dma_start3A_270 = tpu.memref_slice %arg10[%rem3A_266, %dma_start3A_268, %dma_start3A_269] : memref<3x100x128xf32, #tpu.memory_space<vmem>> -> memref<1x100x128xf32, #tpu.memory_space<vmem>>
        %dma_start3A_271 = tpu.memref_squeeze %dma_start3A_270 : memref<1x100x128xf32, #tpu.memory_space<vmem>> -> memref<100x128xf32, #tpu.memory_space<vmem>>
        %dma_start3A_272 = arith.constant 0 : i32
        %dma_start3A_273 = arith.constant 0 : i32
        %dma_start3A_274 = tpu.memref_slice %arg9[%rem3A_264, %dma_start3A_272, %dma_start3A_273] : memref<20x1x100xi32, #tpu.memory_space<vmem>> -> memref<1x1x100xi32, #tpu.memory_space<vmem>>
        %dma_start3A_275 = tpu.memref_squeeze %dma_start3A_274 : memref<1x1x100xi32, #tpu.memory_space<vmem>> -> memref<1x100xi32, #tpu.memory_space<vmem>>
        %dma_start3A_276 = arith.constant 0 : i32
        %dma_start3A_277 = tpu.memref_slice %dma_start3A_275[%dma_start3A_267, %dma_start3A_276] : memref<1x100xi32, #tpu.memory_space<vmem>> -> memref<1x100xi32, #tpu.memory_space<vmem>>
        %dma_start3A_278 = tpu.memref_squeeze %dma_start3A_277 : memref<1x100xi32, #tpu.memory_space<vmem>> -> memref<100xi32, #tpu.memory_space<vmem>>
        %dma_start3A_279 = arith.constant 0 : i32
        %dma_start3A_280 = arith.constant 0 : i32
        %dma_start3A_281 = tpu.memref_slice %arg11[%dma_start3A_279, %dma_start3A_280] : memref<10240x128xf32, #tpu.memory_space<vmem_shared>> -> memref<10240x128xf32, #tpu.memory_space<vmem_shared>>
        tpu.enqueue_indirect_dma source(%dma_start3A_271 : memref<100x128xf32, #tpu.memory_space<vmem>>) target(%dma_start3A_281 : memref<10240x128xf32, #tpu.memory_space<vmem_shared>>) offsets(%dma_start3A_278 : memref<100xi32, #tpu.memory_space<vmem>>) semaphore(%arg13 : memref<!tpu.dma_semaphore, #tpu.memory_space<semaphore_mem>>) {add = true}
        %scan3A_282 = arith.constant 0 : i32
        scf.yield %scan3A_282 : i32
      }
      %scan3A_160 = arith.constant 100 : i32
      %rem3A_161 = arith.constant 97 : i32
      %rem3A_162 = arith.constant 20 : i32
      %rem3A_163 = arith.remsi %rem3A_161, %rem3A_162 : i32
      %rem3A_164 = arith.constant 97 : i32
      %rem3A_165 = arith.constant 3 : i32
      %rem3A_166 = arith.remsi %rem3A_164, %rem3A_165 : i32
      %dma_wait3A_167 = arith.constant 0 : i32
      %dma_wait3A_168 = arith.constant 0 : i32
      %dma_wait3A_169 = arith.constant 0 : i32
      %dma_wait3A_170 = tpu.memref_slice %arg10[%rem3A_166, %dma_wait3A_168, %dma_wait3A_169] : memref<3x100x128xf32, #tpu.memory_space<vmem>> -> memref<1x100x128xf32, #tpu.memory_space<vmem>>
      %dma_wait3A_171 = tpu.memref_squeeze %dma_wait3A_170 : memref<1x100x128xf32, #tpu.memory_space<vmem>> -> memref<100x128xf32, #tpu.memory_space<vmem>>
      %dma_wait3A_172 = arith.constant 0 : i32
      %dma_wait3A_173 = arith.constant 0 : i32
      %dma_wait3A_174 = tpu.memref_slice %arg9[%rem3A_163, %dma_wait3A_172, %dma_wait3A_173] : memref<20x1x100xi32, #tpu.memory_space<vmem>> -> memref<1x1x100xi32, #tpu.memory_space<vmem>>
      %dma_wait3A_175 = tpu.memref_squeeze %dma_wait3A_174 : memref<1x1x100xi32, #tpu.memory_space<vmem>> -> memref<1x100xi32, #tpu.memory_space<vmem>>
      %dma_wait3A_176 = arith.constant 0 : i32
      %dma_wait3A_177 = tpu.memref_slice %dma_wait3A_175[%dma_wait3A_167, %dma_wait3A_176] : memref<1x100xi32, #tpu.memory_space<vmem>> -> memref<1x100xi32, #tpu.memory_space<vmem>>
      %dma_wait3A_178 = tpu.memref_squeeze %dma_wait3A_177 : memref<1x100xi32, #tpu.memory_space<vmem>> -> memref<100xi32, #tpu.memory_space<vmem>>
      %dma_wait3A_179 = arith.constant 0 : i32
      %dma_wait3A_180 = arith.constant 0 : i32
      %dma_wait3A_181 = tpu.memref_slice %arg11[%dma_wait3A_179, %dma_wait3A_180] : memref<10240x128xf32, #tpu.memory_space<vmem_shared>> -> memref<10240x128xf32, #tpu.memory_space<vmem_shared>>
      tpu.wait_indirect_dma semaphore(%arg13 : memref<!tpu.dma_semaphore, #tpu.memory_space<semaphore_mem>>) src(%dma_wait3A_171 : memref<100x128xf32, #tpu.memory_space<vmem>>) dst(%dma_wait3A_181 : memref<10240x128xf32, #tpu.memory_space<vmem_shared>>)
      %rem3A_182 = arith.constant 98 : i32
      %rem3A_183 = arith.constant 20 : i32
      %rem3A_184 = arith.remsi %rem3A_182, %rem3A_183 : i32
      %rem3A_185 = arith.constant 98 : i32
      %rem3A_186 = arith.constant 3 : i32
      %rem3A_187 = arith.remsi %rem3A_185, %rem3A_186 : i32
      %dma_wait3A_188 = arith.constant 0 : i32
      %dma_wait3A_189 = arith.constant 0 : i32
      %dma_wait3A_190 = arith.constant 0 : i32
      %dma_wait3A_191 = tpu.memref_slice %arg10[%rem3A_187, %dma_wait3A_189, %dma_wait3A_190] : memref<3x100x128xf32, #tpu.memory_space<vmem>> -> memref<1x100x128xf32, #tpu.memory_space<vmem>>
      %dma_wait3A_192 = tpu.memref_squeeze %dma_wait3A_191 : memref<1x100x128xf32, #tpu.memory_space<vmem>> -> memref<100x128xf32, #tpu.memory_space<vmem>>
      %dma_wait3A_193 = arith.constant 0 : i32
      %dma_wait3A_194 = arith.constant 0 : i32
      %dma_wait3A_195 = tpu.memref_slice %arg9[%rem3A_184, %dma_wait3A_193, %dma_wait3A_194] : memref<20x1x100xi32, #tpu.memory_space<vmem>> -> memref<1x1x100xi32, #tpu.memory_space<vmem>>
      %dma_wait3A_196 = tpu.memref_squeeze %dma_wait3A_195 : memref<1x1x100xi32, #tpu.memory_space<vmem>> -> memref<1x100xi32, #tpu.memory_space<vmem>>
      %dma_wait3A_197 = arith.constant 0 : i32
      %dma_wait3A_198 = tpu.memref_slice %dma_wait3A_196[%dma_wait3A_188, %dma_wait3A_197] : memref<1x100xi32, #tpu.memory_space<vmem>> -> memref<1x100xi32, #tpu.memory_space<vmem>>
      %dma_wait3A_199 = tpu.memref_squeeze %dma_wait3A_198 : memref<1x100xi32, #tpu.memory_space<vmem>> -> memref<100xi32, #tpu.memory_space<vmem>>
      %dma_wait3A_200 = arith.constant 0 : i32
      %dma_wait3A_201 = arith.constant 0 : i32
      %dma_wait3A_202 = tpu.memref_slice %arg11[%dma_wait3A_200, %dma_wait3A_201] : memref<10240x128xf32, #tpu.memory_space<vmem_shared>> -> memref<10240x128xf32, #tpu.memory_space<vmem_shared>>
      tpu.wait_indirect_dma semaphore(%arg13 : memref<!tpu.dma_semaphore, #tpu.memory_space<semaphore_mem>>) src(%dma_wait3A_192 : memref<100x128xf32, #tpu.memory_space<vmem>>) dst(%dma_wait3A_202 : memref<10240x128xf32, #tpu.memory_space<vmem_shared>>)
      %rem3A_203 = arith.constant 99 : i32
      %rem3A_204 = arith.constant 20 : i32
      %rem3A_205 = arith.remsi %rem3A_203, %rem3A_204 : i32
      %rem3A_206 = arith.constant 99 : i32
      %rem3A_207 = arith.constant 3 : i32
      %rem3A_208 = arith.remsi %rem3A_206, %rem3A_207 : i32
      %dma_wait3A_209 = arith.constant 0 : i32
      %dma_wait3A_210 = arith.constant 0 : i32
      %dma_wait3A_211 = arith.constant 0 : i32
      %dma_wait3A_212 = tpu.memref_slice %arg10[%rem3A_208, %dma_wait3A_210, %dma_wait3A_211] : memref<3x100x128xf32, #tpu.memory_space<vmem>> -> memref<1x100x128xf32, #tpu.memory_space<vmem>>
      %dma_wait3A_213 = tpu.memref_squeeze %dma_wait3A_212 : memref<1x100x128xf32, #tpu.memory_space<vmem>> -> memref<100x128xf32, #tpu.memory_space<vmem>>
      %dma_wait3A_214 = arith.constant 0 : i32
      %dma_wait3A_215 = arith.constant 0 : i32
      %dma_wait3A_216 = tpu.memref_slice %arg9[%rem3A_205, %dma_wait3A_214, %dma_wait3A_215] : memref<20x1x100xi32, #tpu.memory_space<vmem>> -> memref<1x1x100xi32, #tpu.memory_space<vmem>>
      %dma_wait3A_217 = tpu.memref_squeeze %dma_wait3A_216 : memref<1x1x100xi32, #tpu.memory_space<vmem>> -> memref<1x100xi32, #tpu.memory_space<vmem>>
      %dma_wait3A_218 = arith.constant 0 : i32
      %dma_wait3A_219 = tpu.memref_slice %dma_wait3A_217[%dma_wait3A_209, %dma_wait3A_218] : memref<1x100xi32, #tpu.memory_space<vmem>> -> memref<1x100xi32, #tpu.memory_space<vmem>>
      %dma_wait3A_220 = tpu.memref_squeeze %dma_wait3A_219 : memref<1x100xi32, #tpu.memory_space<vmem>> -> memref<100xi32, #tpu.memory_space<vmem>>
      %dma_wait3A_221 = arith.constant 0 : i32
      %dma_wait3A_222 = arith.constant 0 : i32
      %dma_wait3A_223 = tpu.memref_slice %arg11[%dma_wait3A_221, %dma_wait3A_222] : memref<10240x128xf32, #tpu.memory_space<vmem_shared>> -> memref<10240x128xf32, #tpu.memory_space<vmem_shared>>
      tpu.wait_indirect_dma semaphore(%arg13 : memref<!tpu.dma_semaphore, #tpu.memory_space<semaphore_mem>>) src(%dma_wait3A_213 : memref<100x128xf32, #tpu.memory_space<vmem>>) dst(%dma_wait3A_223 : memref<10240x128xf32, #tpu.memory_space<vmem_shared>>)
      %barrier3A_224 = arith.constant 0 : index
      tpu.barrier barrier_id(%barrier3A_224)
      "tpu.region"() ({
        %run_scoped3A = tpu.sem_alloc : memref<!tpu.dma_semaphore, #tpu.memory_space<semaphore_mem>>
        %dma_start3A_225 = arith.constant 0 : i32
        %dma_start3A_226 = tpu.memref_slice %arg6[%mul3A_2, %dma_start3A_225] : memref<10240x128xf32, #tpu.memory_space<hbm>> -> memref<640x128xf32, #tpu.memory_space<hbm>>
        %dma_start3A_227 = arith.constant 0 : i32
        %dma_start3A_228 = tpu.memref_slice %arg11[%mul3A_2, %dma_start3A_227] : memref<10240x128xf32, #tpu.memory_space<vmem_shared>> -> memref<640x128xf32, #tpu.memory_space<vmem_shared>>
        tpu.enqueue_dma source(%dma_start3A_228 : memref<640x128xf32, #tpu.memory_space<vmem_shared>>) target(%dma_start3A_226 : memref<640x128xf32, #tpu.memory_space<hbm>>) target_semaphore(%run_scoped3A : memref<!tpu.dma_semaphore, #tpu.memory_space<semaphore_mem>>)
        %dma_wait3A_229 = arith.constant 0 : i32
        %dma_wait3A_230 = tpu.memref_slice %arg6[%mul3A_2, %dma_wait3A_229] : memref<10240x128xf32, #tpu.memory_space<hbm>> -> memref<640x128xf32, #tpu.memory_space<hbm>>
        %dma_wait3A_231 = arith.constant 0 : i32
        %dma_wait3A_232 = tpu.memref_slice %arg11[%mul3A_2, %dma_wait3A_231] : memref<10240x128xf32, #tpu.memory_space<vmem_shared>> -> memref<640x128xf32, #tpu.memory_space<vmem_shared>>
        tpu.wait_dma2 semaphore(%run_scoped3A : memref<!tpu.dma_semaphore, #tpu.memory_space<semaphore_mem>>) src(%dma_wait3A_232 : memref<640x128xf32, #tpu.memory_space<vmem_shared>>) dst(%dma_wait3A_230 : memref<640x128xf32, #tpu.memory_space<hbm>>)
        tpu.yield
      }) : () -> ()
    } else {
    }
    %eq3A_5 = arith.constant 1 : i32
    %eq3A_6 = arith.cmpi eq, %arg0, %eq3A_5 : i32
    %convert_element_type3A_7 = arith.extui %eq3A_6 : i1 to i32
    %cond3A_8 = arith.constant 0 : i32
    %cond3A_9 = arith.cmpi ne, %convert_element_type3A_7, %cond3A_8 : i32
    scf.if %cond3A_9 {
      %rem3A = arith.constant 0 : i32
      %rem3A_10 = arith.constant 2 : i32
      %rem3A_11 = arith.remsi %rem3A, %rem3A_10 : i32
      %mul3A_12 = arith.constant 10 : i32
      %mul3A_13 = arith.muli %rem3A_11, %mul3A_12 : i32
      %dma_start3A = arith.constant 0 : i32
      %dma_start3A_14 = arith.constant 0 : i32
      %dma_start3A_15 = tpu.memref_slice %arg8[%mul3A_13, %dma_start3A, %dma_start3A_14] : memref<20x1x100xi32, #tpu.memory_space<vmem>> -> memref<10x1x100xi32, #tpu.memory_space<vmem>>
      %dma_start3A_16 = arith.constant 0 : i32
      %dma_start3A_17 = arith.constant 0 : i32
      %dma_start3A_18 = arith.constant 0 : i32
      %dma_start3A_19 = tpu.memref_slice %arg2[%add3A, %dma_start3A_16, %dma_start3A_17, %dma_start3A_18] : memref<32x100x1x100xi32, #tpu.memory_space<hbm>> -> memref<1x100x1x100xi32, #tpu.memory_space<hbm>>
      %dma_start3A_20 = tpu.memref_squeeze %dma_start3A_19 : memref<1x100x1x100xi32, #tpu.memory_space<hbm>> -> memref<100x1x100xi32, #tpu.memory_space<hbm>>
      %dma_start3A_21 = arith.constant 0 : i32
      %dma_start3A_22 = arith.constant 0 : i32
      %dma_start3A_23 = arith.constant 0 : i32
      %dma_start3A_24 = tpu.memref_slice %dma_start3A_20[%dma_start3A_21, %dma_start3A_22, %dma_start3A_23] : memref<100x1x100xi32, #tpu.memory_space<hbm>> -> memref<10x1x100xi32, #tpu.memory_space<hbm>>
      %dma_start3A_25 = arith.constant 0 : i32
      %dma_start3A_26 = arith.constant 0 : i32
      %dma_start3A_27 = tpu.memref_slice %arg8[%mul3A_13, %dma_start3A_25, %dma_start3A_26] : memref<20x1x100xi32, #tpu.memory_space<vmem>> -> memref<10x1x100xi32, #tpu.memory_space<vmem>>
      %dma_start3A_28 = arith.constant 0 : i32
      %dma_start3A_29 = arith.constant 0 : i32
      %dma_start3A_30 = arith.constant 0 : i32
      %dma_start3A_31 = tpu.memref_slice %arg2[%add3A, %dma_start3A_28, %dma_start3A_29, %dma_start3A_30] : memref<32x100x1x100xi32, #tpu.memory_space<hbm>> -> memref<1x100x1x100xi32, #tpu.memory_space<hbm>>
      %dma_start3A_32 = tpu.memref_squeeze %dma_start3A_31 : memref<1x100x1x100xi32, #tpu.memory_space<hbm>> -> memref<100x1x100xi32, #tpu.memory_space<hbm>>
      %dma_start3A_33 = arith.constant 0 : i32
      %dma_start3A_34 = arith.constant 0 : i32
      %dma_start3A_35 = arith.constant 0 : i32
      %dma_start3A_36 = tpu.memref_slice %dma_start3A_32[%dma_start3A_33, %dma_start3A_34, %dma_start3A_35] : memref<100x1x100xi32, #tpu.memory_space<hbm>> -> memref<10x1x100xi32, #tpu.memory_space<hbm>>
      tpu.enqueue_dma source(%dma_start3A_36 : memref<10x1x100xi32, #tpu.memory_space<hbm>>) target(%dma_start3A_27 : memref<10x1x100xi32, #tpu.memory_space<vmem>>) target_semaphore(%arg14 : memref<!tpu.dma_semaphore, #tpu.memory_space<semaphore_mem>>)
      %dma_start3A_37 = arith.constant 0 : i32
      %dma_start3A_38 = arith.constant 0 : i32
      %dma_start3A_39 = tpu.memref_slice %arg9[%mul3A_13, %dma_start3A_37, %dma_start3A_38] : memref<20x1x100xi32, #tpu.memory_space<vmem>> -> memref<10x1x100xi32, #tpu.memory_space<vmem>>
      %dma_start3A_40 = arith.constant 0 : i32
      %dma_start3A_41 = arith.constant 0 : i32
      %dma_start3A_42 = arith.constant 0 : i32
      %dma_start3A_43 = tpu.memref_slice %arg3[%add3A, %dma_start3A_40, %dma_start3A_41, %dma_start3A_42] : memref<32x100x1x100xi32, #tpu.memory_space<hbm>> -> memref<1x100x1x100xi32, #tpu.memory_space<hbm>>
      %dma_start3A_44 = tpu.memref_squeeze %dma_start3A_43 : memref<1x100x1x100xi32, #tpu.memory_space<hbm>> -> memref<100x1x100xi32, #tpu.memory_space<hbm>>
      %dma_start3A_45 = arith.constant 0 : i32
      %dma_start3A_46 = arith.constant 0 : i32
      %dma_start3A_47 = arith.constant 0 : i32
      %dma_start3A_48 = tpu.memref_slice %dma_start3A_44[%dma_start3A_45, %dma_start3A_46, %dma_start3A_47] : memref<100x1x100xi32, #tpu.memory_space<hbm>> -> memref<10x1x100xi32, #tpu.memory_space<hbm>>
      %dma_start3A_49 = arith.constant 0 : i32
      %dma_start3A_50 = arith.constant 0 : i32
      %dma_start3A_51 = tpu.memref_slice %arg9[%mul3A_13, %dma_start3A_49, %dma_start3A_50] : memref<20x1x100xi32, #tpu.memory_space<vmem>> -> memref<10x1x100xi32, #tpu.memory_space<vmem>>
      %dma_start3A_52 = arith.constant 0 : i32
      %dma_start3A_53 = arith.constant 0 : i32
      %dma_start3A_54 = arith.constant 0 : i32
      %dma_start3A_55 = tpu.memref_slice %arg3[%add3A, %dma_start3A_52, %dma_start3A_53, %dma_start3A_54] : memref<32x100x1x100xi32, #tpu.memory_space<hbm>> -> memref<1x100x1x100xi32, #tpu.memory_space<hbm>>
      %dma_start3A_56 = tpu.memref_squeeze %dma_start3A_55 : memref<1x100x1x100xi32, #tpu.memory_space<hbm>> -> memref<100x1x100xi32, #tpu.memory_space<hbm>>
      %dma_start3A_57 = arith.constant 0 : i32
      %dma_start3A_58 = arith.constant 0 : i32
      %dma_start3A_59 = arith.constant 0 : i32
      %dma_start3A_60 = tpu.memref_slice %dma_start3A_56[%dma_start3A_57, %dma_start3A_58, %dma_start3A_59] : memref<100x1x100xi32, #tpu.memory_space<hbm>> -> memref<10x1x100xi32, #tpu.memory_space<hbm>>
      tpu.enqueue_dma source(%dma_start3A_60 : memref<10x1x100xi32, #tpu.memory_space<hbm>>) target(%dma_start3A_51 : memref<10x1x100xi32, #tpu.memory_space<vmem>>) target_semaphore(%arg14 : memref<!tpu.dma_semaphore, #tpu.memory_space<semaphore_mem>>)
      "tpu.region"() ({
        %run_scoped3A = tpu.sem_alloc : memref<!tpu.dma_semaphore, #tpu.memory_space<semaphore_mem>>
        %dma_start3A_225 = arith.constant 0 : i32
        %dma_start3A_226 = tpu.memref_slice %arg11[%mul3A_2, %dma_start3A_225] : memref<10240x128xf32, #tpu.memory_space<vmem_shared>> -> memref<640x128xf32, #tpu.memory_space<vmem_shared>>
        %dma_start3A_227 = arith.constant 0 : i32
        %dma_start3A_228 = tpu.memref_slice %arg5[%mul3A_2, %dma_start3A_227] : memref<10240x128xf32, #tpu.memory_space<hbm>> -> memref<640x128xf32, #tpu.memory_space<hbm>>
        tpu.enqueue_dma source(%dma_start3A_228 : memref<640x128xf32, #tpu.memory_space<hbm>>) target(%dma_start3A_226 : memref<640x128xf32, #tpu.memory_space<vmem_shared>>) target_semaphore(%run_scoped3A : memref<!tpu.dma_semaphore, #tpu.memory_space<semaphore_mem>>)
        %dma_wait3A_229 = arith.constant 0 : i32
        %dma_wait3A_230 = tpu.memref_slice %arg11[%mul3A_2, %dma_wait3A_229] : memref<10240x128xf32, #tpu.memory_space<vmem_shared>> -> memref<640x128xf32, #tpu.memory_space<vmem_shared>>
        %dma_wait3A_231 = arith.constant 0 : i32
        %dma_wait3A_232 = tpu.memref_slice %arg5[%mul3A_2, %dma_wait3A_231] : memref<10240x128xf32, #tpu.memory_space<hbm>> -> memref<640x128xf32, #tpu.memory_space<hbm>>
        tpu.wait_dma2 semaphore(%run_scoped3A : memref<!tpu.dma_semaphore, #tpu.memory_space<semaphore_mem>>) src(%dma_wait3A_232 : memref<640x128xf32, #tpu.memory_space<hbm>>) dst(%dma_wait3A_230 : memref<640x128xf32, #tpu.memory_space<vmem_shared>>)
        tpu.yield
      }) : () -> ()
      %rem3A_61 = arith.constant 0 : i32
      %rem3A_62 = arith.constant 2 : i32
      %rem3A_63 = arith.remsi %rem3A_61, %rem3A_62 : i32
      %mul3A_64 = arith.constant 10 : i32
      %mul3A_65 = arith.muli %rem3A_63, %mul3A_64 : i32
      %dma_wait3A = arith.constant 0 : i32
      %dma_wait3A_66 = arith.constant 0 : i32
      %dma_wait3A_67 = tpu.memref_slice %arg8[%mul3A_65, %dma_wait3A, %dma_wait3A_66] : memref<20x1x100xi32, #tpu.memory_space<vmem>> -> memref<10x1x100xi32, #tpu.memory_space<vmem>>
      %dma_wait3A_68 = arith.constant 0 : i32
      %dma_wait3A_69 = arith.constant 0 : i32
      %dma_wait3A_70 = arith.constant 0 : i32
      %dma_wait3A_71 = tpu.memref_slice %arg2[%add3A, %dma_wait3A_68, %dma_wait3A_69, %dma_wait3A_70] : memref<32x100x1x100xi32, #tpu.memory_space<hbm>> -> memref<1x100x1x100xi32, #tpu.memory_space<hbm>>
      %dma_wait3A_72 = tpu.memref_squeeze %dma_wait3A_71 : memref<1x100x1x100xi32, #tpu.memory_space<hbm>> -> memref<100x1x100xi32, #tpu.memory_space<hbm>>
      %dma_wait3A_73 = arith.constant 0 : i32
      %dma_wait3A_74 = arith.constant 0 : i32
      %dma_wait3A_75 = arith.constant 0 : i32
      %dma_wait3A_76 = tpu.memref_slice %dma_wait3A_72[%dma_wait3A_73, %dma_wait3A_74, %dma_wait3A_75] : memref<100x1x100xi32, #tpu.memory_space<hbm>> -> memref<10x1x100xi32, #tpu.memory_space<hbm>>
      %dma_wait3A_77 = arith.constant 0 : i32
      %dma_wait3A_78 = arith.constant 0 : i32
      %dma_wait3A_79 = tpu.memref_slice %arg8[%mul3A_65, %dma_wait3A_77, %dma_wait3A_78] : memref<20x1x100xi32, #tpu.memory_space<vmem>> -> memref<10x1x100xi32, #tpu.memory_space<vmem>>
      %dma_wait3A_80 = arith.constant 0 : i32
      %dma_wait3A_81 = arith.constant 0 : i32
      %dma_wait3A_82 = arith.constant 0 : i32
      %dma_wait3A_83 = tpu.memref_slice %arg2[%add3A, %dma_wait3A_80, %dma_wait3A_81, %dma_wait3A_82] : memref<32x100x1x100xi32, #tpu.memory_space<hbm>> -> memref<1x100x1x100xi32, #tpu.memory_space<hbm>>
      %dma_wait3A_84 = tpu.memref_squeeze %dma_wait3A_83 : memref<1x100x1x100xi32, #tpu.memory_space<hbm>> -> memref<100x1x100xi32, #tpu.memory_space<hbm>>
      %dma_wait3A_85 = arith.constant 0 : i32
      %dma_wait3A_86 = arith.constant 0 : i32
      %dma_wait3A_87 = arith.constant 0 : i32
      %dma_wait3A_88 = tpu.memref_slice %dma_wait3A_84[%dma_wait3A_85, %dma_wait3A_86, %dma_wait3A_87] : memref<100x1x100xi32, #tpu.memory_space<hbm>> -> memref<10x1x100xi32, #tpu.memory_space<hbm>>
      tpu.wait_dma2 semaphore(%arg14 : memref<!tpu.dma_semaphore, #tpu.memory_space<semaphore_mem>>) src(%dma_wait3A_88 : memref<10x1x100xi32, #tpu.memory_space<hbm>>) dst(%dma_wait3A_79 : memref<10x1x100xi32, #tpu.memory_space<vmem>>)
      %dma_wait3A_89 = arith.constant 0 : i32
      %dma_wait3A_90 = arith.constant 0 : i32
      %dma_wait3A_91 = tpu.memref_slice %arg9[%mul3A_65, %dma_wait3A_89, %dma_wait3A_90] : memref<20x1x100xi32, #tpu.memory_space<vmem>> -> memref<10x1x100xi32, #tpu.memory_space<vmem>>
      %dma_wait3A_92 = arith.constant 0 : i32
      %dma_wait3A_93 = arith.constant 0 : i32
      %dma_wait3A_94 = arith.constant 0 : i32
      %dma_wait3A_95 = tpu.memref_slice %arg3[%add3A, %dma_wait3A_92, %dma_wait3A_93, %dma_wait3A_94] : memref<32x100x1x100xi32, #tpu.memory_space<hbm>> -> memref<1x100x1x100xi32, #tpu.memory_space<hbm>>
      %dma_wait3A_96 = tpu.memref_squeeze %dma_wait3A_95 : memref<1x100x1x100xi32, #tpu.memory_space<hbm>> -> memref<100x1x100xi32, #tpu.memory_space<hbm>>
      %dma_wait3A_97 = arith.constant 0 : i32
      %dma_wait3A_98 = arith.constant 0 : i32
      %dma_wait3A_99 = arith.constant 0 : i32
      %dma_wait3A_100 = tpu.memref_slice %dma_wait3A_96[%dma_wait3A_97, %dma_wait3A_98, %dma_wait3A_99] : memref<100x1x100xi32, #tpu.memory_space<hbm>> -> memref<10x1x100xi32, #tpu.memory_space<hbm>>
      %dma_wait3A_101 = arith.constant 0 : i32
      %dma_wait3A_102 = arith.constant 0 : i32
      %dma_wait3A_103 = tpu.memref_slice %arg9[%mul3A_65, %dma_wait3A_101, %dma_wait3A_102] : memref<20x1x100xi32, #tpu.memory_space<vmem>> -> memref<10x1x100xi32, #tpu.memory_space<vmem>>
      %dma_wait3A_104 = arith.constant 0 : i32
      %dma_wait3A_105 = arith.constant 0 : i32
      %dma_wait3A_106 = arith.constant 0 : i32
      %dma_wait3A_107 = tpu.memref_slice %arg3[%add3A, %dma_wait3A_104, %dma_wait3A_105, %dma_wait3A_106] : memref<32x100x1x100xi32, #tpu.memory_space<hbm>> -> memref<1x100x1x100xi32, #tpu.memory_space<hbm>>
      %dma_wait3A_108 = tpu.memref_squeeze %dma_wait3A_107 : memref<1x100x1x100xi32, #tpu.memory_space<hbm>> -> memref<100x1x100xi32, #tpu.memory_space<hbm>>
      %dma_wait3A_109 = arith.constant 0 : i32
      %dma_wait3A_110 = arith.constant 0 : i32
      %dma_wait3A_111 = arith.constant 0 : i32
      %dma_wait3A_112 = tpu.memref_slice %dma_wait3A_108[%dma_wait3A_109, %dma_wait3A_110, %dma_wait3A_111] : memref<100x1x100xi32, #tpu.memory_space<hbm>> -> memref<10x1x100xi32, #tpu.memory_space<hbm>>
      tpu.wait_dma2 semaphore(%arg14 : memref<!tpu.dma_semaphore, #tpu.memory_space<semaphore_mem>>) src(%dma_wait3A_112 : memref<10x1x100xi32, #tpu.memory_space<hbm>>) dst(%dma_wait3A_103 : memref<10x1x100xi32, #tpu.memory_space<vmem>>)
      %barrier3A = arith.constant 0 : index
      tpu.barrier barrier_id(%barrier3A)
      %rem3A_113 = arith.constant 0 : i32
      %rem3A_114 = arith.constant 20 : i32
      %rem3A_115 = arith.remsi %rem3A_113, %rem3A_114 : i32
      %rem3A_116 = arith.constant 0 : i32
      %rem3A_117 = arith.constant 3 : i32
      %rem3A_118 = arith.remsi %rem3A_116, %rem3A_117 : i32
      %dma_start3A_119 = arith.constant 0 : i32
      %dma_start3A_120 = arith.constant 0 : i32
      %dma_start3A_121 = arith.constant 0 : i32
      %dma_start3A_122 = tpu.memref_slice %arg10[%rem3A_118, %dma_start3A_120, %dma_start3A_121] : memref<3x100x128xf32, #tpu.memory_space<vmem>> -> memref<1x100x128xf32, #tpu.memory_space<vmem>>
      %dma_start3A_123 = tpu.memref_squeeze %dma_start3A_122 : memref<1x100x128xf32, #tpu.memory_space<vmem>> -> memref<100x128xf32, #tpu.memory_space<vmem>>
      %dma_start3A_124 = arith.constant 0 : i32
      %dma_start3A_125 = arith.constant 0 : i32
      %dma_start3A_126 = tpu.memref_slice %arg8[%rem3A_115, %dma_start3A_124, %dma_start3A_125] : memref<20x1x100xi32, #tpu.memory_space<vmem>> -> memref<1x1x100xi32, #tpu.memory_space<vmem>>
      %dma_start3A_127 = tpu.memref_squeeze %dma_start3A_126 : memref<1x1x100xi32, #tpu.memory_space<vmem>> -> memref<1x100xi32, #tpu.memory_space<vmem>>
      %dma_start3A_128 = arith.constant 0 : i32
      %dma_start3A_129 = tpu.memref_slice %dma_start3A_127[%dma_start3A_119, %dma_start3A_128] : memref<1x100xi32, #tpu.memory_space<vmem>> -> memref<1x100xi32, #tpu.memory_space<vmem>>
      %dma_start3A_130 = tpu.memref_squeeze %dma_start3A_129 : memref<1x100xi32, #tpu.memory_space<vmem>> -> memref<100xi32, #tpu.memory_space<vmem>>
      %dma_start3A_131 = arith.constant 0 : i32
      %dma_start3A_132 = arith.constant 0 : i32
      %dma_start3A_133 = tpu.memref_slice %arg5[%dma_start3A_131, %dma_start3A_132] : memref<10240x128xf32, #tpu.memory_space<hbm>> -> memref<10240x128xf32, #tpu.memory_space<hbm>>
      tpu.enqueue_indirect_dma source(%dma_start3A_133 : memref<10240x128xf32, #tpu.memory_space<hbm>>) target(%dma_start3A_123 : memref<100x128xf32, #tpu.memory_space<vmem>>) offsets(%dma_start3A_130 : memref<100xi32, #tpu.memory_space<vmem>>) semaphore(%arg12 : memref<!tpu.dma_semaphore, #tpu.memory_space<semaphore_mem>>)
      %rem3A_134 = arith.constant 1 : i32
      %rem3A_135 = arith.constant 20 : i32
      %rem3A_136 = arith.remsi %rem3A_134, %rem3A_135 : i32
      %rem3A_137 = arith.constant 1 : i32
      %rem3A_138 = arith.constant 3 : i32
      %rem3A_139 = arith.remsi %rem3A_137, %rem3A_138 : i32
      %dma_start3A_140 = arith.constant 0 : i32
      %dma_start3A_141 = arith.constant 0 : i32
      %dma_start3A_142 = arith.constant 0 : i32
      %dma_start3A_143 = tpu.memref_slice %arg10[%rem3A_139, %dma_start3A_141, %dma_start3A_142] : memref<3x100x128xf32, #tpu.memory_space<vmem>> -> memref<1x100x128xf32, #tpu.memory_space<vmem>>
      %dma_start3A_144 = tpu.memref_squeeze %dma_start3A_143 : memref<1x100x128xf32, #tpu.memory_space<vmem>> -> memref<100x128xf32, #tpu.memory_space<vmem>>
      %dma_start3A_145 = arith.constant 0 : i32
      %dma_start3A_146 = arith.constant 0 : i32
      %dma_start3A_147 = tpu.memref_slice %arg8[%rem3A_136, %dma_start3A_145, %dma_start3A_146] : memref<20x1x100xi32, #tpu.memory_space<vmem>> -> memref<1x1x100xi32, #tpu.memory_space<vmem>>
      %dma_start3A_148 = tpu.memref_squeeze %dma_start3A_147 : memref<1x1x100xi32, #tpu.memory_space<vmem>> -> memref<1x100xi32, #tpu.memory_space<vmem>>
      %dma_start3A_149 = arith.constant 0 : i32
      %dma_start3A_150 = tpu.memref_slice %dma_start3A_148[%dma_start3A_140, %dma_start3A_149] : memref<1x100xi32, #tpu.memory_space<vmem>> -> memref<1x100xi32, #tpu.memory_space<vmem>>
      %dma_start3A_151 = tpu.memref_squeeze %dma_start3A_150 : memref<1x100xi32, #tpu.memory_space<vmem>> -> memref<100xi32, #tpu.memory_space<vmem>>
      %dma_start3A_152 = arith.constant 0 : i32
      %dma_start3A_153 = arith.constant 0 : i32
      %dma_start3A_154 = tpu.memref_slice %arg5[%dma_start3A_152, %dma_start3A_153] : memref<10240x128xf32, #tpu.memory_space<hbm>> -> memref<10240x128xf32, #tpu.memory_space<hbm>>
      tpu.enqueue_indirect_dma source(%dma_start3A_154 : memref<10240x128xf32, #tpu.memory_space<hbm>>) target(%dma_start3A_144 : memref<100x128xf32, #tpu.memory_space<vmem>>) offsets(%dma_start3A_151 : memref<100xi32, #tpu.memory_space<vmem>>) semaphore(%arg12 : memref<!tpu.dma_semaphore, #tpu.memory_space<semaphore_mem>>)
      %scan3A = arith.constant 0 : i32
      %scan3A_155 = arith.constant 0 : i32
      %scan3A_156 = arith.constant 100 : i32
      %scan3A_157 = arith.addi %scan3A_155, %scan3A_156 : i32
      %scan3A_158 = arith.constant 1 : i32
      %scan3A_159 = scf.for %scan3A_225 = %scan3A_155 to %scan3A_157 step %scan3A_158 iter_args(%scan3A_226 = %scan3A) -> (i32)  : i32 {
        %rem3A_227 = arith.constant 10 : i32
        %rem3A_228 = arith.remsi %scan3A_225, %rem3A_227 : i32
        %eq3A_229 = arith.constant 0 : i32
        %eq3A_230 = arith.cmpi eq, %rem3A_228, %eq3A_229 : i32
        %add3A_231 = arith.constant 10 : i32
        %add3A_232 = arith.addi %scan3A_225, %add3A_231 : i32
        %lt3A = arith.constant 100 : i32
        %lt3A_233 = arith.cmpi slt, %add3A_232, %lt3A : i32
        %and3A = arith.andi %eq3A_230, %lt3A_233 : i1
        %convert_element_type3A_234 = arith.extui %and3A : i1 to i32
        %cond3A_235 = arith.constant 0 : i32
        %cond3A_236 = arith.cmpi ne, %convert_element_type3A_234, %cond3A_235 : i32
        scf.if %cond3A_236 {
          %jit3A = arith.constant 10 : i32
          %div3A = arith.divsi %scan3A_225, %jit3A : i32
          %sign3A = arith.constant 0 : i32
          %sign3A_283 = arith.cmpi sgt, %scan3A_225, %sign3A : i32
          %sign3A_284 = arith.extui %sign3A_283 : i1 to i32
          %sign3A_285 = arith.constant 0 : i32
          %sign3A_286 = arith.cmpi slt, %scan3A_225, %sign3A_285 : i32
          %sign3A_287 = arith.extui %sign3A_286 : i1 to i32
          %sign3A_288 = arith.subi %sign3A_284, %sign3A_287 : i32
          %sign3A_289 = arith.constant 0 : i32
          %sign3A_290 = arith.cmpi sgt, %jit3A, %sign3A_289 : i32
          %sign3A_291 = arith.extui %sign3A_290 : i1 to i32
          %sign3A_292 = arith.constant 0 : i32
          %sign3A_293 = arith.cmpi slt, %jit3A, %sign3A_292 : i32
          %sign3A_294 = arith.extui %sign3A_293 : i1 to i32
          %sign3A_295 = arith.subi %sign3A_291, %sign3A_294 : i32
          %ne3A = arith.cmpi ne, %sign3A_288, %sign3A_295 : i32
          %rem3A_296 = arith.remsi %scan3A_225, %jit3A : i32
          %ne3A_297 = arith.constant 0 : i32
          %ne3A_298 = arith.cmpi ne, %rem3A_296, %ne3A_297 : i32
          %and3A_299 = arith.andi %ne3A, %ne3A_298 : i1
          %sub3A = arith.constant 1 : i32
          %sub3A_300 = arith.subi %div3A, %sub3A : i32
          %select_n3A = arith.select %and3A_299, %sub3A_300, %div3A : i32
          %add3A_301 = arith.constant 1 : i32
          %add3A_302 = arith.addi %select_n3A, %add3A_301 : i32
          %rem3A_303 = arith.constant 2 : i32
          %rem3A_304 = arith.remsi %add3A_302, %rem3A_303 : i32
          %mul3A_305 = arith.constant 10 : i32
          %mul3A_306 = arith.muli %rem3A_304, %mul3A_305 : i32
          %mul3A_307 = arith.constant 10 : i32
          %mul3A_308 = arith.muli %add3A_302, %mul3A_307 : i32
          %dma_start3A_309 = arith.constant 0 : i32
          %dma_start3A_310 = arith.constant 0 : i32
          %dma_start3A_311 = tpu.memref_slice %arg8[%mul3A_306, %dma_start3A_309, %dma_start3A_310] : memref<20x1x100xi32, #tpu.memory_space<vmem>> -> memref<10x1x100xi32, #tpu.memory_space<vmem>>
          %dma_start3A_312 = arith.constant 0 : i32
          %dma_start3A_313 = arith.constant 0 : i32
          %dma_start3A_314 = arith.constant 0 : i32
          %dma_start3A_315 = tpu.memref_slice %arg2[%add3A, %dma_start3A_312, %dma_start3A_313, %dma_start3A_314] : memref<32x100x1x100xi32, #tpu.memory_space<hbm>> -> memref<1x100x1x100xi32, #tpu.memory_space<hbm>>
          %dma_start3A_316 = tpu.memref_squeeze %dma_start3A_315 : memref<1x100x1x100xi32, #tpu.memory_space<hbm>> -> memref<100x1x100xi32, #tpu.memory_space<hbm>>
          %dma_start3A_317 = arith.constant 0 : i32
          %dma_start3A_318 = arith.constant 0 : i32
          %dma_start3A_319 = tpu.memref_slice %dma_start3A_316[%mul3A_308, %dma_start3A_317, %dma_start3A_318] : memref<100x1x100xi32, #tpu.memory_space<hbm>> -> memref<10x1x100xi32, #tpu.memory_space<hbm>>
          %dma_start3A_320 = arith.constant 0 : i32
          %dma_start3A_321 = arith.constant 0 : i32
          %dma_start3A_322 = tpu.memref_slice %arg8[%mul3A_306, %dma_start3A_320, %dma_start3A_321] : memref<20x1x100xi32, #tpu.memory_space<vmem>> -> memref<10x1x100xi32, #tpu.memory_space<vmem>>
          %dma_start3A_323 = arith.constant 0 : i32
          %dma_start3A_324 = arith.constant 0 : i32
          %dma_start3A_325 = arith.constant 0 : i32
          %dma_start3A_326 = tpu.memref_slice %arg2[%add3A, %dma_start3A_323, %dma_start3A_324, %dma_start3A_325] : memref<32x100x1x100xi32, #tpu.memory_space<hbm>> -> memref<1x100x1x100xi32, #tpu.memory_space<hbm>>
          %dma_start3A_327 = tpu.memref_squeeze %dma_start3A_326 : memref<1x100x1x100xi32, #tpu.memory_space<hbm>> -> memref<100x1x100xi32, #tpu.memory_space<hbm>>
          %dma_start3A_328 = arith.constant 0 : i32
          %dma_start3A_329 = arith.constant 0 : i32
          %dma_start3A_330 = tpu.memref_slice %dma_start3A_327[%mul3A_308, %dma_start3A_328, %dma_start3A_329] : memref<100x1x100xi32, #tpu.memory_space<hbm>> -> memref<10x1x100xi32, #tpu.memory_space<hbm>>
          tpu.enqueue_dma source(%dma_start3A_330 : memref<10x1x100xi32, #tpu.memory_space<hbm>>) target(%dma_start3A_322 : memref<10x1x100xi32, #tpu.memory_space<vmem>>) target_semaphore(%arg14 : memref<!tpu.dma_semaphore, #tpu.memory_space<semaphore_mem>>)
          %dma_start3A_331 = arith.constant 0 : i32
          %dma_start3A_332 = arith.constant 0 : i32
          %dma_start3A_333 = tpu.memref_slice %arg9[%mul3A_306, %dma_start3A_331, %dma_start3A_332] : memref<20x1x100xi32, #tpu.memory_space<vmem>> -> memref<10x1x100xi32, #tpu.memory_space<vmem>>
          %dma_start3A_334 = arith.constant 0 : i32
          %dma_start3A_335 = arith.constant 0 : i32
          %dma_start3A_336 = arith.constant 0 : i32
          %dma_start3A_337 = tpu.memref_slice %arg3[%add3A, %dma_start3A_334, %dma_start3A_335, %dma_start3A_336] : memref<32x100x1x100xi32, #tpu.memory_space<hbm>> -> memref<1x100x1x100xi32, #tpu.memory_space<hbm>>
          %dma_start3A_338 = tpu.memref_squeeze %dma_start3A_337 : memref<1x100x1x100xi32, #tpu.memory_space<hbm>> -> memref<100x1x100xi32, #tpu.memory_space<hbm>>
          %dma_start3A_339 = arith.constant 0 : i32
          %dma_start3A_340 = arith.constant 0 : i32
          %dma_start3A_341 = tpu.memref_slice %dma_start3A_338[%mul3A_308, %dma_start3A_339, %dma_start3A_340] : memref<100x1x100xi32, #tpu.memory_space<hbm>> -> memref<10x1x100xi32, #tpu.memory_space<hbm>>
          %dma_start3A_342 = arith.constant 0 : i32
          %dma_start3A_343 = arith.constant 0 : i32
          %dma_start3A_344 = tpu.memref_slice %arg9[%mul3A_306, %dma_start3A_342, %dma_start3A_343] : memref<20x1x100xi32, #tpu.memory_space<vmem>> -> memref<10x1x100xi32, #tpu.memory_space<vmem>>
          %dma_start3A_345 = arith.constant 0 : i32
          %dma_start3A_346 = arith.constant 0 : i32
          %dma_start3A_347 = arith.constant 0 : i32
          %dma_start3A_348 = tpu.memref_slice %arg3[%add3A, %dma_start3A_345, %dma_start3A_346, %dma_start3A_347] : memref<32x100x1x100xi32, #tpu.memory_space<hbm>> -> memref<1x100x1x100xi32, #tpu.memory_space<hbm>>
          %dma_start3A_349 = tpu.memref_squeeze %dma_start3A_348 : memref<1x100x1x100xi32, #tpu.memory_space<hbm>> -> memref<100x1x100xi32, #tpu.memory_space<hbm>>
          %dma_start3A_350 = arith.constant 0 : i32
          %dma_start3A_351 = arith.constant 0 : i32
          %dma_start3A_352 = tpu.memref_slice %dma_start3A_349[%mul3A_308, %dma_start3A_350, %dma_start3A_351] : memref<100x1x100xi32, #tpu.memory_space<hbm>> -> memref<10x1x100xi32, #tpu.memory_space<hbm>>
          tpu.enqueue_dma source(%dma_start3A_352 : memref<10x1x100xi32, #tpu.memory_space<hbm>>) target(%dma_start3A_344 : memref<10x1x100xi32, #tpu.memory_space<vmem>>) target_semaphore(%arg14 : memref<!tpu.dma_semaphore, #tpu.memory_space<semaphore_mem>>)
        } else {
        }
        %add3A_237 = arith.constant 2 : i32
        %add3A_238 = arith.addi %scan3A_225, %add3A_237 : i32
        %lt3A_239 = arith.constant 100 : i32
        %lt3A_240 = arith.cmpi slt, %add3A_238, %lt3A_239 : i32
        %convert_element_type3A_241 = arith.extui %lt3A_240 : i1 to i32
        %cond3A_242 = arith.constant 0 : i32
        %cond3A_243 = arith.cmpi ne, %convert_element_type3A_241, %cond3A_242 : i32
        scf.if %cond3A_243 {
          %ge3A = arith.constant 1 : i32
          %ge3A_283 = arith.cmpi sge, %scan3A_225, %ge3A : i32
          %convert_element_type3A_284 = arith.extui %ge3A_283 : i1 to i32
          %cond3A_285 = arith.constant 0 : i32
          %cond3A_286 = arith.cmpi ne, %convert_element_type3A_284, %cond3A_285 : i32
          scf.if %cond3A_286 {
            %sub3A = arith.constant 1 : i32
            %sub3A_317 = arith.subi %scan3A_225, %sub3A : i32
            %rem3A_318 = arith.constant 20 : i32
            %rem3A_319 = arith.remsi %sub3A_317, %rem3A_318 : i32
            %rem3A_320 = arith.constant 3 : i32
            %rem3A_321 = arith.remsi %sub3A_317, %rem3A_320 : i32
            %dma_wait3A_322 = arith.constant 0 : i32
            %dma_wait3A_323 = arith.constant 0 : i32
            %dma_wait3A_324 = arith.constant 0 : i32
            %dma_wait3A_325 = tpu.memref_slice %arg10[%rem3A_321, %dma_wait3A_323, %dma_wait3A_324] : memref<3x100x128xf32, #tpu.memory_space<vmem>> -> memref<1x100x128xf32, #tpu.memory_space<vmem>>
            %dma_wait3A_326 = tpu.memref_squeeze %dma_wait3A_325 : memref<1x100x128xf32, #tpu.memory_space<vmem>> -> memref<100x128xf32, #tpu.memory_space<vmem>>
            %dma_wait3A_327 = arith.constant 0 : i32
            %dma_wait3A_328 = arith.constant 0 : i32
            %dma_wait3A_329 = tpu.memref_slice %arg9[%rem3A_319, %dma_wait3A_327, %dma_wait3A_328] : memref<20x1x100xi32, #tpu.memory_space<vmem>> -> memref<1x1x100xi32, #tpu.memory_space<vmem>>
            %dma_wait3A_330 = tpu.memref_squeeze %dma_wait3A_329 : memref<1x1x100xi32, #tpu.memory_space<vmem>> -> memref<1x100xi32, #tpu.memory_space<vmem>>
            %dma_wait3A_331 = arith.constant 0 : i32
            %dma_wait3A_332 = tpu.memref_slice %dma_wait3A_330[%dma_wait3A_322, %dma_wait3A_331] : memref<1x100xi32, #tpu.memory_space<vmem>> -> memref<1x100xi32, #tpu.memory_space<vmem>>
            %dma_wait3A_333 = tpu.memref_squeeze %dma_wait3A_332 : memref<1x100xi32, #tpu.memory_space<vmem>> -> memref<100xi32, #tpu.memory_space<vmem>>
            %dma_wait3A_334 = arith.constant 0 : i32
            %dma_wait3A_335 = arith.constant 0 : i32
            %dma_wait3A_336 = tpu.memref_slice %arg11[%dma_wait3A_334, %dma_wait3A_335] : memref<10240x128xf32, #tpu.memory_space<vmem_shared>> -> memref<10240x128xf32, #tpu.memory_space<vmem_shared>>
            tpu.wait_indirect_dma semaphore(%arg13 : memref<!tpu.dma_semaphore, #tpu.memory_space<semaphore_mem>>) src(%dma_wait3A_326 : memref<100x128xf32, #tpu.memory_space<vmem>>) dst(%dma_wait3A_336 : memref<10240x128xf32, #tpu.memory_space<vmem_shared>>)
          } else {
          }
          %add3A_287 = arith.constant 2 : i32
          %add3A_288 = arith.addi %scan3A_225, %add3A_287 : i32
          %rem3A_289 = arith.constant 10 : i32
          %rem3A_290 = arith.remsi %add3A_288, %rem3A_289 : i32
          %eq3A_291 = arith.constant 0 : i32
          %eq3A_292 = arith.cmpi eq, %rem3A_290, %eq3A_291 : i32
          %convert_element_type3A_293 = arith.extui %eq3A_292 : i1 to i32
          %cond3A_294 = arith.constant 0 : i32
          %cond3A_295 = arith.cmpi ne, %convert_element_type3A_293, %cond3A_294 : i32
          scf.if %cond3A_295 {
            %add3A_317 = arith.constant 2 : i32
            %add3A_318 = arith.addi %scan3A_225, %add3A_317 : i32
            %jit3A = arith.constant 10 : i32
            %div3A = arith.divsi %add3A_318, %jit3A : i32
            %sign3A = arith.constant 0 : i32
            %sign3A_319 = arith.cmpi sgt, %add3A_318, %sign3A : i32
            %sign3A_320 = arith.extui %sign3A_319 : i1 to i32
            %sign3A_321 = arith.constant 0 : i32
            %sign3A_322 = arith.cmpi slt, %add3A_318, %sign3A_321 : i32
            %sign3A_323 = arith.extui %sign3A_322 : i1 to i32
            %sign3A_324 = arith.subi %sign3A_320, %sign3A_323 : i32
            %sign3A_325 = arith.constant 0 : i32
            %sign3A_326 = arith.cmpi sgt, %jit3A, %sign3A_325 : i32
            %sign3A_327 = arith.extui %sign3A_326 : i1 to i32
            %sign3A_328 = arith.constant 0 : i32
            %sign3A_329 = arith.cmpi slt, %jit3A, %sign3A_328 : i32
            %sign3A_330 = arith.extui %sign3A_329 : i1 to i32
            %sign3A_331 = arith.subi %sign3A_327, %sign3A_330 : i32
            %ne3A = arith.cmpi ne, %sign3A_324, %sign3A_331 : i32
            %rem3A_332 = arith.remsi %add3A_318, %jit3A : i32
            %ne3A_333 = arith.constant 0 : i32
            %ne3A_334 = arith.cmpi ne, %rem3A_332, %ne3A_333 : i32
            %and3A_335 = arith.andi %ne3A, %ne3A_334 : i1
            %sub3A = arith.constant 1 : i32
            %sub3A_336 = arith.subi %div3A, %sub3A : i32
            %select_n3A = arith.select %and3A_335, %sub3A_336, %div3A : i32
            %rem3A_337 = arith.constant 2 : i32
            %rem3A_338 = arith.remsi %select_n3A, %rem3A_337 : i32
            %mul3A_339 = arith.constant 10 : i32
            %mul3A_340 = arith.muli %rem3A_338, %mul3A_339 : i32
            %mul3A_341 = arith.constant 10 : i32
            %mul3A_342 = arith.muli %select_n3A, %mul3A_341 : i32
            %dma_wait3A_343 = arith.constant 0 : i32
            %dma_wait3A_344 = arith.constant 0 : i32
            %dma_wait3A_345 = tpu.memref_slice %arg8[%mul3A_340, %dma_wait3A_343, %dma_wait3A_344] : memref<20x1x100xi32, #tpu.memory_space<vmem>> -> memref<10x1x100xi32, #tpu.memory_space<vmem>>
            %dma_wait3A_346 = arith.constant 0 : i32
            %dma_wait3A_347 = arith.constant 0 : i32
            %dma_wait3A_348 = arith.constant 0 : i32
            %dma_wait3A_349 = tpu.memref_slice %arg2[%add3A, %dma_wait3A_346, %dma_wait3A_347, %dma_wait3A_348] : memref<32x100x1x100xi32, #tpu.memory_space<hbm>> -> memref<1x100x1x100xi32, #tpu.memory_space<hbm>>
            %dma_wait3A_350 = tpu.memref_squeeze %dma_wait3A_349 : memref<1x100x1x100xi32, #tpu.memory_space<hbm>> -> memref<100x1x100xi32, #tpu.memory_space<hbm>>
            %dma_wait3A_351 = arith.constant 0 : i32
            %dma_wait3A_352 = arith.constant 0 : i32
            %dma_wait3A_353 = tpu.memref_slice %dma_wait3A_350[%mul3A_342, %dma_wait3A_351, %dma_wait3A_352] : memref<100x1x100xi32, #tpu.memory_space<hbm>> -> memref<10x1x100xi32, #tpu.memory_space<hbm>>
            %dma_wait3A_354 = arith.constant 0 : i32
            %dma_wait3A_355 = arith.constant 0 : i32
            %dma_wait3A_356 = tpu.memref_slice %arg8[%mul3A_340, %dma_wait3A_354, %dma_wait3A_355] : memref<20x1x100xi32, #tpu.memory_space<vmem>> -> memref<10x1x100xi32, #tpu.memory_space<vmem>>
            %dma_wait3A_357 = arith.constant 0 : i32
            %dma_wait3A_358 = arith.constant 0 : i32
            %dma_wait3A_359 = arith.constant 0 : i32
            %dma_wait3A_360 = tpu.memref_slice %arg2[%add3A, %dma_wait3A_357, %dma_wait3A_358, %dma_wait3A_359] : memref<32x100x1x100xi32, #tpu.memory_space<hbm>> -> memref<1x100x1x100xi32, #tpu.memory_space<hbm>>
            %dma_wait3A_361 = tpu.memref_squeeze %dma_wait3A_360 : memref<1x100x1x100xi32, #tpu.memory_space<hbm>> -> memref<100x1x100xi32, #tpu.memory_space<hbm>>
            %dma_wait3A_362 = arith.constant 0 : i32
            %dma_wait3A_363 = arith.constant 0 : i32
            %dma_wait3A_364 = tpu.memref_slice %dma_wait3A_361[%mul3A_342, %dma_wait3A_362, %dma_wait3A_363] : memref<100x1x100xi32, #tpu.memory_space<hbm>> -> memref<10x1x100xi32, #tpu.memory_space<hbm>>
            tpu.wait_dma2 semaphore(%arg14 : memref<!tpu.dma_semaphore, #tpu.memory_space<semaphore_mem>>) src(%dma_wait3A_364 : memref<10x1x100xi32, #tpu.memory_space<hbm>>) dst(%dma_wait3A_356 : memref<10x1x100xi32, #tpu.memory_space<vmem>>)
            %dma_wait3A_365 = arith.constant 0 : i32
            %dma_wait3A_366 = arith.constant 0 : i32
            %dma_wait3A_367 = tpu.memref_slice %arg9[%mul3A_340, %dma_wait3A_365, %dma_wait3A_366] : memref<20x1x100xi32, #tpu.memory_space<vmem>> -> memref<10x1x100xi32, #tpu.memory_space<vmem>>
            %dma_wait3A_368 = arith.constant 0 : i32
            %dma_wait3A_369 = arith.constant 0 : i32
            %dma_wait3A_370 = arith.constant 0 : i32
            %dma_wait3A_371 = tpu.memref_slice %arg3[%add3A, %dma_wait3A_368, %dma_wait3A_369, %dma_wait3A_370] : memref<32x100x1x100xi32, #tpu.memory_space<hbm>> -> memref<1x100x1x100xi32, #tpu.memory_space<hbm>>
            %dma_wait3A_372 = tpu.memref_squeeze %dma_wait3A_371 : memref<1x100x1x100xi32, #tpu.memory_space<hbm>> -> memref<100x1x100xi32, #tpu.memory_space<hbm>>
            %dma_wait3A_373 = arith.constant 0 : i32
            %dma_wait3A_374 = arith.constant 0 : i32
            %dma_wait3A_375 = tpu.memref_slice %dma_wait3A_372[%mul3A_342, %dma_wait3A_373, %dma_wait3A_374] : memref<100x1x100xi32, #tpu.memory_space<hbm>> -> memref<10x1x100xi32, #tpu.memory_space<hbm>>
            %dma_wait3A_376 = arith.constant 0 : i32
            %dma_wait3A_377 = arith.constant 0 : i32
            %dma_wait3A_378 = tpu.memref_slice %arg9[%mul3A_340, %dma_wait3A_376, %dma_wait3A_377] : memref<20x1x100xi32, #tpu.memory_space<vmem>> -> memref<10x1x100xi32, #tpu.memory_space<vmem>>
            %dma_wait3A_379 = arith.constant 0 : i32
            %dma_wait3A_380 = arith.constant 0 : i32
            %dma_wait3A_381 = arith.constant 0 : i32
            %dma_wait3A_382 = tpu.memref_slice %arg3[%add3A, %dma_wait3A_379, %dma_wait3A_380, %dma_wait3A_381] : memref<32x100x1x100xi32, #tpu.memory_space<hbm>> -> memref<1x100x1x100xi32, #tpu.memory_space<hbm>>
            %dma_wait3A_383 = tpu.memref_squeeze %dma_wait3A_382 : memref<1x100x1x100xi32, #tpu.memory_space<hbm>> -> memref<100x1x100xi32, #tpu.memory_space<hbm>>
            %dma_wait3A_384 = arith.constant 0 : i32
            %dma_wait3A_385 = arith.constant 0 : i32
            %dma_wait3A_386 = tpu.memref_slice %dma_wait3A_383[%mul3A_342, %dma_wait3A_384, %dma_wait3A_385] : memref<100x1x100xi32, #tpu.memory_space<hbm>> -> memref<10x1x100xi32, #tpu.memory_space<hbm>>
            tpu.wait_dma2 semaphore(%arg14 : memref<!tpu.dma_semaphore, #tpu.memory_space<semaphore_mem>>) src(%dma_wait3A_386 : memref<10x1x100xi32, #tpu.memory_space<hbm>>) dst(%dma_wait3A_378 : memref<10x1x100xi32, #tpu.memory_space<vmem>>)
          } else {
          }
          %add3A_296 = arith.constant 2 : i32
          %add3A_297 = arith.addi %scan3A_225, %add3A_296 : i32
          %rem3A_298 = arith.constant 20 : i32
          %rem3A_299 = arith.remsi %add3A_297, %rem3A_298 : i32
          %rem3A_300 = arith.constant 3 : i32
          %rem3A_301 = arith.remsi %add3A_297, %rem3A_300 : i32
          %dma_start3A_302 = arith.constant 0 : i32
          %dma_start3A_303 = arith.constant 0 : i32
          %dma_start3A_304 = arith.constant 0 : i32
          %dma_start3A_305 = tpu.memref_slice %arg10[%rem3A_301, %dma_start3A_303, %dma_start3A_304] : memref<3x100x128xf32, #tpu.memory_space<vmem>> -> memref<1x100x128xf32, #tpu.memory_space<vmem>>
          %dma_start3A_306 = tpu.memref_squeeze %dma_start3A_305 : memref<1x100x128xf32, #tpu.memory_space<vmem>> -> memref<100x128xf32, #tpu.memory_space<vmem>>
          %dma_start3A_307 = arith.constant 0 : i32
          %dma_start3A_308 = arith.constant 0 : i32
          %dma_start3A_309 = tpu.memref_slice %arg8[%rem3A_299, %dma_start3A_307, %dma_start3A_308] : memref<20x1x100xi32, #tpu.memory_space<vmem>> -> memref<1x1x100xi32, #tpu.memory_space<vmem>>
          %dma_start3A_310 = tpu.memref_squeeze %dma_start3A_309 : memref<1x1x100xi32, #tpu.memory_space<vmem>> -> memref<1x100xi32, #tpu.memory_space<vmem>>
          %dma_start3A_311 = arith.constant 0 : i32
          %dma_start3A_312 = tpu.memref_slice %dma_start3A_310[%dma_start3A_302, %dma_start3A_311] : memref<1x100xi32, #tpu.memory_space<vmem>> -> memref<1x100xi32, #tpu.memory_space<vmem>>
          %dma_start3A_313 = tpu.memref_squeeze %dma_start3A_312 : memref<1x100xi32, #tpu.memory_space<vmem>> -> memref<100xi32, #tpu.memory_space<vmem>>
          %dma_start3A_314 = arith.constant 0 : i32
          %dma_start3A_315 = arith.constant 0 : i32
          %dma_start3A_316 = tpu.memref_slice %arg5[%dma_start3A_314, %dma_start3A_315] : memref<10240x128xf32, #tpu.memory_space<hbm>> -> memref<10240x128xf32, #tpu.memory_space<hbm>>
          tpu.enqueue_indirect_dma source(%dma_start3A_316 : memref<10240x128xf32, #tpu.memory_space<hbm>>) target(%dma_start3A_306 : memref<100x128xf32, #tpu.memory_space<vmem>>) offsets(%dma_start3A_313 : memref<100xi32, #tpu.memory_space<vmem>>) semaphore(%arg12 : memref<!tpu.dma_semaphore, #tpu.memory_space<semaphore_mem>>)
        } else {
        }
        %rem3A_244 = arith.constant 20 : i32
        %rem3A_245 = arith.remsi %scan3A_225, %rem3A_244 : i32
        %rem3A_246 = arith.constant 3 : i32
        %rem3A_247 = arith.remsi %scan3A_225, %rem3A_246 : i32
        %dma_wait3A_248 = arith.constant 0 : i32
        %dma_wait3A_249 = arith.constant 0 : i32
        %dma_wait3A_250 = arith.constant 0 : i32
        %dma_wait3A_251 = tpu.memref_slice %arg10[%rem3A_247, %dma_wait3A_249, %dma_wait3A_250] : memref<3x100x128xf32, #tpu.memory_space<vmem>> -> memref<1x100x128xf32, #tpu.memory_space<vmem>>
        %dma_wait3A_252 = tpu.memref_squeeze %dma_wait3A_251 : memref<1x100x128xf32, #tpu.memory_space<vmem>> -> memref<100x128xf32, #tpu.memory_space<vmem>>
        %dma_wait3A_253 = arith.constant 0 : i32
        %dma_wait3A_254 = arith.constant 0 : i32
        %dma_wait3A_255 = tpu.memref_slice %arg8[%rem3A_245, %dma_wait3A_253, %dma_wait3A_254] : memref<20x1x100xi32, #tpu.memory_space<vmem>> -> memref<1x1x100xi32, #tpu.memory_space<vmem>>
        %dma_wait3A_256 = tpu.memref_squeeze %dma_wait3A_255 : memref<1x1x100xi32, #tpu.memory_space<vmem>> -> memref<1x100xi32, #tpu.memory_space<vmem>>
        %dma_wait3A_257 = arith.constant 0 : i32
        %dma_wait3A_258 = tpu.memref_slice %dma_wait3A_256[%dma_wait3A_248, %dma_wait3A_257] : memref<1x100xi32, #tpu.memory_space<vmem>> -> memref<1x100xi32, #tpu.memory_space<vmem>>
        %dma_wait3A_259 = tpu.memref_squeeze %dma_wait3A_258 : memref<1x100xi32, #tpu.memory_space<vmem>> -> memref<100xi32, #tpu.memory_space<vmem>>
        %dma_wait3A_260 = arith.constant 0 : i32
        %dma_wait3A_261 = arith.constant 0 : i32
        %dma_wait3A_262 = tpu.memref_slice %arg5[%dma_wait3A_260, %dma_wait3A_261] : memref<10240x128xf32, #tpu.memory_space<hbm>> -> memref<10240x128xf32, #tpu.memory_space<hbm>>
        tpu.wait_indirect_dma semaphore(%arg12 : memref<!tpu.dma_semaphore, #tpu.memory_space<semaphore_mem>>) src(%dma_wait3A_262 : memref<10240x128xf32, #tpu.memory_space<hbm>>) dst(%dma_wait3A_252 : memref<100x128xf32, #tpu.memory_space<vmem>>)
        %rem3A_263 = arith.constant 20 : i32
        %rem3A_264 = arith.remsi %scan3A_225, %rem3A_263 : i32
        %rem3A_265 = arith.constant 3 : i32
        %rem3A_266 = arith.remsi %scan3A_225, %rem3A_265 : i32
        %dma_start3A_267 = arith.constant 0 : i32
        %dma_start3A_268 = arith.constant 0 : i32
        %dma_start3A_269 = arith.constant 0 : i32
        %dma_start3A_270 = tpu.memref_slice %arg10[%rem3A_266, %dma_start3A_268, %dma_start3A_269] : memref<3x100x128xf32, #tpu.memory_space<vmem>> -> memref<1x100x128xf32, #tpu.memory_space<vmem>>
        %dma_start3A_271 = tpu.memref_squeeze %dma_start3A_270 : memref<1x100x128xf32, #tpu.memory_space<vmem>> -> memref<100x128xf32, #tpu.memory_space<vmem>>
        %dma_start3A_272 = arith.constant 0 : i32
        %dma_start3A_273 = arith.constant 0 : i32
        %dma_start3A_274 = tpu.memref_slice %arg9[%rem3A_264, %dma_start3A_272, %dma_start3A_273] : memref<20x1x100xi32, #tpu.memory_space<vmem>> -> memref<1x1x100xi32, #tpu.memory_space<vmem>>
        %dma_start3A_275 = tpu.memref_squeeze %dma_start3A_274 : memref<1x1x100xi32, #tpu.memory_space<vmem>> -> memref<1x100xi32, #tpu.memory_space<vmem>>
        %dma_start3A_276 = arith.constant 0 : i32
        %dma_start3A_277 = tpu.memref_slice %dma_start3A_275[%dma_start3A_267, %dma_start3A_276] : memref<1x100xi32, #tpu.memory_space<vmem>> -> memref<1x100xi32, #tpu.memory_space<vmem>>
        %dma_start3A_278 = tpu.memref_squeeze %dma_start3A_277 : memref<1x100xi32, #tpu.memory_space<vmem>> -> memref<100xi32, #tpu.memory_space<vmem>>
        %dma_start3A_279 = arith.constant 0 : i32
        %dma_start3A_280 = arith.constant 0 : i32
        %dma_start3A_281 = tpu.memref_slice %arg11[%dma_start3A_279, %dma_start3A_280] : memref<10240x128xf32, #tpu.memory_space<vmem_shared>> -> memref<10240x128xf32, #tpu.memory_space<vmem_shared>>
        tpu.enqueue_indirect_dma source(%dma_start3A_271 : memref<100x128xf32, #tpu.memory_space<vmem>>) target(%dma_start3A_281 : memref<10240x128xf32, #tpu.memory_space<vmem_shared>>) offsets(%dma_start3A_278 : memref<100xi32, #tpu.memory_space<vmem>>) semaphore(%arg13 : memref<!tpu.dma_semaphore, #tpu.memory_space<semaphore_mem>>) {add = true}
        %scan3A_282 = arith.constant 0 : i32
        scf.yield %scan3A_282 : i32
      }
      %scan3A_160 = arith.constant 100 : i32
      %rem3A_161 = arith.constant 97 : i32
      %rem3A_162 = arith.constant 20 : i32
      %rem3A_163 = arith.remsi %rem3A_161, %rem3A_162 : i32
      %rem3A_164 = arith.constant 97 : i32
      %rem3A_165 = arith.constant 3 : i32
      %rem3A_166 = arith.remsi %rem3A_164, %rem3A_165 : i32
      %dma_wait3A_167 = arith.constant 0 : i32
      %dma_wait3A_168 = arith.constant 0 : i32
      %dma_wait3A_169 = arith.constant 0 : i32
      %dma_wait3A_170 = tpu.memref_slice %arg10[%rem3A_166, %dma_wait3A_168, %dma_wait3A_169] : memref<3x100x128xf32, #tpu.memory_space<vmem>> -> memref<1x100x128xf32, #tpu.memory_space<vmem>>
      %dma_wait3A_171 = tpu.memref_squeeze %dma_wait3A_170 : memref<1x100x128xf32, #tpu.memory_space<vmem>> -> memref<100x128xf32, #tpu.memory_space<vmem>>
      %dma_wait3A_172 = arith.constant 0 : i32
      %dma_wait3A_173 = arith.constant 0 : i32
      %dma_wait3A_174 = tpu.memref_slice %arg9[%rem3A_163, %dma_wait3A_172, %dma_wait3A_173] : memref<20x1x100xi32, #tpu.memory_space<vmem>> -> memref<1x1x100xi32, #tpu.memory_space<vmem>>
      %dma_wait3A_175 = tpu.memref_squeeze %dma_wait3A_174 : memref<1x1x100xi32, #tpu.memory_space<vmem>> -> memref<1x100xi32, #tpu.memory_space<vmem>>
      %dma_wait3A_176 = arith.constant 0 : i32
      %dma_wait3A_177 = tpu.memref_slice %dma_wait3A_175[%dma_wait3A_167, %dma_wait3A_176] : memref<1x100xi32, #tpu.memory_space<vmem>> -> memref<1x100xi32, #tpu.memory_space<vmem>>
      %dma_wait3A_178 = tpu.memref_squeeze %dma_wait3A_177 : memref<1x100xi32, #tpu.memory_space<vmem>> -> memref<100xi32, #tpu.memory_space<vmem>>
      %dma_wait3A_179 = arith.constant 0 : i32
      %dma_wait3A_180 = arith.constant 0 : i32
      %dma_wait3A_181 = tpu.memref_slice %arg11[%dma_wait3A_179, %dma_wait3A_180] : memref<10240x128xf32, #tpu.memory_space<vmem_shared>> -> memref<10240x128xf32, #tpu.memory_space<vmem_shared>>
      tpu.wait_indirect_dma semaphore(%arg13 : memref<!tpu.dma_semaphore, #tpu.memory_space<semaphore_mem>>) src(%dma_wait3A_171 : memref<100x128xf32, #tpu.memory_space<vmem>>) dst(%dma_wait3A_181 : memref<10240x128xf32, #tpu.memory_space<vmem_shared>>)
      %rem3A_182 = arith.constant 98 : i32
      %rem3A_183 = arith.constant 20 : i32
      %rem3A_184 = arith.remsi %rem3A_182, %rem3A_183 : i32
      %rem3A_185 = arith.constant 98 : i32
      %rem3A_186 = arith.constant 3 : i32
      %rem3A_187 = arith.remsi %rem3A_185, %rem3A_186 : i32
      %dma_wait3A_188 = arith.constant 0 : i32
      %dma_wait3A_189 = arith.constant 0 : i32
      %dma_wait3A_190 = arith.constant 0 : i32
      %dma_wait3A_191 = tpu.memref_slice %arg10[%rem3A_187, %dma_wait3A_189, %dma_wait3A_190] : memref<3x100x128xf32, #tpu.memory_space<vmem>> -> memref<1x100x128xf32, #tpu.memory_space<vmem>>
      %dma_wait3A_192 = tpu.memref_squeeze %dma_wait3A_191 : memref<1x100x128xf32, #tpu.memory_space<vmem>> -> memref<100x128xf32, #tpu.memory_space<vmem>>
      %dma_wait3A_193 = arith.constant 0 : i32
      %dma_wait3A_194 = arith.constant 0 : i32
      %dma_wait3A_195 = tpu.memref_slice %arg9[%rem3A_184, %dma_wait3A_193, %dma_wait3A_194] : memref<20x1x100xi32, #tpu.memory_space<vmem>> -> memref<1x1x100xi32, #tpu.memory_space<vmem>>
      %dma_wait3A_196 = tpu.memref_squeeze %dma_wait3A_195 : memref<1x1x100xi32, #tpu.memory_space<vmem>> -> memref<1x100xi32, #tpu.memory_space<vmem>>
      %dma_wait3A_197 = arith.constant 0 : i32
      %dma_wait3A_198 = tpu.memref_slice %dma_wait3A_196[%dma_wait3A_188, %dma_wait3A_197] : memref<1x100xi32, #tpu.memory_space<vmem>> -> memref<1x100xi32, #tpu.memory_space<vmem>>
      %dma_wait3A_199 = tpu.memref_squeeze %dma_wait3A_198 : memref<1x100xi32, #tpu.memory_space<vmem>> -> memref<100xi32, #tpu.memory_space<vmem>>
      %dma_wait3A_200 = arith.constant 0 : i32
      %dma_wait3A_201 = arith.constant 0 : i32
      %dma_wait3A_202 = tpu.memref_slice %arg11[%dma_wait3A_200, %dma_wait3A_201] : memref<10240x128xf32, #tpu.memory_space<vmem_shared>> -> memref<10240x128xf32, #tpu.memory_space<vmem_shared>>
      tpu.wait_indirect_dma semaphore(%arg13 : memref<!tpu.dma_semaphore, #tpu.memory_space<semaphore_mem>>) src(%dma_wait3A_192 : memref<100x128xf32, #tpu.memory_space<vmem>>) dst(%dma_wait3A_202 : memref<10240x128xf32, #tpu.memory_space<vmem_shared>>)
      %rem3A_203 = arith.constant 99 : i32
      %rem3A_204 = arith.constant 20 : i32
      %rem3A_205 = arith.remsi %rem3A_203, %rem3A_204 : i32
      %rem3A_206 = arith.constant 99 : i32
      %rem3A_207 = arith.constant 3 : i32
      %rem3A_208 = arith.remsi %rem3A_206, %rem3A_207 : i32
      %dma_wait3A_209 = arith.constant 0 : i32
      %dma_wait3A_210 = arith.constant 0 : i32
      %dma_wait3A_211 = arith.constant 0 : i32
      %dma_wait3A_212 = tpu.memref_slice %arg10[%rem3A_208, %dma_wait3A_210, %dma_wait3A_211] : memref<3x100x128xf32, #tpu.memory_space<vmem>> -> memref<1x100x128xf32, #tpu.memory_space<vmem>>
      %dma_wait3A_213 = tpu.memref_squeeze %dma_wait3A_212 : memref<1x100x128xf32, #tpu.memory_space<vmem>> -> memref<100x128xf32, #tpu.memory_space<vmem>>
      %dma_wait3A_214 = arith.constant 0 : i32
      %dma_wait3A_215 = arith.constant 0 : i32
      %dma_wait3A_216 = tpu.memref_slice %arg9[%rem3A_205, %dma_wait3A_214, %dma_wait3A_215] : memref<20x1x100xi32, #tpu.memory_space<vmem>> -> memref<1x1x100xi32, #tpu.memory_space<vmem>>
      %dma_wait3A_217 = tpu.memref_squeeze %dma_wait3A_216 : memref<1x1x100xi32, #tpu.memory_space<vmem>> -> memref<1x100xi32, #tpu.memory_space<vmem>>
      %dma_wait3A_218 = arith.constant 0 : i32
      %dma_wait3A_219 = tpu.memref_slice %dma_wait3A_217[%dma_wait3A_209, %dma_wait3A_218] : memref<1x100xi32, #tpu.memory_space<vmem>> -> memref<1x100xi32, #tpu.memory_space<vmem>>
      %dma_wait3A_220 = tpu.memref_squeeze %dma_wait3A_219 : memref<1x100xi32, #tpu.memory_space<vmem>> -> memref<100xi32, #tpu.memory_space<vmem>>
      %dma_wait3A_221 = arith.constant 0 : i32
      %dma_wait3A_222 = arith.constant 0 : i32
      %dma_wait3A_223 = tpu.memref_slice %arg11[%dma_wait3A_221, %dma_wait3A_222] : memref<10240x128xf32, #tpu.memory_space<vmem_shared>> -> memref<10240x128xf32, #tpu.memory_space<vmem_shared>>
      tpu.wait_indirect_dma semaphore(%arg13 : memref<!tpu.dma_semaphore, #tpu.memory_space<semaphore_mem>>) src(%dma_wait3A_213 : memref<100x128xf32, #tpu.memory_space<vmem>>) dst(%dma_wait3A_223 : memref<10240x128xf32, #tpu.memory_space<vmem_shared>>)
      %barrier3A_224 = arith.constant 0 : index
      tpu.barrier barrier_id(%barrier3A_224)
      "tpu.region"() ({
        %run_scoped3A = tpu.sem_alloc : memref<!tpu.dma_semaphore, #tpu.memory_space<semaphore_mem>>
        %dma_start3A_225 = arith.constant 0 : i32
        %dma_start3A_226 = tpu.memref_slice %arg7[%mul3A_2, %dma_start3A_225] : memref<10240x128xf32, #tpu.memory_space<hbm>> -> memref<640x128xf32, #tpu.memory_space<hbm>>
        %dma_start3A_227 = arith.constant 0 : i32
        %dma_start3A_228 = tpu.memref_slice %arg11[%mul3A_2, %dma_start3A_227] : memref<10240x128xf32, #tpu.memory_space<vmem_shared>> -> memref<640x128xf32, #tpu.memory_space<vmem_shared>>
        tpu.enqueue_dma source(%dma_start3A_228 : memref<640x128xf32, #tpu.memory_space<vmem_shared>>) target(%dma_start3A_226 : memref<640x128xf32, #tpu.memory_space<hbm>>) target_semaphore(%run_scoped3A : memref<!tpu.dma_semaphore, #tpu.memory_space<semaphore_mem>>)
        %dma_wait3A_229 = arith.constant 0 : i32
        %dma_wait3A_230 = tpu.memref_slice %arg7[%mul3A_2, %dma_wait3A_229] : memref<10240x128xf32, #tpu.memory_space<hbm>> -> memref<640x128xf32, #tpu.memory_space<hbm>>
        %dma_wait3A_231 = arith.constant 0 : i32
        %dma_wait3A_232 = tpu.memref_slice %arg11[%mul3A_2, %dma_wait3A_231] : memref<10240x128xf32, #tpu.memory_space<vmem_shared>> -> memref<640x128xf32, #tpu.memory_space<vmem_shared>>
        tpu.wait_dma2 semaphore(%run_scoped3A : memref<!tpu.dma_semaphore, #tpu.memory_space<semaphore_mem>>) src(%dma_wait3A_232 : memref<640x128xf32, #tpu.memory_space<vmem_shared>>) dst(%dma_wait3A_230 : memref<640x128xf32, #tpu.memory_space<hbm>>)
        tpu.yield
      }) : () -> ()
    } else {
    }
    return
  }
}

module attributes {stable_mosaic.version = 14 : i64} {
  func.func @_tca_body(%arg0: i32, %arg1: memref<640x128xf32, #tpu.memory_space<vmem>>, %arg2: memref<640x1xf32, #tpu.memory_space<vmem>>, %arg3: memref<640x1xf32, #tpu.memory_space<vmem>>, %arg4: memref<640x128xf32, #tpu.memory_space<vmem>>) attributes {dimension_semantics = [#tpu.dimension_semantics<arbitrary>], iteration_bounds = array<i64: 16>, scalar_prefetch = 0 : i64, scratch_operands = 0 : i64, tpu.core_type = #tpu.core_type<tc>, window_params = [{transform_indices = @transform_0, window_bounds = array<i64: 640, 128>}, {transform_indices = @transform_1, window_bounds = array<i64: 640, 1>}, {transform_indices = @transform_2, window_bounds = array<i64: 640, 1>}, {transform_indices = @transform_3, window_bounds = array<i64: 640, 128>}]} {
    %get3A = arith.constant 0 : index
    %get3A_0 = arith.constant 0 : index
    %get3A_1 = vector.load %arg2[%get3A, %get3A_0] : memref<640x1xf32, #tpu.memory_space<vmem>>, vector<640x1xf32>
    %get3A_2 = arith.constant 0 : index
    %get3A_3 = arith.constant 0 : index
    %get3A_4 = vector.load %arg3[%get3A_2, %get3A_3] : memref<640x1xf32, #tpu.memory_space<vmem>>, vector<640x1xf32>
    %add3A = arith.addf %get3A_1, %get3A_4 : vector<640x1xf32>
    %add3A_5 = arith.constant 1.000000e+00 : f32
    %add3A_6 = vector.broadcast %add3A_5 : f32 to vector<640x1xf32>
    %add3A_7 = arith.addf %add3A, %add3A_6 : vector<640x1xf32>
    %rsqrt3A = math.rsqrt %add3A_7 : vector<640x1xf32>
    %get3A_8 = arith.constant 0 : index
    %get3A_9 = arith.constant 0 : index
    %get3A_10 = vector.load %arg1[%get3A_8, %get3A_9] : memref<640x128xf32, #tpu.memory_space<vmem>>, vector<640x128xf32>
    %mul3A = vector.broadcast %rsqrt3A : vector<640x1xf32> to vector<640x128xf32>
    %mul3A_11 = arith.mulf %get3A_10, %mul3A : vector<640x128xf32>
    %swap3A = arith.constant 0 : index
    %swap3A_12 = arith.constant 0 : index
    %swap3A_13 = vector.load %arg4[%swap3A, %swap3A_12] : memref<640x128xf32, #tpu.memory_space<vmem>>, vector<640x128xf32>
    tpu.vector_store %arg4[%swap3A, %swap3A_12], %mul3A_11 {strides = array<i32>} : memref<640x128xf32, #tpu.memory_space<vmem>>, vector<640x128xf32>,
    return
  }
  func.func @transform_0(%arg0: i32) -> (i32, i32) {
    %c0_i32 = arith.constant 0 : i32
    %c0_i32_0 = arith.constant 0 : i32
    return %arg0, %c0_i32 : i32, i32
  }
  func.func @transform_1(%arg0: i32) -> (i32, i32) {
    %c0_i32 = arith.constant 0 : i32
    %c0_i32_0 = arith.constant 0 : i32
    return %arg0, %c0_i32 : i32, i32
  }
  func.func @transform_2(%arg0: i32) -> (i32, i32) {
    %c0_i32 = arith.constant 0 : i32
    %c0_i32_0 = arith.constant 0 : i32
    return %arg0, %c0_i32 : i32, i32
  }
  func.func @transform_3(%arg0: i32) -> (i32, i32) {
    %c0_i32 = arith.constant 0 : i32
    %c0_i32_0 = arith.constant 0 : i32
    return %arg0, %c0_i32 : i32, i32
  }
}

module attributes {stable_mosaic.version = 14 : i64} {
  func.func @_tcb_body(%arg0: i32, %arg1: memref<640x128xf32, #tpu.memory_space<vmem>>, %arg2: memref<640x128xf32, #tpu.memory_space<vmem>>, %arg3: memref<640x128xf32, #tpu.memory_space<vmem>>, %arg4: memref<640x1xf32, #tpu.memory_space<vmem>>, %arg5: memref<640x1xf32, #tpu.memory_space<vmem>>, %arg6: memref<1x256xf32, #tpu.memory_space<vmem>>, %arg7: memref<128x256xf32, #tpu.memory_space<vmem>>, %arg8: memref<256x128xf32, #tpu.memory_space<vmem>>, %arg9: memref<640x128xf32, #tpu.memory_space<vmem>>) attributes {dimension_semantics = [#tpu.dimension_semantics<arbitrary>], iteration_bounds = array<i64: 16>, scalar_prefetch = 0 : i64, scratch_operands = 0 : i64, tpu.core_type = #tpu.core_type<tc>, window_params = [{transform_indices = @transform_0, window_bounds = array<i64: 640, 128>}, {transform_indices = @transform_1, window_bounds = array<i64: 640, 128>}, {transform_indices = @transform_2, window_bounds = array<i64: 640, 128>}, {transform_indices = @transform_3, window_bounds = array<i64: 640, 1>}, {transform_indices = @transform_4, window_bounds = array<i64: 640, 1>}, {pipeline_mode = #tpu.pipeline_mode<synchronous>, transform_indices = @transform_5, window_bounds = array<i64: 1, 256>}, {pipeline_mode = #tpu.pipeline_mode<synchronous>, transform_indices = @transform_6, window_bounds = array<i64: 128, 256>}, {pipeline_mode = #tpu.pipeline_mode<synchronous>, transform_indices = @transform_7, window_bounds = array<i64: 256, 128>}, {transform_indices = @transform_8, window_bounds = array<i64: 640, 128>}]} {
    %get3A = arith.constant 0 : index
    %get3A_0 = arith.constant 0 : index
    %get3A_1 = vector.load %arg4[%get3A, %get3A_0] : memref<640x1xf32, #tpu.memory_space<vmem>>, vector<640x1xf32>
    %get3A_2 = arith.constant 0 : index
    %get3A_3 = arith.constant 0 : index
    %get3A_4 = vector.load %arg5[%get3A_2, %get3A_3] : memref<640x1xf32, #tpu.memory_space<vmem>>, vector<640x1xf32>
    %add3A = arith.addf %get3A_1, %get3A_4 : vector<640x1xf32>
    %add3A_5 = arith.constant 1.000000e+00 : f32
    %add3A_6 = vector.broadcast %add3A_5 : f32 to vector<640x1xf32>
    %add3A_7 = arith.addf %add3A, %add3A_6 : vector<640x1xf32>
    %rsqrt3A = math.rsqrt %add3A_7 : vector<640x1xf32>
    %get3A_8 = arith.constant 0 : index
    %get3A_9 = arith.constant 0 : index
    %get3A_10 = vector.load %arg1[%get3A_8, %get3A_9] : memref<640x128xf32, #tpu.memory_space<vmem>>, vector<640x128xf32>
    %get3A_11 = arith.constant 0 : index
    %get3A_12 = arith.constant 0 : index
    %get3A_13 = vector.load %arg2[%get3A_11, %get3A_12] : memref<640x128xf32, #tpu.memory_space<vmem>>, vector<640x128xf32>
    %add3A_14 = arith.addf %get3A_10, %get3A_13 : vector<640x128xf32>
    %get3A_15 = arith.constant 0 : index
    %get3A_16 = arith.constant 0 : index
    %get3A_17 = vector.load %arg3[%get3A_15, %get3A_16] : memref<640x128xf32, #tpu.memory_space<vmem>>, vector<640x128xf32>
    %sub3A = arith.subf %add3A_14, %get3A_17 : vector<640x128xf32>
    %mul3A = vector.broadcast %rsqrt3A : vector<640x1xf32> to vector<640x128xf32>
    %mul3A_18 = arith.mulf %sub3A, %mul3A : vector<640x128xf32>
    %get3A_19 = arith.constant 0 : index
    %get3A_20 = arith.constant 0 : index
    %get3A_21 = vector.load %arg7[%get3A_19, %get3A_20] : memref<128x256xf32, #tpu.memory_space<vmem>>, vector<128x256xf32>
    %dot_general3A = arith.constant dense<0.000000e+00> : vector<640x256xf32>
    %dot_general3A_22 = tpu.matmul %mul3A_18, %get3A_21, %dot_general3A {dimension_numbers = #tpu.dot_dimension_numbers<[1], [0], [0], [1], [0, 0, 1, 1], [], []>, transpose_lhs_hint = false} : vector<640x128xf32>, vector<128x256xf32>, vector<640x256xf32> -> vector<640x256xf32>
    %get3A_23 = arith.constant 0 : index
    %get3A_24 = arith.constant 0 : index
    %get3A_25 = vector.load %arg6[%get3A_23, %get3A_24] : memref<1x256xf32, #tpu.memory_space<vmem>>, vector<1x256xf32>
    %add3A_26 = vector.broadcast %get3A_25 : vector<1x256xf32> to vector<640x256xf32>
    %add3A_27 = arith.addf %dot_general3A_22, %add3A_26 : vector<640x256xf32>
    %max3A = arith.constant 0.000000e+00 : f32
    %max3A_28 = vector.broadcast %max3A : f32 to vector<640x256xf32>
    %max3A_29 = arith.maximumf %add3A_27, %max3A_28 : vector<640x256xf32>
    %get3A_30 = arith.constant 0 : index
    %get3A_31 = arith.constant 0 : index
    %get3A_32 = vector.load %arg8[%get3A_30, %get3A_31] : memref<256x128xf32, #tpu.memory_space<vmem>>, vector<256x128xf32>
    %dot_general3A_33 = arith.constant dense<0.000000e+00> : vector<640x128xf32>
    %dot_general3A_34 = tpu.matmul %max3A_29, %get3A_32, %dot_general3A_33 {dimension_numbers = #tpu.dot_dimension_numbers<[1], [0], [0], [1], [0, 0, 1, 1], [], []>, transpose_lhs_hint = false} : vector<640x256xf32>, vector<256x128xf32>, vector<640x128xf32> -> vector<640x128xf32>
    %mul3A_35 = vector.broadcast %rsqrt3A : vector<640x1xf32> to vector<640x128xf32>
    %mul3A_36 = arith.mulf %dot_general3A_34, %mul3A_35 : vector<640x128xf32>
    %swap3A = arith.constant 0 : index
    %swap3A_37 = arith.constant 0 : index
    %swap3A_38 = vector.load %arg9[%swap3A, %swap3A_37] : memref<640x128xf32, #tpu.memory_space<vmem>>, vector<640x128xf32>
    tpu.vector_store %arg9[%swap3A, %swap3A_37], %mul3A_36 {strides = array<i32>} : memref<640x128xf32, #tpu.memory_space<vmem>>, vector<640x128xf32>,
    return
  }
  func.func @transform_0(%arg0: i32) -> (i32, i32) {
    %c0_i32 = arith.constant 0 : i32
    %c0_i32_0 = arith.constant 0 : i32
    return %arg0, %c0_i32 : i32, i32
  }
  func.func @transform_1(%arg0: i32) -> (i32, i32) {
    %c0_i32 = arith.constant 0 : i32
    %c0_i32_0 = arith.constant 0 : i32
    return %arg0, %c0_i32 : i32, i32
  }
  func.func @transform_2(%arg0: i32) -> (i32, i32) {
    %c0_i32 = arith.constant 0 : i32
    %c0_i32_0 = arith.constant 0 : i32
    return %arg0, %c0_i32 : i32, i32
  }
  func.func @transform_3(%arg0: i32) -> (i32, i32) {
    %c0_i32 = arith.constant 0 : i32
    %c0_i32_0 = arith.constant 0 : i32
    return %arg0, %c0_i32 : i32, i32
  }
  func.func @transform_4(%arg0: i32) -> (i32, i32) {
    %c0_i32 = arith.constant 0 : i32
    %c0_i32_0 = arith.constant 0 : i32
    return %arg0, %c0_i32 : i32, i32
  }
  func.func @transform_5(%arg0: i32) -> (i32, i32) {
    %c0_i32 = arith.constant 0 : i32
    %c0_i32_0 = arith.constant 0 : i32
    %c0_i32_1 = arith.constant 0 : i32
    return %c0_i32, %c0_i32_0 : i32, i32
  }
  func.func @transform_6(%arg0: i32) -> (i32, i32) {
    %c0_i32 = arith.constant 0 : i32
    %c0_i32_0 = arith.constant 0 : i32
    %c0_i32_1 = arith.constant 0 : i32
    return %c0_i32, %c0_i32_0 : i32, i32
  }
  func.func @transform_7(%arg0: i32) -> (i32, i32) {
    %c0_i32 = arith.constant 0 : i32
    %c0_i32_0 = arith.constant 0 : i32
    %c0_i32_1 = arith.constant 0 : i32
    return %c0_i32, %c0_i32_0 : i32, i32
  }
  func.func @transform_8(%arg0: i32) -> (i32, i32) {
    %c0_i32 = arith.constant 0 : i32
    %c0_i32_0 = arith.constant 0 : i32
    return %arg0, %c0_i32 : i32, i32
  }
}

module attributes {stable_mosaic.version = 14 : i64} {
  func.func @_tc3_body(%arg0: i32, %arg1: memref<640x128xf32, #tpu.memory_space<vmem>>, %arg2: memref<640x128xf32, #tpu.memory_space<vmem>>, %arg3: memref<640x128xf32, #tpu.memory_space<vmem>>, %arg4: memref<640x1xf32, #tpu.memory_space<vmem>>, %arg5: memref<640x1xf32, #tpu.memory_space<vmem>>, %arg6: memref<1x128xf32, #tpu.memory_space<vmem>>, %arg7: memref<640x128xf32, #tpu.memory_space<vmem>>) attributes {dimension_semantics = [#tpu.dimension_semantics<arbitrary>], iteration_bounds = array<i64: 16>, scalar_prefetch = 0 : i64, scratch_operands = 0 : i64, tpu.core_type = #tpu.core_type<tc>, window_params = [{transform_indices = @transform_0, window_bounds = array<i64: 640, 128>}, {transform_indices = @transform_1, window_bounds = array<i64: 640, 128>}, {transform_indices = @transform_2, window_bounds = array<i64: 640, 128>}, {transform_indices = @transform_3, window_bounds = array<i64: 640, 1>}, {transform_indices = @transform_4, window_bounds = array<i64: 640, 1>}, {pipeline_mode = #tpu.pipeline_mode<synchronous>, transform_indices = @transform_5, window_bounds = array<i64: 1, 128>}, {transform_indices = @transform_6, window_bounds = array<i64: 640, 128>}]} {
    %get3A = arith.constant 0 : index
    %get3A_0 = arith.constant 0 : index
    %get3A_1 = vector.load %arg4[%get3A, %get3A_0] : memref<640x1xf32, #tpu.memory_space<vmem>>, vector<640x1xf32>
    %get3A_2 = arith.constant 0 : index
    %get3A_3 = arith.constant 0 : index
    %get3A_4 = vector.load %arg5[%get3A_2, %get3A_3] : memref<640x1xf32, #tpu.memory_space<vmem>>, vector<640x1xf32>
    %add3A = arith.addf %get3A_1, %get3A_4 : vector<640x1xf32>
    %add3A_5 = arith.constant 1.000000e+00 : f32
    %add3A_6 = vector.broadcast %add3A_5 : f32 to vector<640x1xf32>
    %add3A_7 = arith.addf %add3A, %add3A_6 : vector<640x1xf32>
    %rsqrt3A = math.rsqrt %add3A_7 : vector<640x1xf32>
    %get3A_8 = arith.constant 0 : index
    %get3A_9 = arith.constant 0 : index
    %get3A_10 = vector.load %arg1[%get3A_8, %get3A_9] : memref<640x128xf32, #tpu.memory_space<vmem>>, vector<640x128xf32>
    %get3A_11 = arith.constant 0 : index
    %get3A_12 = arith.constant 0 : index
    %get3A_13 = vector.load %arg2[%get3A_11, %get3A_12] : memref<640x128xf32, #tpu.memory_space<vmem>>, vector<640x128xf32>
    %add3A_14 = arith.addf %get3A_10, %get3A_13 : vector<640x128xf32>
    %get3A_15 = arith.constant 0 : index
    %get3A_16 = arith.constant 0 : index
    %get3A_17 = vector.load %arg3[%get3A_15, %get3A_16] : memref<640x128xf32, #tpu.memory_space<vmem>>, vector<640x128xf32>
    %sub3A = arith.subf %add3A_14, %get3A_17 : vector<640x128xf32>
    %mul3A = vector.broadcast %rsqrt3A : vector<640x1xf32> to vector<640x128xf32>
    %mul3A_18 = arith.mulf %sub3A, %mul3A : vector<640x128xf32>
    %get3A_19 = arith.constant 0 : index
    %get3A_20 = arith.constant 0 : index
    %get3A_21 = vector.load %arg6[%get3A_19, %get3A_20] : memref<1x128xf32, #tpu.memory_space<vmem>>, vector<1x128xf32>
    %add3A_22 = vector.broadcast %get3A_21 : vector<1x128xf32> to vector<640x128xf32>
    %add3A_23 = arith.addf %mul3A_18, %add3A_22 : vector<640x128xf32>
    %swap3A = arith.constant 0 : index
    %swap3A_24 = arith.constant 0 : index
    %swap3A_25 = vector.load %arg7[%swap3A, %swap3A_24] : memref<640x128xf32, #tpu.memory_space<vmem>>, vector<640x128xf32>
    tpu.vector_store %arg7[%swap3A, %swap3A_24], %add3A_23 {strides = array<i32>} : memref<640x128xf32, #tpu.memory_space<vmem>>, vector<640x128xf32>,
    return
  }
  func.func @transform_0(%arg0: i32) -> (i32, i32) {
    %c0_i32 = arith.constant 0 : i32
    %c0_i32_0 = arith.constant 0 : i32
    return %arg0, %c0_i32 : i32, i32
  }
  func.func @transform_1(%arg0: i32) -> (i32, i32) {
    %c0_i32 = arith.constant 0 : i32
    %c0_i32_0 = arith.constant 0 : i32
    return %arg0, %c0_i32 : i32, i32
  }
  func.func @transform_2(%arg0: i32) -> (i32, i32) {
    %c0_i32 = arith.constant 0 : i32
    %c0_i32_0 = arith.constant 0 : i32
    return %arg0, %c0_i32 : i32, i32
  }
  func.func @transform_3(%arg0: i32) -> (i32, i32) {
    %c0_i32 = arith.constant 0 : i32
    %c0_i32_0 = arith.constant 0 : i32
    return %arg0, %c0_i32 : i32, i32
  }
  func.func @transform_4(%arg0: i32) -> (i32, i32) {
    %c0_i32 = arith.constant 0 : i32
    %c0_i32_0 = arith.constant 0 : i32
    return %arg0, %c0_i32 : i32, i32
  }
  func.func @transform_5(%arg0: i32) -> (i32, i32) {
    %c0_i32 = arith.constant 0 : i32
    %c0_i32_0 = arith.constant 0 : i32
    %c0_i32_1 = arith.constant 0 : i32
    return %c0_i32, %c0_i32_0 : i32, i32
  }
  func.func @transform_6(%arg0: i32) -> (i32, i32) {
    %c0_i32 = arith.constant 0 : i32
    %c0_i32_0 = arith.constant 0 : i32
    return %arg0, %c0_i32 : i32, i32
  }
}

</mosaic_0001>

<sc_bundles>
// kernel: kernel.11.cloned.1.call-start
scs
__scs_entry_jumppad:
0x0: {  	(pc) =	sbr.rel $0x88, $3  }
0x1: {  	(tag) =	ssettag $0x0;
	lr =	simm.s32 $0x1  }
0x2: {  	[smem:$0x3F9B] =	sst lr;
	_ =	strace $0xD0000000  }
0x3: {  	_ = 	snop  }
0x4: {  	_ = 	snop  }
0x5: {  	_ = 	snop  }
0x6: {  	_ = 	snop  }
0x7: {  	_ = 	snop  }
__scs_overlays_trampoline_lowered:
0x8: {  	[smem:$0x3FAA] =	sst s0  }
0x9: {  	[smem:$0x3FAB] =	sst s1  }
0xa: {  	[smem:$0x3FAC] =	sst s2  }
0xb: {  	[smem:$0x3FAD] =	sst s3  }
0xc: {  	[smem:$0x3FAE] =	sst s4  }
0xd: {  	[smem:$0x3FAF] =	sst s5  }
0xe: {  	[smem:$0x3FB0] =	sst s6  }
0xf: {  	[smem:$0x3FB1] =	sst s7  }
0x10: {  	[smem:$0x3FB2] =	sst s8  }
0x11: {  	[smem:$0x3FB3] =	sst s9;
	s0 =	simm.s32 @!p0 $0x0  }
0x12: {  	s1 =	sld [smem:$0x3F99];
	s0 =	simm.s32 @p0 $0x1  }
0x13: {  	[smem:$0x3FB4] =	sst s0;
	s0 =	simm.s32 @!p1 $0x0  }
0x14: {  	s2 =	sld [smem:$0x3F98];
	s0 =	simm.s32 @p1 $0x1  }
0x15: {  	[smem:$0x3FB5] =	sst s0;
	s0 =	simm.s32 @!p2 $0x0  }
0x16: {  	s3 =	sld [smem:$0x3FDB];
	s0 =	simm.s32 @p2 $0x1  }
0x17: {  	s4 =	simm.s32 $0x1BF5;
	[smem:$0x3FB7] =	sst s0  }
0x18: {  	s0 =	sld [smem:$0x3F9A];
	_ =	swait.ge [sflag:s4], $0x0  }
0x19: {  	s7 =	sld [smem:$0x3F9B]  }
0x1a: {  	s8 =	sadd.s32 $0xFFFFE003, lr  }
0x1b: {  	s9 =	sadd.s32 $0xFFFFFEF7, lr;
	s5 =	simm.s32 $0xFFFFFFFF;
	p2 =	slt.u32 s8, $0xFFFFF086  }
0x1c: {  	p1 =	slt.u32 s9, $0xF7A;
	s5 =	simm.s32 @!p2 $0x0  }
0x1d: {  	s5 =	simm.s32 @p1 $0x1;
	p0 =	seq.s32 s7, s2  }
0x1e: {  	s7 =	smul.u32 @!p0 $0xF7A, s2;
	p2 =	seq.s32 @!p0 s5, $0x0  }
0x1f: {  	s9 =	smul.u32 $0xF7A, s1;
	s8 =	simm.s32 @!p0 $0x1BF5;
	p2 =	por !p2, p0  }
0x20: {  	[sflag:s8] =	ssyncset.s32 @!p0 $0xFFFFF086;
	s6 =	sadd.s32 @!p0 s3, s7;
	s7 =	simm.s32 @!p0 $0x108  }
0x21: {  	s3 =	sadd.s32 s3, s9;
	s6 =	sadd.s32 @!p0 $0x88, s6;
	s7 =	simm.s32 @p2 $0x1082  }
0x22: {  	[simem:s7], [sflag:s8] =	dma.local @!p0 [hbm:s6], $0xF7A  }
0x23: {  	s9 =	sor.u32 $0xD0000000, s2;
	s6 =	simm.s32 $0x108;
	_ =	swait.ge @!p0 [sflag:s8], $0x0  }
0x24: {  	s3 =	sadd.s32 $0x88, s3;
	s6 =	simm.s32 @!p1 $0x1082;
	[sflag:s4] =	ssyncset.s32 $0xFFFFF086  }
0x25: {  	[simem:s6], [sflag:s4] =	dma.local [hbm:s3], $0xF7A  }
0x26: {  	[smem:$0x3F9B] =	sst s1;
	(tag) =	ssettag s2;
	_ =	strace s9  }
0x27: {  	s1 =	sld [smem:$0x3FAB]  }
0x28: {  	s2 =	sld [smem:$0x3FAC]  }
0x29: {  	s4 =	sld [smem:$0x3FAE]  }
0x2a: {  	p0 =	seq.s32 s5, $0x0;
	s5 =	sld [smem:$0x3FAF]  }
0x2b: {  	s6 =	sld [smem:$0x3FB0]  }
0x2c: {  	s7 =	sld [smem:$0x3FB1]  }
0x2d: {  	s3 =	simm.s32 $0x108;
	s8 =	sld [smem:$0x3FB2]  }
0x2e: {  	s3 =	simm.s32 @!p0 $0x1082;
	s9 =	sld [smem:$0x3FB3]  }
0x2f: {  	lr =	sadd.s32 s0, s3;
	s0 =	sld [smem:$0x3FAA]  }
0x30: {  	s3 =	sld [smem:$0x3FAD]  }
0x31: {  	[smem:$0x3FB6] =	sst s10  }
0x32: {  	s10 =	sld [smem:$0x3FB4];
	_ =	sdelay $0x3  }
0x33: {  	p0 =	seq.s32 s10, $0x1;
	s10 =	sld [smem:$0x3FB6];
	_ =	sdelay $0x3  }
0x34: {  	[smem:$0x3FB6] =	sst s10  }
0x35: {  	s10 =	sld [smem:$0x3FB5];
	_ =	sdelay $0x3  }
0x36: {  	p1 =	seq.s32 s10, $0x1;
	s10 =	sld [smem:$0x3FB6];
	_ =	sdelay $0x3  }
0x37: {  	[smem:$0x3FB6] =	sst s10  }
0x38: {  	s10 =	sld [smem:$0x3FB7]  }
0x39: {  	_ = 	snop;
	(pc) =	sbr.ind lr, $3  }
0x3a: {  	_ = 	snop  }
0x3b: {  	_ = 	snop  }
0x3c: {  	p2 =	seq.s32 s10, $0x1;
	s10 =	sld [smem:$0x3FB6]  }
0x3d: {  	_ =	shalt  }
0x3e: {  	_ =	shalt  }
0x3f: {  	_ =	shalt  }
0x40: {  	_ =	shalt  }
0x41: {  	_ =	shalt  }
0x42: {  	_ =	shalt  }
0x43: {  	_ =	shalt  }
0x44: {  	_ =	shalt  }
0x45: {  	_ =	shalt  }
0x46: {  	_ =	shalt  }
0x47: {  	_ =	shalt  }
0x48: {  	_ =	shalt  }
0x49: {  	_ =	shalt  }
0x4a: {  	_ =	shalt  }
0x4b: {  	_ =	shalt  }
0x4c: {  	_ =	shalt  }
0x4d: {  	_ =	shalt  }
0x4e: {  	_ =	shalt  }
0x4f: {  	_ =	shalt  }
0x50: {  	_ =	shalt  }
0x51: {  	_ =	shalt  }
0x52: {  	_ =	shalt  }
0x53: {  	_ =	shalt  }
0x54: {  	_ =	shalt  }
0x55: {  	_ =	shalt  }
0x56: {  	_ =	shalt  }
0x57: {  	_ =	shalt  }
0x58: {  	_ =	shalt  }
0x59: {  	_ =	shalt  }
0x5a: {  	_ =	shalt  }
0x5b: {  	_ =	shalt  }
0x5c: {  	_ =	shalt  }
0x5d: {  	_ =	shalt  }
0x5e: {  	_ =	shalt  }
0x5f: {  	_ =	shalt  }
0x60: {  	_ =	shalt  }
0x61: {  	_ =	shalt  }
0x62: {  	_ =	shalt  }
0x63: {  	_ =	shalt  }
0x64: {  	_ =	shalt  }
0x65: {  	_ =	shalt  }
0x66: {  	_ =	shalt  }
0x67: {  	_ =	shalt  }
0x68: {  	_ =	shalt  }
0x69: {  	_ =	shalt  }
0x6a: {  	_ =	shalt  }
0x6b: {  	_ =	shalt  }
0x6c: {  	_ =	shalt  }
0x6d: {  	_ =	shalt  }
0x6e: {  	_ =	shalt  }
0x6f: {  	_ =	shalt  }
0x70: {  	_ =	shalt  }
0x71: {  	_ =	shalt  }
0x72: {  	_ =	shalt  }
0x73: {  	_ =	shalt  }
0x74: {  	_ =	shalt  }
0x75: {  	_ =	shalt  }
0x76: {  	_ =	shalt  }
0x77: {  	_ =	shalt  }
0x78: {  	_ =	shalt  }
0x79: {  	_ =	shalt  }
0x7a: {  	_ =	shalt  }
0x7b: {  	_ =	shalt  }
0x7c: {  	_ =	shalt  }
0x7d: {  	_ =	shalt  }
0x7e: {  	_ =	shalt  }
0x7f: {  	_ =	shalt  }
0x80: {  	_ =	shalt  }
0x81: {  	_ =	shalt  }
0x82: {  	_ =	shalt  }
0x83: {  	_ =	shalt  }
0x84: {  	_ =	shalt  }
0x85: {  	_ =	shalt  }
0x86: {  	_ =	shalt  }
0x87: {  	_ =	shalt  }
.Lfunc_end0:
.L_simem_size_0:
called_computation.1_lowered:
.L_overlay_start_0:
0x88: {  	s2 =	sld [smem:$0x3FD9]  }
0x89: {  	s3 =	sld [smem:$0x3FFE];
	_ =	sdelay $0x1  }
0x8a: {  	s1 =	srdreg.scid  }
0x8b: {  	s0 =	sand.u32 $0x1, s1  }
0x8c: {  	s17 =	sshll.u32 s0, $0xA;
	s2 =	sadd.s32 s3, s2  }
0x8d: {  	s2 =	sadd.s32 s2, s17  }
0x8e: {  	[smem:$0x3FC2] =	sst s2  }
0x8f: {  	_ = 	snop  }
0x90: {  	s2 =	sld [smem:$0x3FD0];
	(tm) =	ssettm $0x1  }
0x91: {  	s18 =	sld [smem:$0x3FFB];
	_ =	sdelay $0x3  }
0x92: {  	_ =	strace s18  }
0x93: {  	s3 =	sld [smem:$0x3FFC];
	_ =	sdelay $0x3  }
0x94: {  	_ =	strace s3  }
0x95: {  	s3 =	sld [smem:$0x3FFD];
	_ =	sdelay $0x3  }
0x96: {  	_ =	strace s3  }
0x97: {  	_ =	strace $0x8FFFFFFF  }
0x98: {  	s19 =	sld [smem:$0x3FDB];
	_ =	sdelay $0x1  }
0x99: {  	s4 =	simm.s32 $_scs_section_size  }
0x9a: {  	s5 =	simm.s32 $_size__tile_overlayer_lowered;
	s6 =	simm.s32 $_tile_overlayer_lowered  }
0x9b: {  	s22 =	simm.s32 $0x1BFF;
	s21 =	sshll.u32 s6, $0x1;
	s3 =	sadd.s32 s4, s19  }
0x9c: {  	s7 =	simm.s32 $0x0;
	s20 =	sshll.u32 s5, $0x1;
	s5 =	sadd.s32 s21, s3  }
0x9d: {  	[timem:s7], [sflag:s22] =	dma.local [hbm:s5], s20  }
0x9e: {  	_ =	swait.ge [sflag:s22], s20  }
0x9f: {  	s4 =	ssub.s32 $0x0, s20;
	[sflag:s22] =	ssyncset.done $0x0  }
0xa0: {  	[sflag:s22] =	ssyncadd.s32 s4;
	_ =	sdelay $0x1  }
0xa1: {  	s23 =	simm.s32 $0x1B8B  }
0xa2: {  	_ =	swait.ge [sflag:s23], $0x1  }
0xa3: {  	[sflag:s23] =	ssyncset.done $0x0  }
0xa4: {  	s25 =	simm.s32 $0x1B8E;
	s24 =	sld [smem:$0x3FFE];
	[sflag:s23] =	ssyncadd.s32 $0xFFFFFFFF  }
0xa5: {  	s26 =	simm.s32 $execute0_lowered;
	[smem:$0x3FD2] =	sst s25  }
0xa6: {  	s5 =	sshll.u32 s26, $0x1;
	_ =	strace $0x80000049;
	[dreg:$0x1] =	wrdreg $0xFFFFFFFF  }
0xa7: {  	s28 =	simm.s32 $_size_execute0_lowered;
	s3 =	sadd.s32 s3, s5;
	[dreg:$0x0] =	wrdreg $0x0  }
0xa8: {  	s5 =	sshll.u32 s28, $0x1;
	[dreg:$0x2] =	wrdreg s3  }
0xa9: {  	[dreg:$0x3] =	wrdreg s5  }
0xaa: {  	[dreg:$0x4] =	wrdreg $0xC0  }
0xab: {  	_ =	task [dreg:s7], $0x5FFFF  }
0xac: {  	[dreg:$0x1] =	wrdreg $0xFFFFFFFF  }
0xad: {  	[dreg:$0x0] =	wrdreg $0x60  }
0xae: {  	[dreg:$0x2] =	wrdreg s2  }
0xaf: {  	[dreg:$0x3] =	wrdreg s24  }
0xb0: {  	[dreg:$0x4] =	wrdreg $0xB0000  }
0xb1: {  	[dreg:$0x5] =	wrdreg $0x9  }
0xb2: {  	_ =	task.clear_ibuf [dreg:s7], $0x6FFFF;
	_ =	strace $0x90000049  }
0xb3: {  	s29 =	simm.s32 $0x9;
	_ =	strace $0x8000004B  }
0xb4: {  	_ =	swait.ge [sflag:s29], $0x1  }
0xb5: {  	[sflag:s29] =	ssyncadd.s32 $0xFFFFFFFF  }
0xb6: {  	_ =	strace $0x9000004B  }
0xb7: {  	_ =	sfence  }
0xb8: {  	s30 =	sld [smem:$0x0];
	_ =	sdelay $0x2  }
0xb9: {  	s31 =	sshll.u32 s1, $0xD;
	s1 =	sshrl.u32 s1, $0x2  }
0xba: {  	s3 =	sand.u32 $0x4000, s31;
	s1 =	sadd.s32 s1, s30  }
0xbb: {  	s0 =	sor.u32 s3, s0;
	s1 =	sshll.u32 s1, $0x11  }
0xbc: {  	s0 =	sor.u32 s1, s0  }
0xbd: {  	s0 =	sadd.s32 $0x8F2B, s0  }
0xbe: {  	[sflag:s0] =	ssyncadd.remote.s32 $0x1  }
0xbf: {  	_ =	sfence.sel $0xFFFF  }
0xc0: {  	[dreg:$0x0] =	wrdreg $0xFFFFFFFF;
	(pc) =	sbr.abs _section_cstart, $3  }
0xc1: {  	[dreg:$0x1] =	wrdreg $0xFFFFFFFF  }
0xc2: {  	_ =	task.clear_ibuf [dreg:s7], $0x2FFFF;
	_ =	strace $0x9FFFFFFF  }
0xc3: {  	(tm) =	ssettm $0x7FFFFFFF  }
tec
execute0_lowered:
.L_overlay_start_1:
0x0: {  	(tag) =	ssettag $0x1  }
0x1: {  	s8 =	rddreg [dreg:$0x0];
	s1 =	srdreg.scid  }
0x2: {  	s0 =	stileid.u32;
	s6 =	rddreg [dreg:$0x1]  }
0x3: {  	s2 =	rddreg [dreg:$0x2];
	s3 =	simm.s32 $0x0;
	s15 =	simm.s32 $0x4  }
0x4: {  	s16 =	simm.s32 $0x3;
	s17 =	simm.s32 $0x64;
	s18 =	simm.s32 $0x1400  }
0x5: {  	s19 =	simm.s32 $0x80;
	s20 =	simm.s32 $0x4800;
	s21 =	simm.s32 $0x2  }
0x6: {  	s22 =	simm.s32 $0x1;
	s7 =	sand.u32 $0x1, s1;
	s1 =	rddreg [dreg:$0x3]  }
0x7: {  	s23 =	simm.s32 $0x0;
	s29 =	sshll.u32 s0, $0x1;
	[smem:$0x7FF] =	sst s3  }
0x8: {  	s13 =	smul.u32 $0x50000, s0;
	s5 =	sadd.s32 $0x92A00, s6;
	s4 =	sor.u32 s7, s29  }
0x9: {  	s11 =	ssub.s32 $0x2, s7;
	p0 =	seq.s32 s7, $0x1;
	s7 =	smul.u32 $0x2800, s0  }
0xa: {  	s31 =	sshll.u32 s0, $0x6;
	_ =	strace $0x8000004A;
	s9 =	smul.u32 $0x640, s4  }
.Ltmp0:
0xb: {  	s4 =	sadd.s32 $0x6AA00, s6;
	s12 =	sshrl.u32 s11, $0x1;
	(pc) =	sbr.rel .LBB2_1-.Ltmp0, $4  }
0xc: {  	s30 =	sshrl.u32 s13, $0x2;
	s13 =	simm.s32 $0xA00;
	s11 =	ssub.s32 s11, s12  }
0xd: {  	s14 =	sadd.s32 s30, s2;
	s12 =	sor.u32 $0x1C04, s31;
	s10 =	sadd.s32 s9, s6  }
0xe: {  	s6 =	sadd.s32 $0xBAA00, s6;
	s8 =	sadd.s32 s8, s9;
	s11 =	smax.u32 s11, $0x1  }
0xf: {  	s14 =	sshrl.u32 s14, $0x3;
	s9 =	sadd.s32 $0xE200, s10;
	s10 =	sadd.s32 s4, s7  }
.LBB2_13:
0x10: {  	s24 =	smov.u32 s6  }
.LBB2_14:
0x11: {  	_ =	swait.ge [sflag:s21], $0x3200  }
0x12: {  	[sflag:s21] =	ssyncset.done $0x0  }
0x13: {  	[sflag:s21] =	ssyncadd.s32 $0xFFFFCE00  }
0x14: {  	_ =	swait.ge [sflag:s21], $0x3200  }
0x15: {  	[sflag:s21] =	ssyncset.done $0x0  }
0x16: {  	[sflag:s21] =	ssyncadd.s32 $0xFFFFCE00  }
0x17: {  	_ =	swait.ge [sflag:s21], $0x3200  }
0x18: {  	s23 =	sadd.s32 $0x1, s23;
	[sflag:s21] =	ssyncset.done $0x0  }
0x19: {  	p1 =	sne.s32 s23, s11;
	[sflag:s21] =	ssyncadd.s32 $0xFFFFCE00  }
.Ltmp1:
0x1a: {  	s24 =	sadd.s32 s24, s7;
	[bflag:$0x0] =	sbarrier.arrive $0xFFFF;
	(pc) =	sbr.rel @!p1 .LBB2_15-.Ltmp1, $4  }
0x1b: {  	[hbm:s24], [sflag:s12] =	dma.local [spmem:s14], $0x2800  }
0x1c: {  	_ =	swait.ge [sflag:s15], $0x2800  }
0x1d: {  	[sflag:s15] =	ssyncset.done $0x0  }
0x1e: {  	[sflag:s15] =	ssyncadd.s32 $0xFFFFD800  }
.LBB2_1:
0x1f: {  	[tilespmem:s3], [sflag:$0x3] =	stream.linear.gather [hbm4b:s8+s3], $0x500, $0x38;
	[tilespmem:$0x1F000] =	vst v63  }
0x20: {  	_ = 	snop  }
0x21: {  	[tilespmem:s13], [sflag:$0x3] =	stream.linear.gather [hbm4b:s9+s3], $0x500, $0x38;
	[tilespmem:$0x1F000] =	vst v63  }
0x22: {  	[spmem:s14], [sflag:s12] =	dma.local [hbm:s10], $0x2800  }
0x23: {  	_ =	swait.ge [sflag:s15], $0x2800  }
0x24: {  	[sflag:s15] =	ssyncset.done $0x0  }
0x25: {  	[sflag:s15] =	ssyncadd.s32 $0xFFFFD800  }
0x26: {  	_ =	swait.ge [sflag:s16], $0x500  }
0x27: {  	[sflag:s16] =	ssyncset.done $0x0  }
0x28: {  	[sflag:s16] =	ssyncadd.s32 $0xFFFFFB00  }
0x29: {  	_ =	swait.ge [sflag:s16], $0x500  }
0x2a: {  	[sflag:s16] =	ssyncset.done $0x0  }
.Ltmp2:
0x2b: {  	[sflag:s16] =	ssyncadd.s32 $0xFFFFFB00;
	(pc) =	sbr.rel @p0 .LBB2_8-.Ltmp2, $4  }
.Ltmp3:
0x2c: {  	[bflag:$0x0] =	sbarrier.arrive $0xFFFF;
	(pc) =	sbr.rel @!p0 .LBB2_2-.Ltmp3, $4  }
0x2d: {  	[tilespmem:s18], [sflag:$0x1] =	stream.indirect.gather [hbm4b:s4+s17], $0x80, s3, s17, $0xb8;
	[tilespmem:$0x1F000] =	vst v63  }
0x2e: {  	s24 =	simm.s32 $0x0;
	s25 =	simm.s32 $0x0  }
0x2f: {  	[tilespmem:s20], [sflag:$0x1] =	stream.indirect.gather [hbm4b:s4+s17], $0x80, s19, s17, $0xb8;
	[tilespmem:$0x1F000] =	vst v63  }
0x30: {  	_ = 	snop  }
.LBB2_9:
0x31: {  	s26 =	sadd.s32 $0x1, s26  }
0x32: {  	s28 =	sand.u32 $0x1, s26;
	s26 =	smul.u32 $0xA0, s26  }
0x33: {  	p1 =	seq.s32 s28, $0x1;
	s28 =	simm.s32 $0x500  }
0x34: {  	s28 =	simm.s32 @!p1 $0x0;
	s29 =	sadd.s32 s8, s26  }
0x35: {  	[tilespmem:s28], [sflag:$0x3] =	stream.linear.gather [hbm4b:s29+s3], $0x500, $0x38;
	[tilespmem:$0x1F000] =	vst v63  }
0x36: {  	s26 =	sadd.s32 s9, s26;
	s28 =	sor.u32 $0xA00, s28  }
0x37: {  	[tilespmem:s28], [sflag:$0x3] =	stream.linear.gather [hbm4b:s26+s3], $0x500, $0x38;
	[tilespmem:$0x1F000] =	vst v63  }
.LBB2_11:
0x38: {  	p1 =	seq.s32 s25, $0x0  }
0x39: {  	s26 =	sadd.s32 @!p1 $0x2, s25  }
0x3a: {  	s28 =	smul.u32 @!p1 $0xFFFFFFCD, s26;
	_ =	sdelay $0x1  }
0x3b: {  	s29 =	sand.u32 @!p1 $0xFE, s28  }
0x3c: {  	s26 =	simm.s32 @p1 $0x2;
	s28 =	sshll.u32 @!p1 s28, $0x7;
	s29 =	sshrl.u32 @!p1 s29, $0x1  }
0x3d: {  	s31 =	sand.u32 $0xFF, s26;
	s28 =	sor.u32 @!p1 s28, s29  }
0x3e: {  	s30 =	smul.u32 $0xAB, s31;
	s28 =	sand.u32 @!p1 $0xFF, s28  }
0x3f: {  	p2 =	sgt.u32 @!p1 s28, $0x19;
	s28 =	simm.s32 @!p1 $0x2  }
0x40: {  	s29 =	smul.u32 $0xCD, s31;
	s30 =	sshrl.u32 s30, $0x9;
	_ =	swait.ge @!p1 [sflag:s28], $0x3200  }
0x41: {  	s30 =	smul.u32 $0x3, s30;
	p2 =	por p2, p1;
	[sflag:s28] =	ssyncset.done @!p1 $0x0  }
0x42: {  	[sflag:s28] =	ssyncadd.s32 @!p1 $0xFFFFCE00;
	s28 =	simm.s32 @!p2 $0x3  }
0x43: {  	s29 =	sshrl.u32 s29, $0xC;
	s30 =	ssub.s32 s26, s30;
	_ =	swait.ge @!p2 [sflag:s28], $0x500  }
0x44: {  	s29 =	smul.u32 $0x14, s29;
	s30 =	sand.u32 $0xFF, s30;
	[sflag:s28] =	ssyncset.done @!p2 $0x0  }
0x45: {  	s30 =	smul.u32 $0xD000, s30;
	[sflag:s28] =	ssyncadd.s32 @!p2 $0xFFFFFB00  }
0x46: {  	s26 =	ssub.s32 s26, s29;
	_ =	swait.ge @!p2 [sflag:s28], $0x500  }
0x47: {  	s26 =	sand.u32 $0xFF, s26;
	s30 =	sshrl.u32 s30, $0x2;
	[sflag:s28] =	ssyncset.done @!p2 $0x0  }
0x48: {  	s26 =	sshll.u32 s26, $0x7;
	s31 =	sadd.s32 $0x1400, s30;
	[sflag:s28] =	ssyncadd.s32 @!p2 $0xFFFFFB00  }
0x49: {  	[tilespmem:s31], [sflag:$0x1] =	stream.indirect.gather [hbm4b:s4+s17], $0x80, s26, s17, $0xb8;
	[tilespmem:$0x1F000] =	vst v63  }
.LBB2_12:
0x4a: {  	s26 =	smul.u32 $0xAB, s25;
	_ =	sdelay $0x1  }
0x4b: {  	s26 =	sshrl.u32 s26, $0x9  }
0x4c: {  	s24 =	sshrl.u32 s24, $0xC;
	s26 =	sand.u32 $0x7F, s26  }
0x4d: {  	s24 =	sand.u32 $0xF, s24;
	s26 =	smul.u32 $0x3, s26  }
0x4e: {  	s24 =	smul.u32 $0x14, s24  }
0x4f: {  	s26 =	ssub.s32 s25, s26  }
0x50: {  	s24 =	ssub.s32 s25, s24;
	s25 =	sadd.s32 $0x1, s25;
	s26 =	sand.u32 $0xFF, s26  }
0x51: {  	p1 =	sne.s32 s25, $0x64;
	s26 =	smul.u32 $0xD000, s26  }
.Ltmp4:
0x52: {  	_ = 	snop;
	(pc) =	sbr.rel @!p1 .LBB2_13-.Ltmp4, $4  }
0x53: {  	_ =	swait.ge [sflag:s22], $0x3200;
	s24 =	sand.u32 $0xFF, s24  }
0x54: {  	[sflag:s22] =	ssyncset.done $0x0;
	s24 =	sshll.u32 s24, $0x7;
	s26 =	sshrl.u32 s26, $0x2  }
0x55: {  	[sflag:s22] =	ssyncadd.s32 $0xFFFFCE00;
	s24 =	sadd.s32 $0xA00, s24;
	s26 =	sadd.s32 $0x1400, s26  }
0x56: {  	[spmem:s2] =	stream.indirect.scatter.add.f32 [tilespmem:s26], [sflag:$0x2], $0x80, s24, s17, $0xb8;
	[tilespmem:$0x1F000] =	vst v63  }
.LBB2_8:
0x57: {  	s24 =	smul.u32 $0xCD, s25;
	_ =	sdelay $0x1  }
0x58: {  	s26 =	sshrl.u32 s24, $0xB  }
0x59: {  	s26 =	sand.u32 $0x1F, s26  }
0x5a: {  	s28 =	smul.u32 $0xA, s26;
	_ =	sdelay $0x1  }
0x5b: {  	p1 =	sgt.u32 s25, $0x59;
	s28 =	ssub.s32 s25, s28  }
0x5c: {  	s28 =	sand.u32 @!p1 $0xFF, s28  }
0x5d: {  	p2 =	sne.s32 @!p1 s28, $0x0  }
0x5e: {  	p1 =	por p1, p2  }
.Ltmp5:
0x5f: {  	_ = 	snop;
	(pc) =	sbr.rel @!p1 .LBB2_9-.Ltmp5, $1  }
0x60: {  	_ =	sdelay $0x3  }
0x61: {  	p1 =	sgt.u32 s25, $0x61  }
.Ltmp6:
0x62: {  	_ = 	snop;
	(pc) =	sbr.rel @p1 .LBB2_12-.Ltmp6, $4  }
.Ltmp7:
0x63: {  	_ = 	snop;
	(pc) =	sbr.rel @!p1 .LBB2_11-.Ltmp7, $4  }
0x64: {  	_ = 	snop  }
0x65: {  	_ = 	snop  }
0x66: {  	_ = 	snop  }
0x67: {  	_ = 	snop  }
.LBB2_3:
0x68: {  	s26 =	sadd.s32 $0x1, s26  }
0x69: {  	s28 =	sand.u32 $0x1, s26;
	s26 =	smul.u32 $0xA0, s26  }
0x6a: {  	p1 =	seq.s32 s28, $0x1;
	s28 =	simm.s32 $0x500  }
0x6b: {  	s28 =	simm.s32 @!p1 $0x0;
	s29 =	sadd.s32 s8, s26  }
0x6c: {  	[tilespmem:s28], [sflag:$0x3] =	stream.linear.gather [hbm4b:s29+s3], $0x500, $0x38;
	[tilespmem:$0x1F000] =	vst v63  }
0x6d: {  	s26 =	sadd.s32 s9, s26;
	s28 =	sor.u32 $0xA00, s28  }
0x6e: {  	[tilespmem:s28], [sflag:$0x3] =	stream.linear.gather [hbm4b:s26+s3], $0x500, $0x38;
	[tilespmem:$0x1F000] =	vst v63  }
.LBB2_5:
0x6f: {  	p1 =	seq.s32 s24, $0x0  }
0x70: {  	s26 =	sadd.s32 @!p1 $0x2, s24  }
0x71: {  	s28 =	smul.u32 @!p1 $0xFFFFFFCD, s26;
	_ =	sdelay $0x1  }
0x72: {  	s29 =	sand.u32 @!p1 $0xFE, s28  }
0x73: {  	s26 =	simm.s32 @p1 $0x2;
	s28 =	sshll.u32 @!p1 s28, $0x7;
	s29 =	sshrl.u32 @!p1 s29, $0x1  }
0x74: {  	s31 =	sand.u32 $0xFF, s26;
	s28 =	sor.u32 @!p1 s28, s29  }
0x75: {  	s30 =	smul.u32 $0xAB, s31;
	s28 =	sand.u32 @!p1 $0xFF, s28  }
0x76: {  	p2 =	sgt.u32 @!p1 s28, $0x19;
	s28 =	simm.s32 @!p1 $0x2  }
0x77: {  	s29 =	smul.u32 $0xCD, s31;
	s30 =	sshrl.u32 s30, $0x9;
	_ =	swait.ge @!p1 [sflag:s28], $0x3200  }
0x78: {  	s30 =	smul.u32 $0x3, s30;
	p2 =	por p2, p1;
	[sflag:s28] =	ssyncset.done @!p1 $0x0  }
0x79: {  	[sflag:s28] =	ssyncadd.s32 @!p1 $0xFFFFCE00;
	s28 =	simm.s32 @!p2 $0x3  }
0x7a: {  	s29 =	sshrl.u32 s29, $0xC;
	s30 =	ssub.s32 s26, s30;
	_ =	swait.ge @!p2 [sflag:s28], $0x500  }
0x7b: {  	s29 =	smul.u32 $0x14, s29;
	s30 =	sand.u32 $0xFF, s30;
	[sflag:s28] =	ssyncset.done @!p2 $0x0  }
0x7c: {  	s30 =	smul.u32 $0xD000, s30;
	[sflag:s28] =	ssyncadd.s32 @!p2 $0xFFFFFB00  }
0x7d: {  	s26 =	ssub.s32 s26, s29;
	_ =	swait.ge @!p2 [sflag:s28], $0x500  }
0x7e: {  	s26 =	sand.u32 $0xFF, s26;
	s30 =	sshrl.u32 s30, $0x2;
	[sflag:s28] =	ssyncset.done @!p2 $0x0  }
0x7f: {  	s26 =	sshll.u32 s26, $0x7;
	s31 =	sadd.s32 $0x1400, s30;
	[sflag:s28] =	ssyncadd.s32 @!p2 $0xFFFFFB00  }
0x80: {  	[tilespmem:s31], [sflag:$0x1] =	stream.indirect.gather [hbm4b:s4+s17], $0x80, s26, s17, $0xb8;
	[tilespmem:$0x1F000] =	vst v63  }
.LBB2_6:
0x81: {  	s26 =	smul.u32 $0xAB, s24;
	_ =	sdelay $0x1  }
0x82: {  	s26 =	sshrl.u32 s26, $0x9  }
0x83: {  	s25 =	sshrl.u32 s25, $0xC;
	s26 =	sand.u32 $0x7F, s26  }
0x84: {  	s25 =	sand.u32 $0xF, s25;
	s26 =	smul.u32 $0x3, s26  }
0x85: {  	s25 =	smul.u32 $0x14, s25  }
0x86: {  	s26 =	ssub.s32 s24, s26  }
0x87: {  	s25 =	ssub.s32 s24, s25;
	s24 =	sadd.s32 $0x1, s24;
	s26 =	sand.u32 $0xFF, s26  }
0x88: {  	p1 =	seq.s32 s24, $0x64;
	s26 =	smul.u32 $0xD000, s26  }
.Ltmp8:
0x89: {  	_ = 	snop;
	(pc) =	sbr.rel @p1 .LBB2_7-.Ltmp8, $4  }
0x8a: {  	_ =	swait.ge [sflag:s22], $0x3200;
	s25 =	sand.u32 $0xFF, s25  }
0x8b: {  	[sflag:s22] =	ssyncset.done $0x0;
	s25 =	sshll.u32 s25, $0x7;
	s26 =	sshrl.u32 s26, $0x2  }
0x8c: {  	[sflag:s22] =	ssyncadd.s32 $0xFFFFCE00;
	s25 =	sadd.s32 $0xA00, s25;
	s26 =	sadd.s32 $0x1400, s26  }
0x8d: {  	[spmem:s2] =	stream.indirect.scatter.add.f32 [tilespmem:s26], [sflag:$0x2], $0x80, s25, s17, $0xb8;
	[tilespmem:$0x1F000] =	vst v63  }
.LBB2_2:
0x8e: {  	s25 =	smul.u32 $0xCD, s24;
	_ =	sdelay $0x1  }
0x8f: {  	s26 =	sshrl.u32 s25, $0xB  }
0x90: {  	s26 =	sand.u32 $0x1F, s26  }
0x91: {  	s28 =	smul.u32 $0xA, s26;
	_ =	sdelay $0x1  }
0x92: {  	p1 =	sgt.u32 s24, $0x59;
	s28 =	ssub.s32 s24, s28  }
0x93: {  	s28 =	sand.u32 @!p1 $0xFF, s28  }
0x94: {  	p2 =	sne.s32 @!p1 s28, $0x0  }
0x95: {  	p1 =	por p1, p2  }
.Ltmp9:
0x96: {  	_ = 	snop;
	(pc) =	sbr.rel @!p1 .LBB2_3-.Ltmp9, $1  }
0x97: {  	_ =	sdelay $0x3  }
0x98: {  	p1 =	sgt.u32 s24, $0x61  }
.Ltmp10:
0x99: {  	_ = 	snop;
	(pc) =	sbr.rel @p1 .LBB2_6-.Ltmp10, $4  }
.Ltmp11:
0x9a: {  	_ = 	snop;
	(pc) =	sbr.rel @!p1 .LBB2_5-.Ltmp11, $4  }
0x9b: {  	_ = 	snop  }
0x9c: {  	_ = 	snop  }
0x9d: {  	_ = 	snop  }
0x9e: {  	_ = 	snop  }
.LBB2_7:
.Ltmp12:
0x9f: {  	(pc) =	sbr.rel .LBB2_14-.Ltmp12, $2  }
0xa0: {  	_ =	sdelay $0x2  }
0xa1: {  	s24 =	smov.u32 s5  }
.LBB2_15:
0xa2: {  	_ =	sfence.sel $0x180000  }
0xa3: {  	[bflag:$0x0] =	sbarrier.arrive $0xFFFF  }
0xa4: {  	p0 =	sne.s32 s0, $0x0;
	_ =	strace $0x9000004A  }
0xa5: {  	s0 =	sadd.s32 @!p0 $0x100000, s1;
	[bflag:$0x2] =	sbarrier.arrive $0xFFFF  }
0xa6: {  	[sflag:s0] =	ssyncadd.tile.s32 @!p0 $0x1;
	_ =	shalt  }
.Lfunc_end2:
_tile_overlayer_lowered:
.L_overlay_start_2:
0xa7: {  	(tag) =	ssettag $0x2  }
0xa8: {  	s0 =	rddreg [dreg:$0x0];
	s2 =	stileid.u32  }
0xa9: {  	s1 =	rddreg [dreg:$0x1];
	p0 =	sne.s32 s2, $0x0  }
0xaa: {  	s3 =	rddreg [dreg:$0x2];
	[bflag:$0x3] =	sbarrier.arrive $0xFFFF;
	s2 =	simm.s32 @!p0 $0x1C04  }
0xab: {  	[timem:s3], [sflag:s2] =	dma.local @!p0 [hbm:s0], s1  }
0xac: {  	s0 =	simm.s32 @!p0 $0x4  }
0xad: {  	_ =	swait.ge @!p0 [sflag:s0], s1  }
0xae: {  	s1 =	ssub.s32 @!p0 $0x0, s1;
	[sflag:s0] =	ssyncset.done @!p0 $0x0  }
0xaf: {  	[sflag:s0] =	ssyncadd.s32 @!p0 s1  }
0xb0: {  	[bflag:$0x3] =	sbarrier.arrive $0xFFFF  }
0xb1: {  	_ =	shalt  }

// kernel: kernel.14.cloned.1.call-start
scs
__scs_entry_jumppad:
0x0: {  	(pc) =	sbr.rel $0x88, $3  }
0x1: {  	(tag) =	ssettag $0x0;
	lr =	simm.s32 $0x1  }
0x2: {  	[smem:$0x3F9B] =	sst lr;
	_ =	strace $0xD0000000  }
0x3: {  	_ = 	snop  }
0x4: {  	_ = 	snop  }
0x5: {  	_ = 	snop  }
0x6: {  	_ = 	snop  }
0x7: {  	_ = 	snop  }
__scs_overlays_trampoline_lowered:
0x8: {  	[smem:$0x3FAA] =	sst s0  }
0x9: {  	[smem:$0x3FAB] =	sst s1  }
0xa: {  	[smem:$0x3FAC] =	sst s2  }
0xb: {  	[smem:$0x3FAD] =	sst s3  }
0xc: {  	[smem:$0x3FAE] =	sst s4  }
0xd: {  	[smem:$0x3FAF] =	sst s5  }
0xe: {  	[smem:$0x3FB0] =	sst s6  }
0xf: {  	[smem:$0x3FB1] =	sst s7  }
0x10: {  	[smem:$0x3FB2] =	sst s8  }
0x11: {  	[smem:$0x3FB3] =	sst s9;
	s0 =	simm.s32 @!p0 $0x0  }
0x12: {  	s1 =	sld [smem:$0x3F99];
	s0 =	simm.s32 @p0 $0x1  }
0x13: {  	[smem:$0x3FB4] =	sst s0;
	s0 =	simm.s32 @!p1 $0x0  }
0x14: {  	s2 =	sld [smem:$0x3F98];
	s0 =	simm.s32 @p1 $0x1  }
0x15: {  	[smem:$0x3FB5] =	sst s0;
	s0 =	simm.s32 @!p2 $0x0  }
0x16: {  	s3 =	sld [smem:$0x3FDB];
	s0 =	simm.s32 @p2 $0x1  }
0x17: {  	s4 =	simm.s32 $0x1BF5;
	[smem:$0x3FB7] =	sst s0  }
0x18: {  	s0 =	sld [smem:$0x3F9A];
	_ =	swait.ge [sflag:s4], $0x0  }
0x19: {  	s7 =	sld [smem:$0x3F9B]  }
0x1a: {  	s8 =	sadd.s32 $0xFFFFE003, lr  }
0x1b: {  	s9 =	sadd.s32 $0xFFFFFEF7, lr;
	s5 =	simm.s32 $0xFFFFFFFF;
	p2 =	slt.u32 s8, $0xFFFFF086  }
0x1c: {  	p1 =	slt.u32 s9, $0xF7A;
	s5 =	simm.s32 @!p2 $0x0  }
0x1d: {  	s5 =	simm.s32 @p1 $0x1;
	p0 =	seq.s32 s7, s2  }
0x1e: {  	s7 =	smul.u32 @!p0 $0xF7A, s2;
	p2 =	seq.s32 @!p0 s5, $0x0  }
0x1f: {  	s9 =	smul.u32 $0xF7A, s1;
	s8 =	simm.s32 @!p0 $0x1BF5;
	p2 =	por !p2, p0  }
0x20: {  	[sflag:s8] =	ssyncset.s32 @!p0 $0xFFFFF086;
	s6 =	sadd.s32 @!p0 s3, s7;
	s7 =	simm.s32 @!p0 $0x108  }
0x21: {  	s3 =	sadd.s32 s3, s9;
	s6 =	sadd.s32 @!p0 $0x88, s6;
	s7 =	simm.s32 @p2 $0x1082  }
0x22: {  	[simem:s7], [sflag:s8] =	dma.local @!p0 [hbm:s6], $0xF7A  }
0x23: {  	s9 =	sor.u32 $0xD0000000, s2;
	s6 =	simm.s32 $0x108;
	_ =	swait.ge @!p0 [sflag:s8], $0x0  }
0x24: {  	s3 =	sadd.s32 $0x88, s3;
	s6 =	simm.s32 @!p1 $0x1082;
	[sflag:s4] =	ssyncset.s32 $0xFFFFF086  }
0x25: {  	[simem:s6], [sflag:s4] =	dma.local [hbm:s3], $0xF7A  }
0x26: {  	[smem:$0x3F9B] =	sst s1;
	(tag) =	ssettag s2;
	_ =	strace s9  }
0x27: {  	s1 =	sld [smem:$0x3FAB]  }
0x28: {  	s2 =	sld [smem:$0x3FAC]  }
0x29: {  	s4 =	sld [smem:$0x3FAE]  }
0x2a: {  	p0 =	seq.s32 s5, $0x0;
	s5 =	sld [smem:$0x3FAF]  }
0x2b: {  	s6 =	sld [smem:$0x3FB0]  }
0x2c: {  	s7 =	sld [smem:$0x3FB1]  }
0x2d: {  	s3 =	simm.s32 $0x108;
	s8 =	sld [smem:$0x3FB2]  }
0x2e: {  	s3 =	simm.s32 @!p0 $0x1082;
	s9 =	sld [smem:$0x3FB3]  }
0x2f: {  	lr =	sadd.s32 s0, s3;
	s0 =	sld [smem:$0x3FAA]  }
0x30: {  	s3 =	sld [smem:$0x3FAD]  }
0x31: {  	[smem:$0x3FB6] =	sst s10  }
0x32: {  	s10 =	sld [smem:$0x3FB4];
	_ =	sdelay $0x3  }
0x33: {  	p0 =	seq.s32 s10, $0x1;
	s10 =	sld [smem:$0x3FB6];
	_ =	sdelay $0x3  }
0x34: {  	[smem:$0x3FB6] =	sst s10  }
0x35: {  	s10 =	sld [smem:$0x3FB5];
	_ =	sdelay $0x3  }
0x36: {  	p1 =	seq.s32 s10, $0x1;
	s10 =	sld [smem:$0x3FB6];
	_ =	sdelay $0x3  }
0x37: {  	[smem:$0x3FB6] =	sst s10  }
0x38: {  	s10 =	sld [smem:$0x3FB7]  }
0x39: {  	_ = 	snop;
	(pc) =	sbr.ind lr, $3  }
0x3a: {  	_ = 	snop  }
0x3b: {  	_ = 	snop  }
0x3c: {  	p2 =	seq.s32 s10, $0x1;
	s10 =	sld [smem:$0x3FB6]  }
0x3d: {  	_ =	shalt  }
0x3e: {  	_ =	shalt  }
0x3f: {  	_ =	shalt  }
0x40: {  	_ =	shalt  }
0x41: {  	_ =	shalt  }
0x42: {  	_ =	shalt  }
0x43: {  	_ =	shalt  }
0x44: {  	_ =	shalt  }
0x45: {  	_ =	shalt  }
0x46: {  	_ =	shalt  }
0x47: {  	_ =	shalt  }
0x48: {  	_ =	shalt  }
0x49: {  	_ =	shalt  }
0x4a: {  	_ =	shalt  }
0x4b: {  	_ =	shalt  }
0x4c: {  	_ =	shalt  }
0x4d: {  	_ =	shalt  }
0x4e: {  	_ =	shalt  }
0x4f: {  	_ =	shalt  }
0x50: {  	_ =	shalt  }
0x51: {  	_ =	shalt  }
0x52: {  	_ =	shalt  }
0x53: {  	_ =	shalt  }
0x54: {  	_ =	shalt  }
0x55: {  	_ =	shalt  }
0x56: {  	_ =	shalt  }
0x57: {  	_ =	shalt  }
0x58: {  	_ =	shalt  }
0x59: {  	_ =	shalt  }
0x5a: {  	_ =	shalt  }
0x5b: {  	_ =	shalt  }
0x5c: {  	_ =	shalt  }
0x5d: {  	_ =	shalt  }
0x5e: {  	_ =	shalt  }
0x5f: {  	_ =	shalt  }
0x60: {  	_ =	shalt  }
0x61: {  	_ =	shalt  }
0x62: {  	_ =	shalt  }
0x63: {  	_ =	shalt  }
0x64: {  	_ =	shalt  }
0x65: {  	_ =	shalt  }
0x66: {  	_ =	shalt  }
0x67: {  	_ =	shalt  }
0x68: {  	_ =	shalt  }
0x69: {  	_ =	shalt  }
0x6a: {  	_ =	shalt  }
0x6b: {  	_ =	shalt  }
0x6c: {  	_ =	shalt  }
0x6d: {  	_ =	shalt  }
0x6e: {  	_ =	shalt  }
0x6f: {  	_ =	shalt  }
0x70: {  	_ =	shalt  }
0x71: {  	_ =	shalt  }
0x72: {  	_ =	shalt  }
0x73: {  	_ =	shalt  }
0x74: {  	_ =	shalt  }
0x75: {  	_ =	shalt  }
0x76: {  	_ =	shalt  }
0x77: {  	_ =	shalt  }
0x78: {  	_ =	shalt  }
0x79: {  	_ =	shalt  }
0x7a: {  	_ =	shalt  }
0x7b: {  	_ =	shalt  }
0x7c: {  	_ =	shalt  }
0x7d: {  	_ =	shalt  }
0x7e: {  	_ =	shalt  }
0x7f: {  	_ =	shalt  }
0x80: {  	_ =	shalt  }
0x81: {  	_ =	shalt  }
0x82: {  	_ =	shalt  }
0x83: {  	_ =	shalt  }
0x84: {  	_ =	shalt  }
0x85: {  	_ =	shalt  }
0x86: {  	_ =	shalt  }
0x87: {  	_ =	shalt  }
.Lfunc_end0:
.L_simem_size_0:
called_computation.2_lowered:
.L_overlay_start_0:
0x88: {  	s2 =	sld [smem:$0x3FD9]  }
0x89: {  	s3 =	sld [smem:$0x3FFE];
	_ =	sdelay $0x1  }
0x8a: {  	s1 =	srdreg.scid  }
0x8b: {  	s0 =	sand.u32 $0x1, s1  }
0x8c: {  	s17 =	sshll.u32 s0, $0xA;
	s2 =	sadd.s32 s3, s2  }
0x8d: {  	s2 =	sadd.s32 s2, s17  }
0x8e: {  	[smem:$0x3FC2] =	sst s2  }
0x8f: {  	_ = 	snop  }
0x90: {  	s2 =	sld [smem:$0x3FD0];
	(tm) =	ssettm $0x1  }
0x91: {  	s18 =	sld [smem:$0x3FFB];
	_ =	sdelay $0x3  }
0x92: {  	_ =	strace s18  }
0x93: {  	s3 =	sld [smem:$0x3FFC];
	_ =	sdelay $0x3  }
0x94: {  	_ =	strace s3  }
0x95: {  	s3 =	sld [smem:$0x3FFD];
	_ =	sdelay $0x3  }
0x96: {  	_ =	strace s3  }
0x97: {  	_ =	strace $0x8FFFFFFF  }
0x98: {  	s19 =	sld [smem:$0x3FDB];
	_ =	sdelay $0x1  }
0x99: {  	s4 =	simm.s32 $_scs_section_size  }
0x9a: {  	s5 =	simm.s32 $_size__tile_overlayer_lowered;
	s6 =	simm.s32 $_tile_overlayer_lowered  }
0x9b: {  	s22 =	simm.s32 $0x1BFF;
	s21 =	sshll.u32 s6, $0x1;
	s3 =	sadd.s32 s4, s19  }
0x9c: {  	s7 =	simm.s32 $0x0;
	s20 =	sshll.u32 s5, $0x1;
	s5 =	sadd.s32 s21, s3  }
0x9d: {  	[timem:s7], [sflag:s22] =	dma.local [hbm:s5], s20  }
0x9e: {  	_ =	swait.ge [sflag:s22], s20  }
0x9f: {  	s4 =	ssub.s32 $0x0, s20;
	[sflag:s22] =	ssyncset.done $0x0  }
0xa0: {  	[sflag:s22] =	ssyncadd.s32 s4;
	_ =	sdelay $0x1  }
0xa1: {  	s23 =	simm.s32 $0x1B8B  }
0xa2: {  	_ =	swait.ge [sflag:s23], $0x1  }
0xa3: {  	[sflag:s23] =	ssyncset.done $0x0  }
0xa4: {  	s25 =	simm.s32 $0x1B8E;
	s24 =	sld [smem:$0x3FFE];
	[sflag:s23] =	ssyncadd.s32 $0xFFFFFFFF  }
0xa5: {  	s26 =	simm.s32 $execute0_lowered;
	[smem:$0x3FD2] =	sst s25  }
0xa6: {  	s5 =	sshll.u32 s26, $0x1;
	_ =	strace $0x8000004C;
	[dreg:$0x1] =	wrdreg $0xFFFFFFFF  }
0xa7: {  	s28 =	simm.s32 $_size_execute0_lowered;
	s3 =	sadd.s32 s3, s5;
	[dreg:$0x0] =	wrdreg $0x0  }
0xa8: {  	s5 =	sshll.u32 s28, $0x1;
	[dreg:$0x2] =	wrdreg s3  }
0xa9: {  	[dreg:$0x3] =	wrdreg s5  }
0xaa: {  	[dreg:$0x4] =	wrdreg $0xC0  }
0xab: {  	_ =	task [dreg:s7], $0x5FFFF  }
0xac: {  	[dreg:$0x1] =	wrdreg $0xFFFFFFFF  }
0xad: {  	[dreg:$0x0] =	wrdreg $0x60  }
0xae: {  	[dreg:$0x2] =	wrdreg s2  }
0xaf: {  	[dreg:$0x3] =	wrdreg s24  }
0xb0: {  	[dreg:$0x4] =	wrdreg $0xB0000  }
0xb1: {  	[dreg:$0x5] =	wrdreg $0x9  }
0xb2: {  	_ =	task.clear_ibuf [dreg:s7], $0x6FFFF;
	_ =	strace $0x9000004C  }
0xb3: {  	s29 =	simm.s32 $0x9;
	_ =	strace $0x8000004E  }
0xb4: {  	_ =	swait.ge [sflag:s29], $0x1  }
0xb5: {  	[sflag:s29] =	ssyncadd.s32 $0xFFFFFFFF  }
0xb6: {  	_ =	strace $0x9000004E  }
0xb7: {  	_ =	sfence  }
0xb8: {  	s30 =	sld [smem:$0x0];
	_ =	sdelay $0x2  }
0xb9: {  	s31 =	sshll.u32 s1, $0xD;
	s1 =	sshrl.u32 s1, $0x2  }
0xba: {  	s3 =	sand.u32 $0x4000, s31;
	s1 =	sadd.s32 s1, s30  }
0xbb: {  	s0 =	sor.u32 s3, s0;
	s1 =	sshll.u32 s1, $0x11  }
0xbc: {  	s0 =	sor.u32 s1, s0  }
0xbd: {  	s0 =	sadd.s32 $0x8F2B, s0  }
0xbe: {  	[sflag:s0] =	ssyncadd.remote.s32 $0x1  }
0xbf: {  	_ =	sfence.sel $0xFFFF  }
0xc0: {  	[dreg:$0x0] =	wrdreg $0xFFFFFFFF;
	(pc) =	sbr.abs _section_cstart, $3  }
0xc1: {  	[dreg:$0x1] =	wrdreg $0xFFFFFFFF  }
0xc2: {  	_ =	task.clear_ibuf [dreg:s7], $0x2FFFF;
	_ =	strace $0x9FFFFFFF  }
0xc3: {  	(tm) =	ssettm $0x7FFFFFFF  }
tec
execute0_lowered:
.L_overlay_start_1:
0x0: {  	(tag) =	ssettag $0x1  }
0x1: {  	s8 =	rddreg [dreg:$0x0];
	s1 =	srdreg.scid  }
0x2: {  	s0 =	stileid.u32;
	s6 =	rddreg [dreg:$0x1]  }
0x3: {  	s2 =	rddreg [dreg:$0x2];
	s3 =	simm.s32 $0x0;
	s15 =	simm.s32 $0x4  }
0x4: {  	s16 =	simm.s32 $0x3;
	s17 =	simm.s32 $0x64;
	s18 =	simm.s32 $0x1400  }
0x5: {  	s19 =	simm.s32 $0x80;
	s20 =	simm.s32 $0x4800;
	s21 =	simm.s32 $0x2  }
0x6: {  	s22 =	simm.s32 $0x1;
	s7 =	sand.u32 $0x1, s1;
	s1 =	rddreg [dreg:$0x3]  }
0x7: {  	s23 =	simm.s32 $0x0;
	s29 =	sshll.u32 s0, $0x1;
	[smem:$0x7FF] =	sst s3  }
0x8: {  	s13 =	smul.u32 $0x50000, s0;
	s5 =	sadd.s32 $0x92A00, s6;
	s4 =	sor.u32 s7, s29  }
0x9: {  	s11 =	ssub.s32 $0x2, s7;
	p0 =	seq.s32 s7, $0x1;
	s7 =	smul.u32 $0x2800, s0  }
0xa: {  	s31 =	sshll.u32 s0, $0x6;
	_ =	strace $0x8000004D;
	s9 =	smul.u32 $0x640, s4  }
.Ltmp0:
0xb: {  	s4 =	sadd.s32 $0x6AA00, s6;
	s12 =	sshrl.u32 s11, $0x1;
	(pc) =	sbr.rel .LBB2_1-.Ltmp0, $4  }
0xc: {  	s30 =	sshrl.u32 s13, $0x2;
	s13 =	simm.s32 $0xA00;
	s11 =	ssub.s32 s11, s12  }
0xd: {  	s14 =	sadd.s32 s30, s2;
	s12 =	sor.u32 $0x1C04, s31;
	s10 =	sadd.s32 s9, s6  }
0xe: {  	s6 =	sadd.s32 $0xBAA00, s6;
	s8 =	sadd.s32 s8, s9;
	s11 =	smax.u32 s11, $0x1  }
0xf: {  	s14 =	sshrl.u32 s14, $0x3;
	s9 =	sadd.s32 $0xE200, s10;
	s10 =	sadd.s32 s4, s7  }
.LBB2_13:
0x10: {  	s24 =	smov.u32 s6  }
.LBB2_14:
0x11: {  	_ =	swait.ge [sflag:s21], $0x3200  }
0x12: {  	[sflag:s21] =	ssyncset.done $0x0  }
0x13: {  	[sflag:s21] =	ssyncadd.s32 $0xFFFFCE00  }
0x14: {  	_ =	swait.ge [sflag:s21], $0x3200  }
0x15: {  	[sflag:s21] =	ssyncset.done $0x0  }
0x16: {  	[sflag:s21] =	ssyncadd.s32 $0xFFFFCE00  }
0x17: {  	_ =	swait.ge [sflag:s21], $0x3200  }
0x18: {  	s23 =	sadd.s32 $0x1, s23;
	[sflag:s21] =	ssyncset.done $0x0  }
0x19: {  	p1 =	sne.s32 s23, s11;
	[sflag:s21] =	ssyncadd.s32 $0xFFFFCE00  }
.Ltmp1:
0x1a: {  	s24 =	sadd.s32 s24, s7;
	[bflag:$0x0] =	sbarrier.arrive $0xFFFF;
	(pc) =	sbr.rel @!p1 .LBB2_15-.Ltmp1, $4  }
0x1b: {  	[hbm:s24], [sflag:s12] =	dma.local [spmem:s14], $0x2800  }
0x1c: {  	_ =	swait.ge [sflag:s15], $0x2800  }
0x1d: {  	[sflag:s15] =	ssyncset.done $0x0  }
0x1e: {  	[sflag:s15] =	ssyncadd.s32 $0xFFFFD800  }
.LBB2_1:
0x1f: {  	[tilespmem:s3], [sflag:$0x3] =	stream.linear.gather [hbm4b:s8+s3], $0x500, $0x38;
	[tilespmem:$0x1F000] =	vst v63  }
0x20: {  	_ = 	snop  }
0x21: {  	[tilespmem:s13], [sflag:$0x3] =	stream.linear.gather [hbm4b:s9+s3], $0x500, $0x38;
	[tilespmem:$0x1F000] =	vst v63  }
0x22: {  	[spmem:s14], [sflag:s12] =	dma.local [hbm:s10], $0x2800  }
0x23: {  	_ =	swait.ge [sflag:s15], $0x2800  }
0x24: {  	[sflag:s15] =	ssyncset.done $0x0  }
0x25: {  	[sflag:s15] =	ssyncadd.s32 $0xFFFFD800  }
0x26: {  	_ =	swait.ge [sflag:s16], $0x500  }
0x27: {  	[sflag:s16] =	ssyncset.done $0x0  }
0x28: {  	[sflag:s16] =	ssyncadd.s32 $0xFFFFFB00  }
0x29: {  	_ =	swait.ge [sflag:s16], $0x500  }
0x2a: {  	[sflag:s16] =	ssyncset.done $0x0  }
.Ltmp2:
0x2b: {  	[sflag:s16] =	ssyncadd.s32 $0xFFFFFB00;
	(pc) =	sbr.rel @p0 .LBB2_8-.Ltmp2, $4  }
.Ltmp3:
0x2c: {  	[bflag:$0x0] =	sbarrier.arrive $0xFFFF;
	(pc) =	sbr.rel @!p0 .LBB2_2-.Ltmp3, $4  }
0x2d: {  	[tilespmem:s18], [sflag:$0x1] =	stream.indirect.gather [hbm4b:s4+s17], $0x80, s3, s17, $0xb8;
	[tilespmem:$0x1F000] =	vst v63  }
0x2e: {  	s24 =	simm.s32 $0x0;
	s25 =	simm.s32 $0x0  }
0x2f: {  	[tilespmem:s20], [sflag:$0x1] =	stream.indirect.gather [hbm4b:s4+s17], $0x80, s19, s17, $0xb8;
	[tilespmem:$0x1F000] =	vst v63  }
0x30: {  	_ = 	snop  }
.LBB2_9:
0x31: {  	s26 =	sadd.s32 $0x1, s26  }
0x32: {  	s28 =	sand.u32 $0x1, s26;
	s26 =	smul.u32 $0xA0, s26  }
0x33: {  	p1 =	seq.s32 s28, $0x1;
	s28 =	simm.s32 $0x500  }
0x34: {  	s28 =	simm.s32 @!p1 $0x0;
	s29 =	sadd.s32 s8, s26  }
0x35: {  	[tilespmem:s28], [sflag:$0x3] =	stream.linear.gather [hbm4b:s29+s3], $0x500, $0x38;
	[tilespmem:$0x1F000] =	vst v63  }
0x36: {  	s26 =	sadd.s32 s9, s26;
	s28 =	sor.u32 $0xA00, s28  }
0x37: {  	[tilespmem:s28], [sflag:$0x3] =	stream.linear.gather [hbm4b:s26+s3], $0x500, $0x38;
	[tilespmem:$0x1F000] =	vst v63  }
.LBB2_11:
0x38: {  	p1 =	seq.s32 s25, $0x0  }
0x39: {  	s26 =	sadd.s32 @!p1 $0x2, s25  }
0x3a: {  	s28 =	smul.u32 @!p1 $0xFFFFFFCD, s26;
	_ =	sdelay $0x1  }
0x3b: {  	s29 =	sand.u32 @!p1 $0xFE, s28  }
0x3c: {  	s26 =	simm.s32 @p1 $0x2;
	s28 =	sshll.u32 @!p1 s28, $0x7;
	s29 =	sshrl.u32 @!p1 s29, $0x1  }
0x3d: {  	s31 =	sand.u32 $0xFF, s26;
	s28 =	sor.u32 @!p1 s28, s29  }
0x3e: {  	s30 =	smul.u32 $0xAB, s31;
	s28 =	sand.u32 @!p1 $0xFF, s28  }
0x3f: {  	p2 =	sgt.u32 @!p1 s28, $0x19;
	s28 =	simm.s32 @!p1 $0x2  }
0x40: {  	s29 =	smul.u32 $0xCD, s31;
	s30 =	sshrl.u32 s30, $0x9;
	_ =	swait.ge @!p1 [sflag:s28], $0x3200  }
0x41: {  	s30 =	smul.u32 $0x3, s30;
	p2 =	por p2, p1;
	[sflag:s28] =	ssyncset.done @!p1 $0x0  }
0x42: {  	[sflag:s28] =	ssyncadd.s32 @!p1 $0xFFFFCE00;
	s28 =	simm.s32 @!p2 $0x3  }
0x43: {  	s29 =	sshrl.u32 s29, $0xC;
	s30 =	ssub.s32 s26, s30;
	_ =	swait.ge @!p2 [sflag:s28], $0x500  }
0x44: {  	s29 =	smul.u32 $0x14, s29;
	s30 =	sand.u32 $0xFF, s30;
	[sflag:s28] =	ssyncset.done @!p2 $0x0  }
0x45: {  	s30 =	smul.u32 $0xD000, s30;
	[sflag:s28] =	ssyncadd.s32 @!p2 $0xFFFFFB00  }
0x46: {  	s26 =	ssub.s32 s26, s29;
	_ =	swait.ge @!p2 [sflag:s28], $0x500  }
0x47: {  	s26 =	sand.u32 $0xFF, s26;
	s30 =	sshrl.u32 s30, $0x2;
	[sflag:s28] =	ssyncset.done @!p2 $0x0  }
0x48: {  	s26 =	sshll.u32 s26, $0x7;
	s31 =	sadd.s32 $0x1400, s30;
	[sflag:s28] =	ssyncadd.s32 @!p2 $0xFFFFFB00  }
0x49: {  	[tilespmem:s31], [sflag:$0x1] =	stream.indirect.gather [hbm4b:s4+s17], $0x80, s26, s17, $0xb8;
	[tilespmem:$0x1F000] =	vst v63  }
.LBB2_12:
0x4a: {  	s26 =	smul.u32 $0xAB, s25;
	_ =	sdelay $0x1  }
0x4b: {  	s26 =	sshrl.u32 s26, $0x9  }
0x4c: {  	s24 =	sshrl.u32 s24, $0xC;
	s26 =	sand.u32 $0x7F, s26  }
0x4d: {  	s24 =	sand.u32 $0xF, s24;
	s26 =	smul.u32 $0x3, s26  }
0x4e: {  	s24 =	smul.u32 $0x14, s24  }
0x4f: {  	s26 =	ssub.s32 s25, s26  }
0x50: {  	s24 =	ssub.s32 s25, s24;
	s25 =	sadd.s32 $0x1, s25;
	s26 =	sand.u32 $0xFF, s26  }
0x51: {  	p1 =	sne.s32 s25, $0x64;
	s26 =	smul.u32 $0xD000, s26  }
.Ltmp4:
0x52: {  	_ = 	snop;
	(pc) =	sbr.rel @!p1 .LBB2_13-.Ltmp4, $4  }
0x53: {  	_ =	swait.ge [sflag:s22], $0x3200;
	s24 =	sand.u32 $0xFF, s24  }
0x54: {  	[sflag:s22] =	ssyncset.done $0x0;
	s24 =	sshll.u32 s24, $0x7;
	s26 =	sshrl.u32 s26, $0x2  }
0x55: {  	[sflag:s22] =	ssyncadd.s32 $0xFFFFCE00;
	s24 =	sadd.s32 $0xA00, s24;
	s26 =	sadd.s32 $0x1400, s26  }
0x56: {  	[spmem:s2] =	stream.indirect.scatter.add.f32 [tilespmem:s26], [sflag:$0x2], $0x80, s24, s17, $0xb8;
	[tilespmem:$0x1F000] =	vst v63  }
.LBB2_8:
0x57: {  	s24 =	smul.u32 $0xCD, s25;
	_ =	sdelay $0x1  }
0x58: {  	s26 =	sshrl.u32 s24, $0xB  }
0x59: {  	s26 =	sand.u32 $0x1F, s26  }
0x5a: {  	s28 =	smul.u32 $0xA, s26;
	_ =	sdelay $0x1  }
0x5b: {  	p1 =	sgt.u32 s25, $0x59;
	s28 =	ssub.s32 s25, s28  }
0x5c: {  	s28 =	sand.u32 @!p1 $0xFF, s28  }
0x5d: {  	p2 =	sne.s32 @!p1 s28, $0x0  }
0x5e: {  	p1 =	por p1, p2  }
.Ltmp5:
0x5f: {  	_ = 	snop;
	(pc) =	sbr.rel @!p1 .LBB2_9-.Ltmp5, $1  }
0x60: {  	_ =	sdelay $0x3  }
0x61: {  	p1 =	sgt.u32 s25, $0x61  }
.Ltmp6:
0x62: {  	_ = 	snop;
	(pc) =	sbr.rel @p1 .LBB2_12-.Ltmp6, $4  }
.Ltmp7:
0x63: {  	_ = 	snop;
	(pc) =	sbr.rel @!p1 .LBB2_11-.Ltmp7, $4  }
0x64: {  	_ = 	snop  }
0x65: {  	_ = 	snop  }
0x66: {  	_ = 	snop  }
0x67: {  	_ = 	snop  }
.LBB2_3:
0x68: {  	s26 =	sadd.s32 $0x1, s26  }
0x69: {  	s28 =	sand.u32 $0x1, s26;
	s26 =	smul.u32 $0xA0, s26  }
0x6a: {  	p1 =	seq.s32 s28, $0x1;
	s28 =	simm.s32 $0x500  }
0x6b: {  	s28 =	simm.s32 @!p1 $0x0;
	s29 =	sadd.s32 s8, s26  }
0x6c: {  	[tilespmem:s28], [sflag:$0x3] =	stream.linear.gather [hbm4b:s29+s3], $0x500, $0x38;
	[tilespmem:$0x1F000] =	vst v63  }
0x6d: {  	s26 =	sadd.s32 s9, s26;
	s28 =	sor.u32 $0xA00, s28  }
0x6e: {  	[tilespmem:s28], [sflag:$0x3] =	stream.linear.gather [hbm4b:s26+s3], $0x500, $0x38;
	[tilespmem:$0x1F000] =	vst v63  }
.LBB2_5:
0x6f: {  	p1 =	seq.s32 s24, $0x0  }
0x70: {  	s26 =	sadd.s32 @!p1 $0x2, s24  }
0x71: {  	s28 =	smul.u32 @!p1 $0xFFFFFFCD, s26;
	_ =	sdelay $0x1  }
0x72: {  	s29 =	sand.u32 @!p1 $0xFE, s28  }
0x73: {  	s26 =	simm.s32 @p1 $0x2;
	s28 =	sshll.u32 @!p1 s28, $0x7;
	s29 =	sshrl.u32 @!p1 s29, $0x1  }
0x74: {  	s31 =	sand.u32 $0xFF, s26;
	s28 =	sor.u32 @!p1 s28, s29  }
0x75: {  	s30 =	smul.u32 $0xAB, s31;
	s28 =	sand.u32 @!p1 $0xFF, s28  }
0x76: {  	p2 =	sgt.u32 @!p1 s28, $0x19;
	s28 =	simm.s32 @!p1 $0x2  }
0x77: {  	s29 =	smul.u32 $0xCD, s31;
	s30 =	sshrl.u32 s30, $0x9;
	_ =	swait.ge @!p1 [sflag:s28], $0x3200  }
0x78: {  	s30 =	smul.u32 $0x3, s30;
	p2 =	por p2, p1;
	[sflag:s28] =	ssyncset.done @!p1 $0x0  }
0x79: {  	[sflag:s28] =	ssyncadd.s32 @!p1 $0xFFFFCE00;
	s28 =	simm.s32 @!p2 $0x3  }
0x7a: {  	s29 =	sshrl.u32 s29, $0xC;
	s30 =	ssub.s32 s26, s30;
	_ =	swait.ge @!p2 [sflag:s28], $0x500  }
0x7b: {  	s29 =	smul.u32 $0x14, s29;
	s30 =	sand.u32 $0xFF, s30;
	[sflag:s28] =	ssyncset.done @!p2 $0x0  }
0x7c: {  	s30 =	smul.u32 $0xD000, s30;
	[sflag:s28] =	ssyncadd.s32 @!p2 $0xFFFFFB00  }
0x7d: {  	s26 =	ssub.s32 s26, s29;
	_ =	swait.ge @!p2 [sflag:s28], $0x500  }
0x7e: {  	s26 =	sand.u32 $0xFF, s26;
	s30 =	sshrl.u32 s30, $0x2;
	[sflag:s28] =	ssyncset.done @!p2 $0x0  }
0x7f: {  	s26 =	sshll.u32 s26, $0x7;
	s31 =	sadd.s32 $0x1400, s30;
	[sflag:s28] =	ssyncadd.s32 @!p2 $0xFFFFFB00  }
0x80: {  	[tilespmem:s31], [sflag:$0x1] =	stream.indirect.gather [hbm4b:s4+s17], $0x80, s26, s17, $0xb8;
	[tilespmem:$0x1F000] =	vst v63  }
.LBB2_6:
0x81: {  	s26 =	smul.u32 $0xAB, s24;
	_ =	sdelay $0x1  }
0x82: {  	s26 =	sshrl.u32 s26, $0x9  }
0x83: {  	s25 =	sshrl.u32 s25, $0xC;
	s26 =	sand.u32 $0x7F, s26  }
0x84: {  	s25 =	sand.u32 $0xF, s25;
	s26 =	smul.u32 $0x3, s26  }
0x85: {  	s25 =	smul.u32 $0x14, s25  }
0x86: {  	s26 =	ssub.s32 s24, s26  }
0x87: {  	s25 =	ssub.s32 s24, s25;
	s24 =	sadd.s32 $0x1, s24;
	s26 =	sand.u32 $0xFF, s26  }
0x88: {  	p1 =	seq.s32 s24, $0x64;
	s26 =	smul.u32 $0xD000, s26  }
.Ltmp8:
0x89: {  	_ = 	snop;
	(pc) =	sbr.rel @p1 .LBB2_7-.Ltmp8, $4  }
0x8a: {  	_ =	swait.ge [sflag:s22], $0x3200;
	s25 =	sand.u32 $0xFF, s25  }
0x8b: {  	[sflag:s22] =	ssyncset.done $0x0;
	s25 =	sshll.u32 s25, $0x7;
	s26 =	sshrl.u32 s26, $0x2  }
0x8c: {  	[sflag:s22] =	ssyncadd.s32 $0xFFFFCE00;
	s25 =	sadd.s32 $0xA00, s25;
	s26 =	sadd.s32 $0x1400, s26  }
0x8d: {  	[spmem:s2] =	stream.indirect.scatter.add.f32 [tilespmem:s26], [sflag:$0x2], $0x80, s25, s17, $0xb8;
	[tilespmem:$0x1F000] =	vst v63  }
.LBB2_2:
0x8e: {  	s25 =	smul.u32 $0xCD, s24;
	_ =	sdelay $0x1  }
0x8f: {  	s26 =	sshrl.u32 s25, $0xB  }
0x90: {  	s26 =	sand.u32 $0x1F, s26  }
0x91: {  	s28 =	smul.u32 $0xA, s26;
	_ =	sdelay $0x1  }
0x92: {  	p1 =	sgt.u32 s24, $0x59;
	s28 =	ssub.s32 s24, s28  }
0x93: {  	s28 =	sand.u32 @!p1 $0xFF, s28  }
0x94: {  	p2 =	sne.s32 @!p1 s28, $0x0  }
0x95: {  	p1 =	por p1, p2  }
.Ltmp9:
0x96: {  	_ = 	snop;
	(pc) =	sbr.rel @!p1 .LBB2_3-.Ltmp9, $1  }
0x97: {  	_ =	sdelay $0x3  }
0x98: {  	p1 =	sgt.u32 s24, $0x61  }
.Ltmp10:
0x99: {  	_ = 	snop;
	(pc) =	sbr.rel @p1 .LBB2_6-.Ltmp10, $4  }
.Ltmp11:
0x9a: {  	_ = 	snop;
	(pc) =	sbr.rel @!p1 .LBB2_5-.Ltmp11, $4  }
0x9b: {  	_ = 	snop  }
0x9c: {  	_ = 	snop  }
0x9d: {  	_ = 	snop  }
0x9e: {  	_ = 	snop  }
.LBB2_7:
.Ltmp12:
0x9f: {  	(pc) =	sbr.rel .LBB2_14-.Ltmp12, $2  }
0xa0: {  	_ =	sdelay $0x2  }
0xa1: {  	s24 =	smov.u32 s5  }
.LBB2_15:
0xa2: {  	_ =	sfence.sel $0x180000  }
0xa3: {  	[bflag:$0x0] =	sbarrier.arrive $0xFFFF  }
0xa4: {  	p0 =	sne.s32 s0, $0x0;
	_ =	strace $0x9000004D  }
0xa5: {  	s0 =	sadd.s32 @!p0 $0x100000, s1;
	[bflag:$0x2] =	sbarrier.arrive $0xFFFF  }
0xa6: {  	[sflag:s0] =	ssyncadd.tile.s32 @!p0 $0x1;
	_ =	shalt  }
.Lfunc_end2:
_tile_overlayer_lowered:
.L_overlay_start_2:
0xa7: {  	(tag) =	ssettag $0x2  }
0xa8: {  	s0 =	rddreg [dreg:$0x0];
	s2 =	stileid.u32  }
0xa9: {  	s1 =	rddreg [dreg:$0x1];
	p0 =	sne.s32 s2, $0x0  }
0xaa: {  	s3 =	rddreg [dreg:$0x2];
	[bflag:$0x3] =	sbarrier.arrive $0xFFFF;
	s2 =	simm.s32 @!p0 $0x1C04  }
0xab: {  	[timem:s3], [sflag:s2] =	dma.local @!p0 [hbm:s0], s1  }
0xac: {  	s0 =	simm.s32 @!p0 $0x4  }
0xad: {  	_ =	swait.ge @!p0 [sflag:s0], s1  }
0xae: {  	s1 =	ssub.s32 @!p0 $0x0, s1;
	[sflag:s0] =	ssyncset.done @!p0 $0x0  }
0xaf: {  	[sflag:s0] =	ssyncadd.s32 @!p0 s1  }
0xb0: {  	[bflag:$0x3] =	sbarrier.arrive $0xFFFF  }
0xb1: {  	_ =	shalt  }

// kernel: kernel.8.cloned.1.call-start
scs
__scs_entry_jumppad:
0x0: {  	(pc) =	sbr.rel $0x88, $3  }
0x1: {  	(tag) =	ssettag $0x0;
	lr =	simm.s32 $0x1  }
0x2: {  	[smem:$0x3F9B] =	sst lr;
	_ =	strace $0xD0000000  }
0x3: {  	_ = 	snop  }
0x4: {  	_ = 	snop  }
0x5: {  	_ = 	snop  }
0x6: {  	_ = 	snop  }
0x7: {  	_ = 	snop  }
__scs_overlays_trampoline_lowered:
0x8: {  	[smem:$0x3FAA] =	sst s0  }
0x9: {  	[smem:$0x3FAB] =	sst s1  }
0xa: {  	[smem:$0x3FAC] =	sst s2  }
0xb: {  	[smem:$0x3FAD] =	sst s3  }
0xc: {  	[smem:$0x3FAE] =	sst s4  }
0xd: {  	[smem:$0x3FAF] =	sst s5  }
0xe: {  	[smem:$0x3FB0] =	sst s6  }
0xf: {  	[smem:$0x3FB1] =	sst s7  }
0x10: {  	[smem:$0x3FB2] =	sst s8  }
0x11: {  	[smem:$0x3FB3] =	sst s9;
	s0 =	simm.s32 @!p0 $0x0  }
0x12: {  	s1 =	sld [smem:$0x3F99];
	s0 =	simm.s32 @p0 $0x1  }
0x13: {  	[smem:$0x3FB4] =	sst s0;
	s0 =	simm.s32 @!p1 $0x0  }
0x14: {  	s2 =	sld [smem:$0x3F98];
	s0 =	simm.s32 @p1 $0x1  }
0x15: {  	[smem:$0x3FB5] =	sst s0;
	s0 =	simm.s32 @!p2 $0x0  }
0x16: {  	s3 =	sld [smem:$0x3FDB];
	s0 =	simm.s32 @p2 $0x1  }
0x17: {  	s4 =	simm.s32 $0x1BF5;
	[smem:$0x3FB7] =	sst s0  }
0x18: {  	s0 =	sld [smem:$0x3F9A];
	_ =	swait.ge [sflag:s4], $0x0  }
0x19: {  	s7 =	sld [smem:$0x3F9B]  }
0x1a: {  	s8 =	sadd.s32 $0xFFFFE003, lr  }
0x1b: {  	s9 =	sadd.s32 $0xFFFFFEF7, lr;
	s5 =	simm.s32 $0xFFFFFFFF;
	p2 =	slt.u32 s8, $0xFFFFF086  }
0x1c: {  	p1 =	slt.u32 s9, $0xF7A;
	s5 =	simm.s32 @!p2 $0x0  }
0x1d: {  	s5 =	simm.s32 @p1 $0x1;
	p0 =	seq.s32 s7, s2  }
0x1e: {  	s7 =	smul.u32 @!p0 $0xF7A, s2;
	p2 =	seq.s32 @!p0 s5, $0x0  }
0x1f: {  	s9 =	smul.u32 $0xF7A, s1;
	s8 =	simm.s32 @!p0 $0x1BF5;
	p2 =	por !p2, p0  }
0x20: {  	[sflag:s8] =	ssyncset.s32 @!p0 $0xFFFFF086;
	s6 =	sadd.s32 @!p0 s3, s7;
	s7 =	simm.s32 @!p0 $0x108  }
0x21: {  	s3 =	sadd.s32 s3, s9;
	s6 =	sadd.s32 @!p0 $0x88, s6;
	s7 =	simm.s32 @p2 $0x1082  }
0x22: {  	[simem:s7], [sflag:s8] =	dma.local @!p0 [hbm:s6], $0xF7A  }
0x23: {  	s9 =	sor.u32 $0xD0000000, s2;
	s6 =	simm.s32 $0x108;
	_ =	swait.ge @!p0 [sflag:s8], $0x0  }
0x24: {  	s3 =	sadd.s32 $0x88, s3;
	s6 =	simm.s32 @!p1 $0x1082;
	[sflag:s4] =	ssyncset.s32 $0xFFFFF086  }
0x25: {  	[simem:s6], [sflag:s4] =	dma.local [hbm:s3], $0xF7A  }
0x26: {  	[smem:$0x3F9B] =	sst s1;
	(tag) =	ssettag s2;
	_ =	strace s9  }
0x27: {  	s1 =	sld [smem:$0x3FAB]  }
0x28: {  	s2 =	sld [smem:$0x3FAC]  }
0x29: {  	s4 =	sld [smem:$0x3FAE]  }
0x2a: {  	p0 =	seq.s32 s5, $0x0;
	s5 =	sld [smem:$0x3FAF]  }
0x2b: {  	s6 =	sld [smem:$0x3FB0]  }
0x2c: {  	s7 =	sld [smem:$0x3FB1]  }
0x2d: {  	s3 =	simm.s32 $0x108;
	s8 =	sld [smem:$0x3FB2]  }
0x2e: {  	s3 =	simm.s32 @!p0 $0x1082;
	s9 =	sld [smem:$0x3FB3]  }
0x2f: {  	lr =	sadd.s32 s0, s3;
	s0 =	sld [smem:$0x3FAA]  }
0x30: {  	s3 =	sld [smem:$0x3FAD]  }
0x31: {  	[smem:$0x3FB6] =	sst s10  }
0x32: {  	s10 =	sld [smem:$0x3FB4];
	_ =	sdelay $0x3  }
0x33: {  	p0 =	seq.s32 s10, $0x1;
	s10 =	sld [smem:$0x3FB6];
	_ =	sdelay $0x3  }
0x34: {  	[smem:$0x3FB6] =	sst s10  }
0x35: {  	s10 =	sld [smem:$0x3FB5];
	_ =	sdelay $0x3  }
0x36: {  	p1 =	seq.s32 s10, $0x1;
	s10 =	sld [smem:$0x3FB6];
	_ =	sdelay $0x3  }
0x37: {  	[smem:$0x3FB6] =	sst s10  }
0x38: {  	s10 =	sld [smem:$0x3FB7]  }
0x39: {  	_ = 	snop;
	(pc) =	sbr.ind lr, $3  }
0x3a: {  	_ = 	snop  }
0x3b: {  	_ = 	snop  }
0x3c: {  	p2 =	seq.s32 s10, $0x1;
	s10 =	sld [smem:$0x3FB6]  }
0x3d: {  	_ =	shalt  }
0x3e: {  	_ =	shalt  }
0x3f: {  	_ =	shalt  }
0x40: {  	_ =	shalt  }
0x41: {  	_ =	shalt  }
0x42: {  	_ =	shalt  }
0x43: {  	_ =	shalt  }
0x44: {  	_ =	shalt  }
0x45: {  	_ =	shalt  }
0x46: {  	_ =	shalt  }
0x47: {  	_ =	shalt  }
0x48: {  	_ =	shalt  }
0x49: {  	_ =	shalt  }
0x4a: {  	_ =	shalt  }
0x4b: {  	_ =	shalt  }
0x4c: {  	_ =	shalt  }
0x4d: {  	_ =	shalt  }
0x4e: {  	_ =	shalt  }
0x4f: {  	_ =	shalt  }
0x50: {  	_ =	shalt  }
0x51: {  	_ =	shalt  }
0x52: {  	_ =	shalt  }
0x53: {  	_ =	shalt  }
0x54: {  	_ =	shalt  }
0x55: {  	_ =	shalt  }
0x56: {  	_ =	shalt  }
0x57: {  	_ =	shalt  }
0x58: {  	_ =	shalt  }
0x59: {  	_ =	shalt  }
0x5a: {  	_ =	shalt  }
0x5b: {  	_ =	shalt  }
0x5c: {  	_ =	shalt  }
0x5d: {  	_ =	shalt  }
0x5e: {  	_ =	shalt  }
0x5f: {  	_ =	shalt  }
0x60: {  	_ =	shalt  }
0x61: {  	_ =	shalt  }
0x62: {  	_ =	shalt  }
0x63: {  	_ =	shalt  }
0x64: {  	_ =	shalt  }
0x65: {  	_ =	shalt  }
0x66: {  	_ =	shalt  }
0x67: {  	_ =	shalt  }
0x68: {  	_ =	shalt  }
0x69: {  	_ =	shalt  }
0x6a: {  	_ =	shalt  }
0x6b: {  	_ =	shalt  }
0x6c: {  	_ =	shalt  }
0x6d: {  	_ =	shalt  }
0x6e: {  	_ =	shalt  }
0x6f: {  	_ =	shalt  }
0x70: {  	_ =	shalt  }
0x71: {  	_ =	shalt  }
0x72: {  	_ =	shalt  }
0x73: {  	_ =	shalt  }
0x74: {  	_ =	shalt  }
0x75: {  	_ =	shalt  }
0x76: {  	_ =	shalt  }
0x77: {  	_ =	shalt  }
0x78: {  	_ =	shalt  }
0x79: {  	_ =	shalt  }
0x7a: {  	_ =	shalt  }
0x7b: {  	_ =	shalt  }
0x7c: {  	_ =	shalt  }
0x7d: {  	_ =	shalt  }
0x7e: {  	_ =	shalt  }
0x7f: {  	_ =	shalt  }
0x80: {  	_ =	shalt  }
0x81: {  	_ =	shalt  }
0x82: {  	_ =	shalt  }
0x83: {  	_ =	shalt  }
0x84: {  	_ =	shalt  }
0x85: {  	_ =	shalt  }
0x86: {  	_ =	shalt  }
0x87: {  	_ =	shalt  }
.Lfunc_end0:
.L_simem_size_0:
called_computation_lowered:
.L_overlay_start_0:
0x88: {  	s2 =	sld [smem:$0x3FD9]  }
0x89: {  	s3 =	sld [smem:$0x3FFE];
	_ =	sdelay $0x1  }
0x8a: {  	s1 =	srdreg.scid  }
0x8b: {  	s0 =	sand.u32 $0x1, s1  }
0x8c: {  	s16 =	sshll.u32 s0, $0xA;
	s2 =	sadd.s32 s3, s2  }
0x8d: {  	s2 =	sadd.s32 s2, s16  }
0x8e: {  	[smem:$0x3FC2] =	sst s2  }
0x8f: {  	_ = 	snop  }
0x90: {  	(tm) =	ssettm $0x1  }
0x91: {  	s17 =	sld [smem:$0x3FFB];
	_ =	sdelay $0x3  }
0x92: {  	_ =	strace s17  }
0x93: {  	s2 =	sld [smem:$0x3FFC];
	_ =	sdelay $0x3  }
0x94: {  	_ =	strace s2  }
0x95: {  	s2 =	sld [smem:$0x3FFD];
	_ =	sdelay $0x3  }
0x96: {  	_ =	strace s2  }
0x97: {  	_ =	strace $0x8FFFFFFF  }
0x98: {  	s18 =	sld [smem:$0x3FDB];
	_ =	sdelay $0x1  }
0x99: {  	s19 =	simm.s32 $_scs_section_size  }
0x9a: {  	s4 =	simm.s32 $_size__tile_overlayer_lowered;
	s5 =	simm.s32 $_tile_overlayer_lowered  }
0x9b: {  	s22 =	simm.s32 $0x1BFF;
	s21 =	sshll.u32 s5, $0x1;
	s2 =	sadd.s32 s19, s18  }
0x9c: {  	s6 =	simm.s32 $0x0;
	s20 =	sshll.u32 s4, $0x1;
	s4 =	sadd.s32 s21, s2  }
0x9d: {  	[timem:s6], [sflag:s22] =	dma.local [hbm:s4], s20  }
0x9e: {  	_ =	swait.ge [sflag:s22], s20  }
0x9f: {  	s3 =	ssub.s32 $0x0, s20;
	[sflag:s22] =	ssyncset.done $0x0  }
0xa0: {  	[sflag:s22] =	ssyncadd.s32 s3;
	_ =	sdelay $0x1  }
0xa1: {  	s23 =	simm.s32 $0x1B8B  }
0xa2: {  	_ =	swait.ge [sflag:s23], $0x1  }
0xa3: {  	[sflag:s23] =	ssyncset.done $0x0  }
0xa4: {  	s25 =	simm.s32 $0x1B8E;
	s24 =	sld [smem:$0x3FFE];
	[sflag:s23] =	ssyncadd.s32 $0xFFFFFFFF  }
0xa5: {  	s26 =	simm.s32 $execute0_lowered;
	[smem:$0x3FD2] =	sst s25  }
0xa6: {  	s4 =	sshll.u32 s26, $0x1;
	_ =	strace $0x80000046;
	[dreg:$0x1] =	wrdreg $0xFFFFFFFF  }
0xa7: {  	s28 =	simm.s32 $_size_execute0_lowered;
	s2 =	sadd.s32 s2, s4;
	[dreg:$0x0] =	wrdreg $0x0  }
0xa8: {  	s4 =	sshll.u32 s28, $0x1;
	[dreg:$0x2] =	wrdreg s2  }
0xa9: {  	[dreg:$0x3] =	wrdreg s4  }
0xaa: {  	[dreg:$0x4] =	wrdreg $0xC0  }
0xab: {  	_ =	task [dreg:s6], $0x5FFFF  }
0xac: {  	[dreg:$0x1] =	wrdreg $0xFFFFFFFF  }
0xad: {  	[dreg:$0x0] =	wrdreg $0x60  }
0xae: {  	[dreg:$0x2] =	wrdreg s24  }
0xaf: {  	[dreg:$0x3] =	wrdreg $0x2B000  }
0xb0: {  	[dreg:$0x4] =	wrdreg $0x9  }
0xb1: {  	_ =	task.clear_ibuf [dreg:s6], $0x5FFFF;
	_ =	strace $0x90000046  }
0xb2: {  	s29 =	simm.s32 $0x9;
	_ =	strace $0x80000048  }
0xb3: {  	_ =	swait.ge [sflag:s29], $0x1  }
0xb4: {  	[sflag:s29] =	ssyncadd.s32 $0xFFFFFFFF  }
0xb5: {  	_ =	strace $0x90000048  }
0xb6: {  	_ =	sfence  }
0xb7: {  	s30 =	sld [smem:$0x0];
	_ =	sdelay $0x2  }
0xb8: {  	s31 =	sshll.u32 s1, $0xD;
	s1 =	sshrl.u32 s1, $0x2  }
0xb9: {  	s3 =	sand.u32 $0x4000, s31;
	s1 =	sadd.s32 s1, s30  }
0xba: {  	s0 =	sor.u32 s3, s0;
	s1 =	sshll.u32 s1, $0x11  }
0xbb: {  	s0 =	sor.u32 s1, s0  }
0xbc: {  	s0 =	sadd.s32 $0x8F2B, s0  }
0xbd: {  	[sflag:s0] =	ssyncadd.remote.s32 $0x1  }
0xbe: {  	_ =	sfence.sel $0xFFFF  }
0xbf: {  	[dreg:$0x0] =	wrdreg $0xFFFFFFFF;
	(pc) =	sbr.abs _section_cstart, $3  }
0xc0: {  	[dreg:$0x1] =	wrdreg $0xFFFFFFFF  }
0xc1: {  	_ =	task.clear_ibuf [dreg:s6], $0x2FFFF;
	_ =	strace $0x9FFFFFFF  }
0xc2: {  	(tm) =	ssettm $0x7FFFFFFF  }
0xc3: {  	_ =	shalt  }
tec
execute0_lowered:
.L_overlay_start_1:
0x0: {  	(tag) =	ssettag $0x1  }
0x1: {  	s5 =	rddreg [dreg:$0x0]  }
0x2: {  	s2 =	rddreg [dreg:$0x1]  }
0x3: {  	s0 =	rddreg [dreg:$0x2]  }
0x4: {  	s4 =	srdreg.scid;
	s1 =	stileid.u32  }
0x5: {  	s3 =	simm.s32 $0x0;
	s10 =	simm.s32 $0xD600;
	s11 =	simm.s32 $0x2800  }
0x6: {  	s12 =	simm.s32 $0x1;
	s15 =	simm.s32 $0x0;
	s4 =	sand.u32 $0x1, s4  }
0x7: {  	s6 =	sshll.u32 s1, $0x1;
	[smem:$0x7FF] =	sst s3;
	s9 =	smul.u32 $0x280, s1  }
0x8: {  	s13 =	sshll.u32 s1, $0x6;
	s6 =	sor.u32 s4, s6;
	s7 =	ssub.s32 $0x2, s4  }
0x9: {  	_ =	strace $0x80000047;
	p0 =	seq.s32 s4, $0x1;
	s13 =	sor.u32 $0x1C02, s13  }
0xa: {  	s6 =	smul.u32 $0x500, s6;
	s8 =	sshrl.u32 s7, $0x1;
	s10 =	simm.s32 @!p0 $0xDC00  }
0xb: {  	s4 =	sadd.s32 s9, s2;
	s30 =	sshrl.u32 s9, $0x3;
	s9 =	simm.s32 $0x2  }
0xc: {  	s7 =	ssub.s32 s7, s8;
	s31 =	sadd.s32 s10, s5;
	s8 =	simm.s32 $0x2880  }
0xd: {  	s10 =	simm.s32 $0x7D;
	s14 =	sshrl.u32 s4, $0x3;
	s6 =	sadd.s32 s6, s5  }
0xe: {  	v0 =	vimm.f32 $1.000000000e+00;
	v1 =	vimm.f32 $0.0e+00;
	s5 =	sadd.s32 $0x3600, s6;
	s6 =	smax.u32 s7, $0x1;
	s7 =	sadd.s32 s31, s30  }
.LBB2_1:
0xf: {  	[tilespmem:$0x2800] =	vst v0  }
0x10: {  	[tilespmem:$0x2810] =	vst v0  }
0x11: {  	[tilespmem:$0x2820] =	vst v0  }
0x12: {  	[tilespmem:$0x2830] =	vst v0  }
0x13: {  	[tilespmem:$0x2840] =	vst v0  }
0x14: {  	[tilespmem:$0x2850] =	vst v0  }
0x15: {  	[tilespmem:$0x2860] =	vst v0  }
0x16: {  	[tilespmem:$0x2870] =	vst v0  }
0x17: {  	[tilespmem:$0x2880] =	vst v1  }
0x18: {  	[tilespmem:$0x2890] =	vst v1  }
0x19: {  	[tilespmem:$0x28A0] =	vst v1  }
0x1a: {  	[tilespmem:$0x28B0] =	vst v1  }
0x1b: {  	[tilespmem:$0x28C0] =	vst v1  }
0x1c: {  	[tilespmem:$0x28D0] =	vst v1  }
0x1d: {  	[tilespmem:$0x28E0] =	vst v1  }
0x1e: {  	[tilespmem:$0x28F0] =	vst v1  }
0x1f: {  	[tilespmem:$0x2900] =	vst v1  }
0x20: {  	[tilespmem:$0x2910] =	vst v1  }
0x21: {  	[tilespmem:$0x2920] =	vst v1  }
0x22: {  	[tilespmem:$0x2930] =	vst v1  }
0x23: {  	[tilespmem:$0x2940] =	vst v1  }
0x24: {  	[tilespmem:$0x2950] =	vst v1  }
0x25: {  	[tilespmem:$0x2960] =	vst v1  }
0x26: {  	[tilespmem:$0x2970] =	vst v1  }
0x27: {  	[tilespmem:$0x2980] =	vst v1  }
0x28: {  	[tilespmem:$0x2990] =	vst v1  }
0x29: {  	[tilespmem:$0x29A0] =	vst v1  }
0x2a: {  	[tilespmem:$0x29B0] =	vst v1  }
0x2b: {  	[tilespmem:$0x29C0] =	vst v1  }
0x2c: {  	[tilespmem:$0x29D0] =	vst v1  }
0x2d: {  	[tilespmem:$0x29E0] =	vst v1  }
0x2e: {  	[tilespmem:$0x29F0] =	vst v1  }
0x2f: {  	[tilespmem:$0x2A00] =	vst v1  }
0x30: {  	[tilespmem:$0x2A10] =	vst v1  }
0x31: {  	[tilespmem:$0x2A20] =	vst v1  }
0x32: {  	[tilespmem:$0x2A30] =	vst v1  }
0x33: {  	[tilespmem:$0x2A40] =	vst v1  }
0x34: {  	[tilespmem:$0x2A50] =	vst v1  }
0x35: {  	[tilespmem:$0x2A60] =	vst v1  }
0x36: {  	[tilespmem:$0x2A70] =	vst v1  }
0x37: {  	[tilespmem:$0x2A80] =	vst v1  }
0x38: {  	[tilespmem:$0x2A90] =	vst v1  }
0x39: {  	[tilespmem:$0x2AA0] =	vst v1  }
0x3a: {  	[tilespmem:$0x2AB0] =	vst v1  }
0x3b: {  	[tilespmem:$0x2AC0] =	vst v1  }
0x3c: {  	[tilespmem:$0x2AD0] =	vst v1  }
0x3d: {  	[tilespmem:$0x2AE0] =	vst v1  }
0x3e: {  	[tilespmem:$0x2AF0] =	vst v1  }
0x3f: {  	[spmem:s4] =	stream.linear.scatter [tilespmem:s8], [sflag:$0x2], $0x280, $0x38;
	[tilespmem:$0x2D80] =	vst v63  }
0x40: {  	_ =	swait.ge [sflag:s9], $0x280  }
0x41: {  	[sflag:s9] =	ssyncset.done $0x0  }
0x42: {  	[sflag:s9] =	ssyncadd.s32 $0xFFFFFD80  }
0x43: {  	[tilespmem:s3], [sflag:$0x2] =	stream.linear.gather [hbm4b:s5+s3], $0x2800, $0x38;
	[tilespmem:$0x2D80] =	vst v63  }
0x44: {  	_ =	swait.ge [sflag:s9], $0x2800  }
0x45: {  	[sflag:s9] =	ssyncset.done $0x0  }
0x46: {  	[sflag:s9] =	ssyncadd.s32 $0xFFFFD800  }
0x47: {  	s16 =	simm.s32 $0x0;
	[bflag:$0x0] =	sbarrier.arrive $0xFFFF  }
.LBB2_2:
0x48: {  	p0 =	sne.s32 s16, $0x9E00  }
.Ltmp0:
0x49: {  	_ = 	snop;
	(pc) =	sbr.rel @p0 .LBB2_2-.Ltmp0, $3  }
0x4a: {  	_ =	sdelay $0x1  }
0x4b: {  	s17 =	sshra.s32 s16, $0x2;
	s16 =	sadd.s32 $0x200, s16  }
0x4c: {  	[spmem:s2] =	stream.indirect.scatter.add.f32 [tilespmem:s11], [sflag:$0x1], $0x1, s17, s10, $0xb8;
	[tilespmem:$0x2D80] =	vst v63  }
0x4d: {  	_ =	swait.ge [sflag:s12], $0x7D  }
0x4e: {  	s16 =	simm.s32 $0x4F;
	[sflag:s12] =	ssyncset.done $0x0  }
.LBB2_4:
0x4f: {  	p0 =	sne.s32 s16, $0x1;
	s16 =	sadd.s32 $0xFFFFFFFF, s16;
	[sflag:s12] =	ssyncadd.s32 $0xFFFFFF83  }
.Ltmp1:
0x50: {  	(pc) =	sbr.rel @p0 .LBB2_4-.Ltmp1, $3  }
0x51: {  	_ =	sdelay $0x1  }
0x52: {  	_ =	swait.ge [sflag:s12], $0x7D  }
0x53: {  	[sflag:s12] =	ssyncset.done $0x0  }
0x54: {  	s15 =	sadd.s32 $0x1, s15  }
0x55: {  	[sflag:s12] =	ssyncadd.s32 $0xFFFFFF83;
	p0 =	sne.s32 s15, s6  }
.Ltmp2:
0x56: {  	[bflag:$0x0] =	sbarrier.arrive $0xFFFF;
	(pc) =	sbr.rel @p0 .LBB2_1-.Ltmp2, $4  }
0x57: {  	[hbm:s7], [sflag:s13] =	dma.local [spmem:s14], $0x50  }
0x58: {  	_ =	swait.ge [sflag:s9], $0x50  }
0x59: {  	[sflag:s9] =	ssyncset.done $0x0  }
0x5a: {  	[sflag:s9] =	ssyncadd.s32 $0xFFFFFFB0  }
0x5b: {  	_ =	sfence.sel $0x180000  }
0x5c: {  	[bflag:$0x0] =	sbarrier.arrive $0xFFFF  }
0x5d: {  	p0 =	sne.s32 s1, $0x0;
	_ =	strace $0x90000047  }
0x5e: {  	s0 =	sadd.s32 @!p0 $0x100000, s0;
	[bflag:$0x2] =	sbarrier.arrive $0xFFFF  }
0x5f: {  	[sflag:s0] =	ssyncadd.tile.s32 @!p0 $0x1;
	_ =	shalt  }
.Lfunc_end2:
_tile_overlayer_lowered:
.L_overlay_start_2:
0x60: {  	(tag) =	ssettag $0x2  }
0x61: {  	s0 =	rddreg [dreg:$0x0];
	s2 =	stileid.u32  }
0x62: {  	s1 =	rddreg [dreg:$0x1];
	p0 =	sne.s32 s2, $0x0  }
0x63: {  	s3 =	rddreg [dreg:$0x2];
	[bflag:$0x3] =	sbarrier.arrive $0xFFFF;
	s2 =	simm.s32 @!p0 $0x1C02  }
0x64: {  	[timem:s3], [sflag:s2] =	dma.local @!p0 [hbm:s0], s1  }
0x65: {  	s0 =	simm.s32 @!p0 $0x2  }
0x66: {  	_ =	swait.ge @!p0 [sflag:s0], s1  }
0x67: {  	s1 =	ssub.s32 @!p0 $0x0, s1;
	[sflag:s0] =	ssyncset.done @!p0 $0x0  }
0x68: {  	[sflag:s0] =	ssyncadd.s32 @!p0 s1  }
0x69: {  	[bflag:$0x3] =	sbarrier.arrive $0xFFFF  }
0x6a: {  	_ =	shalt  }

</sc_bundles>
